<compile_context>
chip_gen: v7x
topology: tpu7x:2x2x1
jax: 0.10.2.dev20260603
libtpu: 0.0.44.dev20260713+nightly
codegen_flags: <defaults>
</compile_context>

<pallas_src>
import functools

import jax
import jax.numpy as jnp
from jax import lax
from jax.experimental import pallas as pl
from jax.experimental.pallas import tpu as pltpu
from jax.experimental.pallas import tpu_sc as plsc

N = 10000
E = 160000
D = 128
DOUT = 256
NC = 2
NS = 16
L = 16

CHUNK = 128
NCHUNKS = E // CHUNK
NFULL = NCHUNKS // NS
EXTRA = NCHUNKS % NS
EPT = E // NS
_SHIFT_UNROLL = next(u for u in (5, 4, 3, 2, 1)
                     if ((NFULL + (1 if EXTRA else 0)) - 2) * CHUNK
                     % (u * 16) == 0)

NPAD = 10240
RPT = NPAD // NS
ZR = 32
TAIL = N - (NS - 1) * RPT

_sc_mesh = plsc.VectorSubcoreMesh(core_axis_name="c", subcore_axis_name="s")


_sc_mesh1 = plsc.VectorSubcoreMesh(core_axis_name="c", subcore_axis_name="s",
                                   num_cores=1)


def _degree_body(off):
    def body(eidx_hbm, out_hbm, ibuf, hist):
        s = lax.axis_index("s")
        base = pl.multiple_of(off + s * EPT, 8)
        pltpu.sync_copy(eidx_hbm.at[pl.ds(base, EPT)], ibuf)

        zeros = jnp.zeros((L,), jnp.float32)

        def zero_body(k, carry):
            hist[pl.ds(k * L, L)] = zeros
            return carry

        lax.fori_loop(0, N // L, zero_body, 0)

        ones = jnp.ones((L,), jnp.float32)
        full = jnp.ones((L,), jnp.bool_)

        def acc_body(k, carry):
            for u in range(5):
                idx = ibuf[pl.ds((k * 5 + u) * L, L)]
                plsc.addupdate_scatter(hist, [idx], ones, mask=full)
            return carry

        lax.fori_loop(0, EPT // (5 * L), acc_body, 0)
        out_base = pl.multiple_of(s * N, 8)
        pltpu.sync_copy(hist, out_hbm.at[pl.ds(out_base, N)])

    return body


def _make_degree(off):
    return pl.kernel(
        _degree_body(off),
        out_type=jax.ShapeDtypeStruct((NS * N,), jnp.float32),
        mesh=_sc_mesh1,
        scratch_types=[
            pltpu.VMEM((EPT,), jnp.int32),
            pltpu.VMEM((N,), jnp.float32),
        ],
        compiler_params=pltpu.CompilerParams(needs_layout_passes=False),
    )


_degree_src = _make_degree(0)
_degree_dst = _make_degree(E)


def _scale_body(x_ref, dp_ref, y_ref):
    deg = jnp.sum(dp_ref[...], axis=1)
    ns = lax.rsqrt(jnp.clip(deg, 1.0, None))
    y_ref[...] = x_ref[...] * ns[:, None]


_BLK = 2000


def _scale_half(x, deg_partials_src):
    return pl.pallas_call(
        _scale_body,
        out_shape=jax.ShapeDtypeStruct((N, D), jnp.float32),
        grid=(N // _BLK,),
        in_specs=[
            pl.BlockSpec((_BLK, D), lambda i: (i, 0)),
            pl.BlockSpec((_BLK, NS), lambda i: (i, 0)),
        ],
        out_specs=pl.BlockSpec((_BLK, D), lambda i: (i, 0)),
    )(x, deg_partials_src)


MAXCH = NFULL + (1 if EXTRA else 0)


@functools.partial(
    pl.kernel,
    out_type=jax.ShapeDtypeStruct((N, D), jnp.float32),
    mesh=_sc_mesh1,
    scratch_types=[
        pltpu.VMEM_SHARED((NPAD, D), jnp.float32),
        pltpu.VMEM((MAXCH * CHUNK,), jnp.int32),
        pltpu.VMEM((CHUNK,), jnp.int32),
        pltpu.VMEM((CHUNK,), jnp.int32),
        pltpu.VMEM((CHUNK, D), jnp.float32),
        pltpu.VMEM((CHUNK, D), jnp.float32),
        pltpu.VMEM((ZR, D), jnp.float32),
        pltpu.SemaphoreType.DMA,
        pltpu.SemaphoreType.DMA,
        pltpu.SemaphoreType.DMA,
        pltpu.SemaphoreType.DMA,
        pltpu.SemaphoreType.DMA,
    ],
)
def _scatter_half(eidx_hbm, y_hbm, out_hbm, acc, bsidx, didx0, didx1,
                  msg0, msg1, zbuf, gsem0, gsem1, dsem0, dsem1, zsem):
    s = lax.axis_index("s")

    ncs = NFULL + jnp.where(s < EXTRA, 1, 0)
    cs = s * NFULL + jnp.minimum(s, EXTRA)

    pltpu.async_copy(
        eidx_hbm.at[pl.ds(pl.multiple_of(cs * CHUNK, 8), MAXCH * CHUNK)],
        bsidx, gsem0)

    zeros = jnp.zeros((L,), jnp.float32)

    def zero_body(k, carry):
        zbuf[k // (D // L), pl.ds((k % (D // L)) * L, L)] = zeros
        return carry

    lax.fori_loop(0, ZR * D // L, zero_body, 0)
    pltpu.make_async_copy(
        eidx_hbm.at[pl.ds(0, MAXCH * CHUNK)], bsidx, gsem0).wait()

    dbase = E + cs * CHUNK

    def fetch(j, didx, msg, gsem, dsem):
        pltpu.async_copy(
            eidx_hbm.at[pl.ds(pl.multiple_of(dbase + j * CHUNK, 8), CHUNK)],
            didx, dsem)
        pltpu.async_copy(
            y_hbm.at[bsidx.at[pl.ds(j * CHUNK, CHUNK)]], msg, gsem)

    def drain(didx, msg, gsem, dsem):
        pltpu.make_async_copy(eidx_hbm.at[pl.ds(0, CHUNK)], didx, dsem).wait()
        pltpu.make_async_copy(y_hbm.at[pl.ds(0, CHUNK), :], msg, gsem).wait()

    fetch(0, didx0, msg0, gsem0, dsem0)
    fetch(1, didx1, msg1, gsem1, dsem1)

    for i in range(RPT // ZR):
        row0 = pl.multiple_of(s * RPT + i * ZR, 8)
        pltpu.async_copy(zbuf, acc.at[pl.ds(row0, ZR), :], zsem)
    for i in range(RPT // ZR):
        pltpu.make_async_copy(zbuf, acc.at[pl.ds(0, ZR), :], zsem).wait()
    plsc.subcore_barrier()

    def body(jj, carry):
        a = 2 * jj

        drain(didx0, msg0, gsem0, dsem0)
        pltpu.sync_copy(msg0, acc.at[didx0], add=True)

        @pl.when(a + 2 < ncs)
        def _():
            fetch(a + 2, didx0, msg0, gsem0, dsem0)

        drain(didx1, msg1, gsem1, dsem1)
        pltpu.sync_copy(msg1, acc.at[didx1], add=True)

        @pl.when(a + 3 < ncs)
        def _():
            fetch(a + 3, didx1, msg1, gsem1, dsem1)

        return carry

    lax.fori_loop(0, NFULL // 2, body, 0)

    @pl.when(ncs % 2 == 1)
    def _():
        drain(didx0, msg0, gsem0, dsem0)
        pltpu.sync_copy(msg0, acc.at[didx0], add=True)

    plsc.subcore_barrier()

    row0 = pl.multiple_of(s * RPT, 8)

    @pl.when(s < NS - 1)
    def _():
        pltpu.sync_copy(acc.at[pl.ds(row0, RPT), :],
                        out_hbm.at[pl.ds(row0, RPT), :])

    @pl.when(s == NS - 1)
    def _():
        pltpu.sync_copy(acc.at[pl.ds(row0, TAIL), :],
                        out_hbm.at[pl.ds(row0, TAIL), :])


def _matmul_body(a0_ref, a1_ref, w_ref, b_ref, dp_ref, o_ref):
    r = jnp.dot(a0_ref[...], w_ref[:D, :], preferred_element_type=jnp.float32)
    r += jnp.dot(a1_ref[...], w_ref[D:, :], preferred_element_type=jnp.float32)
    deg = jnp.sum(dp_ref[...], axis=1)
    nd = lax.rsqrt(jnp.clip(deg, 1.0, None))
    o_ref[...] = r * nd[:, None] + b_ref[...]


def _matmul(agg0, agg1, W, b2, deg_partials_dst):
    return pl.pallas_call(
        _matmul_body,
        out_shape=jax.ShapeDtypeStruct((N, DOUT), jnp.float32),
        grid=(N // _BLK,),
        in_specs=[
            pl.BlockSpec((_BLK, D), lambda i: (i, 0)),
            pl.BlockSpec((_BLK, D), lambda i: (i, 0)),
            pl.BlockSpec((DOUT, DOUT), lambda i: (0, 0)),
            pl.BlockSpec((1, DOUT), lambda i: (0, 0)),
            pl.BlockSpec((_BLK, NS), lambda i: (i, 0)),
        ],
        out_specs=pl.BlockSpec((_BLK, DOUT), lambda i: (i, 0)),
    )(agg0, agg1, W, b2, deg_partials_dst)


def kernel(edge_index, inputs, hidden_state, W, b):
    eix = edge_index.reshape(2 * E)
    dp_src = _degree_src(eix).reshape(NS, N).T
    dp_dst = _degree_dst(eix).reshape(NS, N).T
    y0 = _scale_half(inputs, dp_src)
    agg0 = _scatter_half(eix, y0)
    y1 = _scale_half(hidden_state, dp_src)
    agg1 = _scatter_half(eix, y1)
    return _matmul(agg0, agg1, W, b.reshape(1, DOUT), dp_dst)

# --- scband reference (transcript-rebuilt; emitter-appended) ---
"""Pipeline reference for scband-tgcnlayer-27668179321237 (READ-ONLY COPY).

The authoritative reference and input builder live on the scoring server;
editing this copy changes nothing except your own understanding.
"""

import jax, jax.numpy as jnp
import numpy as np

N = 10000
E = 160000
DIN = 128
DH = 128
DCAT = DIN + DH
DOUT = 256


def setup_inputs(seed: int = 0) -> dict:
    key = jax.random.key(seed)
    k1, k2, k3, k4 = jax.random.split(key, 4)
    edge_index = jax.random.randint(k1, (2, E), 0, N, dtype=jnp.int32)
    inputs = jax.random.normal(k2, (N, DIN), dtype=jnp.float32)
    hidden_state = jax.random.normal(k3, (N, DH), dtype=jnp.float32)
    W = jax.random.normal(k4, (DCAT, DOUT), dtype=jnp.float32) / jnp.sqrt(DCAT)
    b = jnp.zeros((DOUT,), dtype=jnp.float32)
    return {"edge_index": edge_index, "inputs": inputs, "hidden_state": hidden_state, "W": W, "b": b}


def reference(edge_index, inputs, hidden_state, W, b):
    # TGCNLayer.forward: x = cat([inputs, hidden_state], -1); h = GraphConv(g, x)
    # GraphConv (DGL default): norm='both' symmetric normalization, weight, bias.
    x = jnp.concatenate([inputs, hidden_state], axis=-1)
    src = edge_index[0]
    dst = edge_index[1]
    ones = jnp.ones((E,), dtype=jnp.float32)
    deg_out = jax.ops.segment_sum(ones, src, num_segments=N)
    deg_in = jax.ops.segment_sum(ones, dst, num_segments=N)
    norm_src = jax.lax.rsqrt(jnp.clip(deg_out, 1.0, None))
    norm_dst = jax.lax.rsqrt(jnp.clip(deg_in, 1.0, None))
    # in_feats == out_feats: project then aggregate (mathematically identical either order)
    h = (x * norm_src[:, None]) @ W
    msg = jnp.take(h, src, axis=0)
    agg = jax.ops.segment_sum(msg, dst, num_segments=N)
    out = agg * norm_dst[:, None] + b
    return out

if __name__ == "__main__":
    import jax
    _d = setup_inputs()
    print(jax.jit(kernel)(*tuple(_d.values())))

</pallas_src>

<mosaic_0001>
#map = affine_map<(d0, d1) -> (0)>
module attributes {stable_mosaic.version = 14 : i64} {
  func.func @body(%arg0: i32, %arg1: i32, %arg2: memref<320000xi32, #tpu.memory_space<hbm>>, %arg3: memref<160000xf32, #tpu.memory_space<hbm>>, %arg4: memref<10000xi32, #tpu.memory_space<vmem>>, %arg5: memref<10000xf32, #tpu.memory_space<vmem>>) attributes {dimension_semantics = [#tpu.dimension_semantics<core_parallel>, #tpu.dimension_semantics<subcore_parallel>], iteration_bounds = array<i64: 1, 16>, scalar_prefetch = 0 : i64, scratch_operands = 2 : i64, tpu.core_type = #tpu.core_type<sc_vector_subcore>, window_params = [{transform_indices = #map}, {transform_indices = #map}]} {
    %mul3A = arith.constant 10000 : i32
    %mul3A_0 = arith.muli %arg1, %mul3A : i32
    %add3A = arith.constant 0 : i32
    %add3A_1 = arith.addi %add3A, %mul3A_0 : i32
    %multiple_of3A = tpu.assume_multiple %add3A_1, 8 : i32
    "tpu.region"() ({
      %run_scoped3A = tpu.sem_alloc : memref<!tpu.dma_semaphore, #tpu.memory_space<semaphore_mem>>
      %dma_start3A = tpu.memref_slice %arg2[%multiple_of3A] : memref<320000xi32, #tpu.memory_space<hbm>> -> memref<10000xi32, #tpu.memory_space<hbm>>
      %dma_start3A_21 = tpu.memref_slice %arg2[%multiple_of3A] : memref<320000xi32, #tpu.memory_space<hbm>> -> memref<10000xi32, #tpu.memory_space<hbm>>
      tpu.enqueue_dma source(%dma_start3A_21 : memref<10000xi32, #tpu.memory_space<hbm>>) target(%arg4 : memref<10000xi32, #tpu.memory_space<vmem>>) target_semaphore(%run_scoped3A : memref<!tpu.dma_semaphore, #tpu.memory_space<semaphore_mem>>)
      %dma_wait3A = tpu.memref_slice %arg2[%multiple_of3A] : memref<320000xi32, #tpu.memory_space<hbm>> -> memref<10000xi32, #tpu.memory_space<hbm>>
      %dma_wait3A_22 = tpu.memref_slice %arg2[%multiple_of3A] : memref<320000xi32, #tpu.memory_space<hbm>> -> memref<10000xi32, #tpu.memory_space<hbm>>
      tpu.wait_dma2 semaphore(%run_scoped3A : memref<!tpu.dma_semaphore, #tpu.memory_space<semaphore_mem>>) src(%dma_wait3A_22 : memref<10000xi32, #tpu.memory_space<hbm>>) dst(%arg4 : memref<10000xi32, #tpu.memory_space<vmem>>)
      tpu.yield
    }) : () -> ()
    %broadcast_in_dim3A = arith.constant 0.000000e+00 : f32
    %broadcast_in_dim3A_2 = vector.broadcast %broadcast_in_dim3A : f32 to vector<16xf32>
    %scan3A = arith.constant 0 : i32
    %scan3A_3 = arith.constant 0 : i32
    %scan3A_4 = arith.constant 625 : i32
    %scan3A_5 = arith.addi %scan3A_3, %scan3A_4 : i32
    %scan3A_6 = arith.constant 1 : i32
    scf.for %scan3A_21 = %scan3A_3 to %scan3A_5 step %scan3A_6  : i32 {
      %mul3A_22 = arith.constant 16 : i32
      %mul3A_23 = arith.muli %scan3A_21, %mul3A_22 : i32
      %swap3A = arith.index_cast %mul3A_23 : i32 to index
      %swap3A_24 = tpu.vector_load %arg5[%swap3A] {strides = array<i32>} : memref<10000xf32, #tpu.memory_space<vmem>>, vector<16xf32>,
      tpu.vector_store %arg5[%swap3A], %broadcast_in_dim3A_2 {strides = array<i32>} : memref<10000xf32, #tpu.memory_space<vmem>>, vector<16xf32>,
    }
    %scan3A_7 = arith.constant 625 : i32
    %broadcast_in_dim3A_8 = arith.constant 1.000000e+00 : f32
    %broadcast_in_dim3A_9 = vector.broadcast %broadcast_in_dim3A_8 : f32 to vector<16xf32>
    %broadcast_in_dim3A_10 = arith.constant true
    %broadcast_in_dim3A_11 = vector.broadcast %broadcast_in_dim3A_10 : i1 to vector<16xi1>
    %scan3A_12 = arith.constant 0 : i32
    %scan3A_13 = arith.constant 0 : i32
    %scan3A_14 = arith.constant 125 : i32
    %scan3A_15 = arith.addi %scan3A_13, %scan3A_14 : i32
    %scan3A_16 = arith.constant 1 : i32
    scf.for %scan3A_21 = %scan3A_13 to %scan3A_15 step %scan3A_16  : i32 {
      %mul3A_22 = arith.constant 5 : i32
      %mul3A_23 = arith.muli %scan3A_21, %mul3A_22 : i32
      %add3A_24 = arith.constant 0 : i32
      %add3A_25 = arith.addi %mul3A_23, %add3A_24 : i32
      %mul3A_26 = arith.constant 16 : i32
      %mul3A_27 = arith.muli %add3A_25, %mul3A_26 : i32
      %get3A = arith.index_cast %mul3A_27 : i32 to index
      %get3A_28 = tpu.vector_load %arg4[%get3A] {strides = array<i32>} : memref<10000xi32, #tpu.memory_space<vmem>>, vector<16xi32>,
      tpu.vector_store_idx %arg5[%get3A_28], %broadcast_in_dim3A_9 masked %broadcast_in_dim3A_11 {add = true} : memref<10000xf32, #tpu.memory_space<vmem>>[vector<16xi32>], vector<16xf32>, vector<16xi1>
      %mul3A_29 = arith.constant 5 : i32
      %mul3A_30 = arith.muli %scan3A_21, %mul3A_29 : i32
      %add3A_31 = arith.constant 1 : i32
      %add3A_32 = arith.addi %mul3A_30, %add3A_31 : i32
      %mul3A_33 = arith.constant 16 : i32
      %mul3A_34 = arith.muli %add3A_32, %mul3A_33 : i32
      %get3A_35 = arith.index_cast %mul3A_34 : i32 to index
      %get3A_36 = tpu.vector_load %arg4[%get3A_35] {strides = array<i32>} : memref<10000xi32, #tpu.memory_space<vmem>>, vector<16xi32>,
      tpu.vector_store_idx %arg5[%get3A_36], %broadcast_in_dim3A_9 masked %broadcast_in_dim3A_11 {add = true} : memref<10000xf32, #tpu.memory_space<vmem>>[vector<16xi32>], vector<16xf32>, vector<16xi1>
      %mul3A_37 = arith.constant 5 : i32
      %mul3A_38 = arith.muli %scan3A_21, %mul3A_37 : i32
      %add3A_39 = arith.constant 2 : i32
      %add3A_40 = arith.addi %mul3A_38, %add3A_39 : i32
      %mul3A_41 = arith.constant 16 : i32
      %mul3A_42 = arith.muli %add3A_40, %mul3A_41 : i32
      %get3A_43 = arith.index_cast %mul3A_42 : i32 to index
      %get3A_44 = tpu.vector_load %arg4[%get3A_43] {strides = array<i32>} : memref<10000xi32, #tpu.memory_space<vmem>>, vector<16xi32>,
      tpu.vector_store_idx %arg5[%get3A_44], %broadcast_in_dim3A_9 masked %broadcast_in_dim3A_11 {add = true} : memref<10000xf32, #tpu.memory_space<vmem>>[vector<16xi32>], vector<16xf32>, vector<16xi1>
      %mul3A_45 = arith.constant 5 : i32
      %mul3A_46 = arith.muli %scan3A_21, %mul3A_45 : i32
      %add3A_47 = arith.constant 3 : i32
      %add3A_48 = arith.addi %mul3A_46, %add3A_47 : i32
      %mul3A_49 = arith.constant 16 : i32
      %mul3A_50 = arith.muli %add3A_48, %mul3A_49 : i32
      %get3A_51 = arith.index_cast %mul3A_50 : i32 to index
      %get3A_52 = tpu.vector_load %arg4[%get3A_51] {strides = array<i32>} : memref<10000xi32, #tpu.memory_space<vmem>>, vector<16xi32>,
      tpu.vector_store_idx %arg5[%get3A_52], %broadcast_in_dim3A_9 masked %broadcast_in_dim3A_11 {add = true} : memref<10000xf32, #tpu.memory_space<vmem>>[vector<16xi32>], vector<16xf32>, vector<16xi1>
      %mul3A_53 = arith.constant 5 : i32
      %mul3A_54 = arith.muli %scan3A_21, %mul3A_53 : i32
      %add3A_55 = arith.constant 4 : i32
      %add3A_56 = arith.addi %mul3A_54, %add3A_55 : i32
      %mul3A_57 = arith.constant 16 : i32
      %mul3A_58 = arith.muli %add3A_56, %mul3A_57 : i32
      %get3A_59 = arith.index_cast %mul3A_58 : i32 to index
      %get3A_60 = tpu.vector_load %arg4[%get3A_59] {strides = array<i32>} : memref<10000xi32, #tpu.memory_space<vmem>>, vector<16xi32>,
      tpu.vector_store_idx %arg5[%get3A_60], %broadcast_in_dim3A_9 masked %broadcast_in_dim3A_11 {add = true} : memref<10000xf32, #tpu.memory_space<vmem>>[vector<16xi32>], vector<16xf32>, vector<16xi1>
    }
    %scan3A_17 = arith.constant 125 : i32
    %mul3A_18 = arith.constant 10000 : i32
    %mul3A_19 = arith.muli %arg1, %mul3A_18 : i32
    %multiple_of3A_20 = tpu.assume_multiple %mul3A_19, 8 : i32
    "tpu.region"() ({
      %run_scoped3A = tpu.sem_alloc : memref<!tpu.dma_semaphore, #tpu.memory_space<semaphore_mem>>
      %dma_start3A = tpu.memref_slice %arg3[%multiple_of3A_20] : memref<160000xf32, #tpu.memory_space<hbm>> -> memref<10000xf32, #tpu.memory_space<hbm>>
      %dma_start3A_21 = tpu.memref_slice %arg3[%multiple_of3A_20] : memref<160000xf32, #tpu.memory_space<hbm>> -> memref<10000xf32, #tpu.memory_space<hbm>>
      tpu.enqueue_dma source(%arg5 : memref<10000xf32, #tpu.memory_space<vmem>>) target(%dma_start3A_21 : memref<10000xf32, #tpu.memory_space<hbm>>) target_semaphore(%run_scoped3A : memref<!tpu.dma_semaphore, #tpu.memory_space<semaphore_mem>>)
      %dma_wait3A = tpu.memref_slice %arg3[%multiple_of3A_20] : memref<160000xf32, #tpu.memory_space<hbm>> -> memref<10000xf32, #tpu.memory_space<hbm>>
      %dma_wait3A_22 = tpu.memref_slice %arg3[%multiple_of3A_20] : memref<160000xf32, #tpu.memory_space<hbm>> -> memref<10000xf32, #tpu.memory_space<hbm>>
      tpu.wait_dma2 semaphore(%run_scoped3A : memref<!tpu.dma_semaphore, #tpu.memory_space<semaphore_mem>>) src(%arg5 : memref<10000xf32, #tpu.memory_space<vmem>>) dst(%dma_wait3A_22 : memref<10000xf32, #tpu.memory_space<hbm>>)
      tpu.yield
    }) : () -> ()
    return
  }
}

#map = affine_map<(d0, d1) -> (0)>
#map1 = affine_map<(d0, d1) -> (0, 0)>
module attributes {stable_mosaic.version = 14 : i64} {
  func.func @_scatter_half(%arg0: i32, %arg1: i32, %arg2: memref<320000xi32, #tpu.memory_space<hbm>>, %arg3: memref<10000x128xf32, #tpu.memory_space<hbm>>, %arg4: memref<10000x128xf32, #tpu.memory_space<hbm>>, %arg5: memref<10240x128xf32, #tpu.memory_space<vmem_shared>>, %arg6: memref<10112xi32, #tpu.memory_space<vmem>>, %arg7: memref<128xi32, #tpu.memory_space<vmem>>, %arg8: memref<128xi32, #tpu.memory_space<vmem>>, %arg9: memref<128x128xf32, #tpu.memory_space<vmem>>, %arg10: memref<128x128xf32, #tpu.memory_space<vmem>>, %arg11: memref<32x128xf32, #tpu.memory_space<vmem>>, %arg12: memref<!tpu.dma_semaphore, #tpu.memory_space<semaphore_mem>>, %arg13: memref<!tpu.dma_semaphore, #tpu.memory_space<semaphore_mem>>, %arg14: memref<!tpu.dma_semaphore, #tpu.memory_space<semaphore_mem>>, %arg15: memref<!tpu.dma_semaphore, #tpu.memory_space<semaphore_mem>>, %arg16: memref<!tpu.dma_semaphore, #tpu.memory_space<semaphore_mem>>) attributes {dimension_semantics = [#tpu.dimension_semantics<core_parallel>, #tpu.dimension_semantics<subcore_parallel>], iteration_bounds = array<i64: 1, 16>, scalar_prefetch = 0 : i64, scratch_operands = 12 : i64, tpu.core_type = #tpu.core_type<sc_vector_subcore>, window_params = [{transform_indices = #map}, {transform_indices = #map1}, {transform_indices = #map1}]} {
    %lt3A = arith.constant 2 : i32
    %lt3A_0 = arith.cmpi slt, %arg1, %lt3A : i32
    %jit3A = arith.constant 1 : i32
    %jit3A_1 = arith.constant 0 : i32
    %select_n3A = arith.select %lt3A_0, %jit3A, %jit3A_1 : i32
    %add3A = arith.constant 78 : i32
    %add3A_2 = arith.addi %add3A, %select_n3A : i32
    %mul3A = arith.constant 78 : i32
    %mul3A_3 = arith.muli %arg1, %mul3A : i32
    %min3A = arith.constant 2 : i32
    %min3A_4 = arith.minsi %arg1, %min3A : i32
    %add3A_5 = arith.addi %mul3A_3, %min3A_4 : i32
    %mul3A_6 = arith.constant 128 : i32
    %mul3A_7 = arith.muli %add3A_5, %mul3A_6 : i32
    %multiple_of3A = tpu.assume_multiple %mul3A_7, 8 : i32
    %dma_start3A = tpu.memref_slice %arg2[%multiple_of3A] : memref<320000xi32, #tpu.memory_space<hbm>> -> memref<10112xi32, #tpu.memory_space<hbm>>
    %dma_start3A_8 = tpu.memref_slice %arg2[%multiple_of3A] : memref<320000xi32, #tpu.memory_space<hbm>> -> memref<10112xi32, #tpu.memory_space<hbm>>
    tpu.enqueue_dma source(%dma_start3A_8 : memref<10112xi32, #tpu.memory_space<hbm>>) target(%arg6 : memref<10112xi32, #tpu.memory_space<vmem>>) target_semaphore(%arg12 : memref<!tpu.dma_semaphore, #tpu.memory_space<semaphore_mem>>)
    %broadcast_in_dim3A = arith.constant 0.000000e+00 : f32
    %broadcast_in_dim3A_9 = vector.broadcast %broadcast_in_dim3A : f32 to vector<16xf32>
    %scan3A = arith.constant 0 : i32
    %scan3A_10 = arith.constant 0 : i32
    %scan3A_11 = arith.constant 256 : i32
    %scan3A_12 = arith.addi %scan3A_10, %scan3A_11 : i32
    %scan3A_13 = arith.constant 1 : i32
    scf.for %scan3A_377 = %scan3A_10 to %scan3A_12 step %scan3A_13  : i32 {
      %jit3A_378 = arith.constant 8 : i32
      %div3A = arith.divsi %scan3A_377, %jit3A_378 : i32
      %sign3A = arith.constant 0 : i32
      %sign3A_379 = arith.cmpi sgt, %scan3A_377, %sign3A : i32
      %sign3A_380 = arith.extui %sign3A_379 : i1 to i32
      %sign3A_381 = arith.constant 0 : i32
      %sign3A_382 = arith.cmpi slt, %scan3A_377, %sign3A_381 : i32
      %sign3A_383 = arith.extui %sign3A_382 : i1 to i32
      %sign3A_384 = arith.subi %sign3A_380, %sign3A_383 : i32
      %sign3A_385 = arith.constant 0 : i32
      %sign3A_386 = arith.cmpi sgt, %jit3A_378, %sign3A_385 : i32
      %sign3A_387 = arith.extui %sign3A_386 : i1 to i32
      %sign3A_388 = arith.constant 0 : i32
      %sign3A_389 = arith.cmpi slt, %jit3A_378, %sign3A_388 : i32
      %sign3A_390 = arith.extui %sign3A_389 : i1 to i32
      %sign3A_391 = arith.subi %sign3A_387, %sign3A_390 : i32
      %ne3A_392 = arith.cmpi ne, %sign3A_384, %sign3A_391 : i32
      %rem3A_393 = arith.remsi %scan3A_377, %jit3A_378 : i32
      %ne3A_394 = arith.constant 0 : i32
      %ne3A_395 = arith.cmpi ne, %rem3A_393, %ne3A_394 : i32
      %and3A_396 = arith.andi %ne3A_392, %ne3A_395 : i1
      %sub3A = arith.constant 1 : i32
      %sub3A_397 = arith.subi %div3A, %sub3A : i32
      %select_n3A_398 = arith.select %and3A_396, %sub3A_397, %div3A : i32
      %jit3A_399 = arith.constant 8 : i32
      %eq3A_400 = arith.constant 0 : i32
      %eq3A_401 = arith.cmpi eq, %jit3A_399, %eq3A_400 : i32
      %jit3A_402 = arith.constant 1 : i32
      %select_n3A_403 = arith.select %eq3A_401, %jit3A_402, %jit3A_399 : i32
      %rem3A_404 = arith.remsi %scan3A_377, %select_n3A_403 : i32
      %ne3A_405 = arith.constant 0 : i32
      %ne3A_406 = arith.cmpi ne, %rem3A_404, %ne3A_405 : i32
      %lt3A_407 = arith.constant 0 : i32
      %lt3A_408 = arith.cmpi slt, %rem3A_404, %lt3A_407 : i32
      %lt3A_409 = arith.constant 0 : i32
      %lt3A_410 = arith.cmpi slt, %select_n3A_403, %lt3A_409 : i32
      %ne3A_411 = arith.xori %lt3A_408, %lt3A_410 : i1
      %and3A_412 = arith.andi %ne3A_411, %ne3A_406 : i1
      %add3A_413 = arith.addi %rem3A_404, %select_n3A_403 : i32
      %select_n3A_414 = arith.select %and3A_412, %add3A_413, %rem3A_404 : i32
      %mul3A_415 = arith.constant 16 : i32
      %mul3A_416 = arith.muli %select_n3A_414, %mul3A_415 : i32
      %swap3A = arith.index_cast %select_n3A_398 : i32 to index
      %swap3A_417 = arith.index_cast %mul3A_416 : i32 to index
      %swap3A_418 = tpu.vector_load %arg11[%swap3A, %swap3A_417] {strides = array<i32>} : memref<32x128xf32, #tpu.memory_space<vmem>>, vector<1x16xf32>,
      %swap3A_419 = vector.shape_cast %swap3A_418 : vector<1x16xf32> to vector<16xf32>
      %swap3A_420 = vector.shape_cast %broadcast_in_dim3A_9 : vector<16xf32> to vector<1x16xf32>
      tpu.vector_store %arg11[%swap3A, %swap3A_417], %swap3A_420 {strides = array<i32>} : memref<32x128xf32, #tpu.memory_space<vmem>>, vector<1x16xf32>,
    }
    %scan3A_14 = arith.constant 256 : i32
    %dma_wait3A = arith.constant 0 : i32
    %dma_wait3A_15 = tpu.memref_slice %arg2[%dma_wait3A] : memref<320000xi32, #tpu.memory_space<hbm>> -> memref<10112xi32, #tpu.memory_space<hbm>>
    %dma_wait3A_16 = arith.constant 0 : i32
    %dma_wait3A_17 = tpu.memref_slice %arg2[%dma_wait3A_16] : memref<320000xi32, #tpu.memory_space<hbm>> -> memref<10112xi32, #tpu.memory_space<hbm>>
    tpu.wait_dma2 semaphore(%arg12 : memref<!tpu.dma_semaphore, #tpu.memory_space<semaphore_mem>>) src(%dma_wait3A_17 : memref<10112xi32, #tpu.memory_space<hbm>>) dst(%arg6 : memref<10112xi32, #tpu.memory_space<vmem>>)
    %mul3A_18 = arith.constant 128 : i32
    %mul3A_19 = arith.muli %add3A_5, %mul3A_18 : i32
    %add3A_20 = arith.constant 160000 : i32
    %add3A_21 = arith.addi %add3A_20, %mul3A_19 : i32
    %add3A_22 = arith.constant 0 : i32
    %add3A_23 = arith.addi %add3A_21, %add3A_22 : i32
    %multiple_of3A_24 = tpu.assume_multiple %add3A_23, 8 : i32
    %dma_start3A_25 = tpu.memref_slice %arg2[%multiple_of3A_24] : memref<320000xi32, #tpu.memory_space<hbm>> -> memref<128xi32, #tpu.memory_space<hbm>>
    %dma_start3A_26 = tpu.memref_slice %arg2[%multiple_of3A_24] : memref<320000xi32, #tpu.memory_space<hbm>> -> memref<128xi32, #tpu.memory_space<hbm>>
    tpu.enqueue_dma source(%dma_start3A_26 : memref<128xi32, #tpu.memory_space<hbm>>) target(%arg7 : memref<128xi32, #tpu.memory_space<vmem>>) target_semaphore(%arg14 : memref<!tpu.dma_semaphore, #tpu.memory_space<semaphore_mem>>)
    %dma_start3A_27 = arith.constant 0 : i32
    %dma_start3A_28 = tpu.memref_slice %arg6[%dma_start3A_27] : memref<10112xi32, #tpu.memory_space<vmem>> -> memref<128xi32, #tpu.memory_space<vmem>>
    %dma_start3A_29 = arith.constant 0 : i32
    %dma_start3A_30 = arith.constant 0 : i32
    %dma_start3A_31 = tpu.memref_slice %arg3[%dma_start3A_29, %dma_start3A_30] : memref<10000x128xf32, #tpu.memory_space<hbm>> -> memref<10000x128xf32, #tpu.memory_space<hbm>>
    tpu.enqueue_indirect_dma source(%dma_start3A_31 : memref<10000x128xf32, #tpu.memory_space<hbm>>) target(%arg9 : memref<128x128xf32, #tpu.memory_space<vmem>>) offsets(%dma_start3A_28 : memref<128xi32, #tpu.memory_space<vmem>>) semaphore(%arg12 : memref<!tpu.dma_semaphore, #tpu.memory_space<semaphore_mem>>)
    %add3A_32 = arith.constant 128 : i32
    %add3A_33 = arith.addi %add3A_21, %add3A_32 : i32
    %multiple_of3A_34 = tpu.assume_multiple %add3A_33, 8 : i32
    %dma_start3A_35 = tpu.memref_slice %arg2[%multiple_of3A_34] : memref<320000xi32, #tpu.memory_space<hbm>> -> memref<128xi32, #tpu.memory_space<hbm>>
    %dma_start3A_36 = tpu.memref_slice %arg2[%multiple_of3A_34] : memref<320000xi32, #tpu.memory_space<hbm>> -> memref<128xi32, #tpu.memory_space<hbm>>
    tpu.enqueue_dma source(%dma_start3A_36 : memref<128xi32, #tpu.memory_space<hbm>>) target(%arg8 : memref<128xi32, #tpu.memory_space<vmem>>) target_semaphore(%arg15 : memref<!tpu.dma_semaphore, #tpu.memory_space<semaphore_mem>>)
    %dma_start3A_37 = arith.constant 128 : i32
    %dma_start3A_38 = tpu.memref_slice %arg6[%dma_start3A_37] : memref<10112xi32, #tpu.memory_space<vmem>> -> memref<128xi32, #tpu.memory_space<vmem>>
    %dma_start3A_39 = arith.constant 0 : i32
    %dma_start3A_40 = arith.constant 0 : i32
    %dma_start3A_41 = tpu.memref_slice %arg3[%dma_start3A_39, %dma_start3A_40] : memref<10000x128xf32, #tpu.memory_space<hbm>> -> memref<10000x128xf32, #tpu.memory_space<hbm>>
    tpu.enqueue_indirect_dma source(%dma_start3A_41 : memref<10000x128xf32, #tpu.memory_space<hbm>>) target(%arg10 : memref<128x128xf32, #tpu.memory_space<vmem>>) offsets(%dma_start3A_38 : memref<128xi32, #tpu.memory_space<vmem>>) semaphore(%arg13 : memref<!tpu.dma_semaphore, #tpu.memory_space<semaphore_mem>>)
    %mul3A_42 = arith.constant 640 : i32
    %mul3A_43 = arith.muli %arg1, %mul3A_42 : i32
    %add3A_44 = arith.constant 0 : i32
    %add3A_45 = arith.addi %mul3A_43, %add3A_44 : i32
    %multiple_of3A_46 = tpu.assume_multiple %add3A_45, 8 : i32
    %dma_start3A_47 = arith.constant 0 : i32
    %dma_start3A_48 = tpu.memref_slice %arg5[%multiple_of3A_46, %dma_start3A_47] : memref<10240x128xf32, #tpu.memory_space<vmem_shared>> -> memref<32x128xf32, #tpu.memory_space<vmem_shared>>
    %dma_start3A_49 = arith.constant 0 : i32
    %dma_start3A_50 = tpu.memref_slice %arg5[%multiple_of3A_46, %dma_start3A_49] : memref<10240x128xf32, #tpu.memory_space<vmem_shared>> -> memref<32x128xf32, #tpu.memory_space<vmem_shared>>
    tpu.enqueue_dma source(%arg11 : memref<32x128xf32, #tpu.memory_space<vmem>>) target(%dma_start3A_50 : memref<32x128xf32, #tpu.memory_space<vmem_shared>>) target_semaphore(%arg16 : memref<!tpu.dma_semaphore, #tpu.memory_space<semaphore_mem>>)
    %mul3A_51 = arith.constant 640 : i32
    %mul3A_52 = arith.muli %arg1, %mul3A_51 : i32
    %add3A_53 = arith.constant 32 : i32
    %add3A_54 = arith.addi %mul3A_52, %add3A_53 : i32
    %multiple_of3A_55 = tpu.assume_multiple %add3A_54, 8 : i32
    %dma_start3A_56 = arith.constant 0 : i32
    %dma_start3A_57 = tpu.memref_slice %arg5[%multiple_of3A_55, %dma_start3A_56] : memref<10240x128xf32, #tpu.memory_space<vmem_shared>> -> memref<32x128xf32, #tpu.memory_space<vmem_shared>>
    %dma_start3A_58 = arith.constant 0 : i32
    %dma_start3A_59 = tpu.memref_slice %arg5[%multiple_of3A_55, %dma_start3A_58] : memref<10240x128xf32, #tpu.memory_space<vmem_shared>> -> memref<32x128xf32, #tpu.memory_space<vmem_shared>>
    tpu.enqueue_dma source(%arg11 : memref<32x128xf32, #tpu.memory_space<vmem>>) target(%dma_start3A_59 : memref<32x128xf32, #tpu.memory_space<vmem_shared>>) target_semaphore(%arg16 : memref<!tpu.dma_semaphore, #tpu.memory_space<semaphore_mem>>)
    %mul3A_60 = arith.constant 640 : i32
    %mul3A_61 = arith.muli %arg1, %mul3A_60 : i32
    %add3A_62 = arith.constant 64 : i32
    %add3A_63 = arith.addi %mul3A_61, %add3A_62 : i32
    %multiple_of3A_64 = tpu.assume_multiple %add3A_63, 8 : i32
    %dma_start3A_65 = arith.constant 0 : i32
    %dma_start3A_66 = tpu.memref_slice %arg5[%multiple_of3A_64, %dma_start3A_65] : memref<10240x128xf32, #tpu.memory_space<vmem_shared>> -> memref<32x128xf32, #tpu.memory_space<vmem_shared>>
    %dma_start3A_67 = arith.constant 0 : i32
    %dma_start3A_68 = tpu.memref_slice %arg5[%multiple_of3A_64, %dma_start3A_67] : memref<10240x128xf32, #tpu.memory_space<vmem_shared>> -> memref<32x128xf32, #tpu.memory_space<vmem_shared>>
    tpu.enqueue_dma source(%arg11 : memref<32x128xf32, #tpu.memory_space<vmem>>) target(%dma_start3A_68 : memref<32x128xf32, #tpu.memory_space<vmem_shared>>) target_semaphore(%arg16 : memref<!tpu.dma_semaphore, #tpu.memory_space<semaphore_mem>>)
    %mul3A_69 = arith.constant 640 : i32
    %mul3A_70 = arith.muli %arg1, %mul3A_69 : i32
    %add3A_71 = arith.constant 96 : i32
    %add3A_72 = arith.addi %mul3A_70, %add3A_71 : i32
    %multiple_of3A_73 = tpu.assume_multiple %add3A_72, 8 : i32
    %dma_start3A_74 = arith.constant 0 : i32
    %dma_start3A_75 = tpu.memref_slice %arg5[%multiple_of3A_73, %dma_start3A_74] : memref<10240x128xf32, #tpu.memory_space<vmem_shared>> -> memref<32x128xf32, #tpu.memory_space<vmem_shared>>
    %dma_start3A_76 = arith.constant 0 : i32
    %dma_start3A_77 = tpu.memref_slice %arg5[%multiple_of3A_73, %dma_start3A_76] : memref<10240x128xf32, #tpu.memory_space<vmem_shared>> -> memref<32x128xf32, #tpu.memory_space<vmem_shared>>
    tpu.enqueue_dma source(%arg11 : memref<32x128xf32, #tpu.memory_space<vmem>>) target(%dma_start3A_77 : memref<32x128xf32, #tpu.memory_space<vmem_shared>>) target_semaphore(%arg16 : memref<!tpu.dma_semaphore, #tpu.memory_space<semaphore_mem>>)
    %mul3A_78 = arith.constant 640 : i32
    %mul3A_79 = arith.muli %arg1, %mul3A_78 : i32
    %add3A_80 = arith.constant 128 : i32
    %add3A_81 = arith.addi %mul3A_79, %add3A_80 : i32
    %multiple_of3A_82 = tpu.assume_multiple %add3A_81, 8 : i32
    %dma_start3A_83 = arith.constant 0 : i32
    %dma_start3A_84 = tpu.memref_slice %arg5[%multiple_of3A_82, %dma_start3A_83] : memref<10240x128xf32, #tpu.memory_space<vmem_shared>> -> memref<32x128xf32, #tpu.memory_space<vmem_shared>>
    %dma_start3A_85 = arith.constant 0 : i32
    %dma_start3A_86 = tpu.memref_slice %arg5[%multiple_of3A_82, %dma_start3A_85] : memref<10240x128xf32, #tpu.memory_space<vmem_shared>> -> memref<32x128xf32, #tpu.memory_space<vmem_shared>>
    tpu.enqueue_dma source(%arg11 : memref<32x128xf32, #tpu.memory_space<vmem>>) target(%dma_start3A_86 : memref<32x128xf32, #tpu.memory_space<vmem_shared>>) target_semaphore(%arg16 : memref<!tpu.dma_semaphore, #tpu.memory_space<semaphore_mem>>)
    %mul3A_87 = arith.constant 640 : i32
    %mul3A_88 = arith.muli %arg1, %mul3A_87 : i32
    %add3A_89 = arith.constant 160 : i32
    %add3A_90 = arith.addi %mul3A_88, %add3A_89 : i32
    %multiple_of3A_91 = tpu.assume_multiple %add3A_90, 8 : i32
    %dma_start3A_92 = arith.constant 0 : i32
    %dma_start3A_93 = tpu.memref_slice %arg5[%multiple_of3A_91, %dma_start3A_92] : memref<10240x128xf32, #tpu.memory_space<vmem_shared>> -> memref<32x128xf32, #tpu.memory_space<vmem_shared>>
    %dma_start3A_94 = arith.constant 0 : i32
    %dma_start3A_95 = tpu.memref_slice %arg5[%multiple_of3A_91, %dma_start3A_94] : memref<10240x128xf32, #tpu.memory_space<vmem_shared>> -> memref<32x128xf32, #tpu.memory_space<vmem_shared>>
    tpu.enqueue_dma source(%arg11 : memref<32x128xf32, #tpu.memory_space<vmem>>) target(%dma_start3A_95 : memref<32x128xf32, #tpu.memory_space<vmem_shared>>) target_semaphore(%arg16 : memref<!tpu.dma_semaphore, #tpu.memory_space<semaphore_mem>>)
    %mul3A_96 = arith.constant 640 : i32
    %mul3A_97 = arith.muli %arg1, %mul3A_96 : i32
    %add3A_98 = arith.constant 192 : i32
    %add3A_99 = arith.addi %mul3A_97, %add3A_98 : i32
    %multiple_of3A_100 = tpu.assume_multiple %add3A_99, 8 : i32
    %dma_start3A_101 = arith.constant 0 : i32
    %dma_start3A_102 = tpu.memref_slice %arg5[%multiple_of3A_100, %dma_start3A_101] : memref<10240x128xf32, #tpu.memory_space<vmem_shared>> -> memref<32x128xf32, #tpu.memory_space<vmem_shared>>
    %dma_start3A_103 = arith.constant 0 : i32
    %dma_start3A_104 = tpu.memref_slice %arg5[%multiple_of3A_100, %dma_start3A_103] : memref<10240x128xf32, #tpu.memory_space<vmem_shared>> -> memref<32x128xf32, #tpu.memory_space<vmem_shared>>
    tpu.enqueue_dma source(%arg11 : memref<32x128xf32, #tpu.memory_space<vmem>>) target(%dma_start3A_104 : memref<32x128xf32, #tpu.memory_space<vmem_shared>>) target_semaphore(%arg16 : memref<!tpu.dma_semaphore, #tpu.memory_space<semaphore_mem>>)
    %mul3A_105 = arith.constant 640 : i32
    %mul3A_106 = arith.muli %arg1, %mul3A_105 : i32
    %add3A_107 = arith.constant 224 : i32
    %add3A_108 = arith.addi %mul3A_106, %add3A_107 : i32
    %multiple_of3A_109 = tpu.assume_multiple %add3A_108, 8 : i32
    %dma_start3A_110 = arith.constant 0 : i32
    %dma_start3A_111 = tpu.memref_slice %arg5[%multiple_of3A_109, %dma_start3A_110] : memref<10240x128xf32, #tpu.memory_space<vmem_shared>> -> memref<32x128xf32, #tpu.memory_space<vmem_shared>>
    %dma_start3A_112 = arith.constant 0 : i32
    %dma_start3A_113 = tpu.memref_slice %arg5[%multiple_of3A_109, %dma_start3A_112] : memref<10240x128xf32, #tpu.memory_space<vmem_shared>> -> memref<32x128xf32, #tpu.memory_space<vmem_shared>>
    tpu.enqueue_dma source(%arg11 : memref<32x128xf32, #tpu.memory_space<vmem>>) target(%dma_start3A_113 : memref<32x128xf32, #tpu.memory_space<vmem_shared>>) target_semaphore(%arg16 : memref<!tpu.dma_semaphore, #tpu.memory_space<semaphore_mem>>)
    %mul3A_114 = arith.constant 640 : i32
    %mul3A_115 = arith.muli %arg1, %mul3A_114 : i32
    %add3A_116 = arith.constant 256 : i32
    %add3A_117 = arith.addi %mul3A_115, %add3A_116 : i32
    %multiple_of3A_118 = tpu.assume_multiple %add3A_117, 8 : i32
    %dma_start3A_119 = arith.constant 0 : i32
    %dma_start3A_120 = tpu.memref_slice %arg5[%multiple_of3A_118, %dma_start3A_119] : memref<10240x128xf32, #tpu.memory_space<vmem_shared>> -> memref<32x128xf32, #tpu.memory_space<vmem_shared>>
    %dma_start3A_121 = arith.constant 0 : i32
    %dma_start3A_122 = tpu.memref_slice %arg5[%multiple_of3A_118, %dma_start3A_121] : memref<10240x128xf32, #tpu.memory_space<vmem_shared>> -> memref<32x128xf32, #tpu.memory_space<vmem_shared>>
    tpu.enqueue_dma source(%arg11 : memref<32x128xf32, #tpu.memory_space<vmem>>) target(%dma_start3A_122 : memref<32x128xf32, #tpu.memory_space<vmem_shared>>) target_semaphore(%arg16 : memref<!tpu.dma_semaphore, #tpu.memory_space<semaphore_mem>>)
    %mul3A_123 = arith.constant 640 : i32
    %mul3A_124 = arith.muli %arg1, %mul3A_123 : i32
    %add3A_125 = arith.constant 288 : i32
    %add3A_126 = arith.addi %mul3A_124, %add3A_125 : i32
    %multiple_of3A_127 = tpu.assume_multiple %add3A_126, 8 : i32
    %dma_start3A_128 = arith.constant 0 : i32
    %dma_start3A_129 = tpu.memref_slice %arg5[%multiple_of3A_127, %dma_start3A_128] : memref<10240x128xf32, #tpu.memory_space<vmem_shared>> -> memref<32x128xf32, #tpu.memory_space<vmem_shared>>
    %dma_start3A_130 = arith.constant 0 : i32
    %dma_start3A_131 = tpu.memref_slice %arg5[%multiple_of3A_127, %dma_start3A_130] : memref<10240x128xf32, #tpu.memory_space<vmem_shared>> -> memref<32x128xf32, #tpu.memory_space<vmem_shared>>
    tpu.enqueue_dma source(%arg11 : memref<32x128xf32, #tpu.memory_space<vmem>>) target(%dma_start3A_131 : memref<32x128xf32, #tpu.memory_space<vmem_shared>>) target_semaphore(%arg16 : memref<!tpu.dma_semaphore, #tpu.memory_space<semaphore_mem>>)
    %mul3A_132 = arith.constant 640 : i32
    %mul3A_133 = arith.muli %arg1, %mul3A_132 : i32
    %add3A_134 = arith.constant 320 : i32
    %add3A_135 = arith.addi %mul3A_133, %add3A_134 : i32
    %multiple_of3A_136 = tpu.assume_multiple %add3A_135, 8 : i32
    %dma_start3A_137 = arith.constant 0 : i32
    %dma_start3A_138 = tpu.memref_slice %arg5[%multiple_of3A_136, %dma_start3A_137] : memref<10240x128xf32, #tpu.memory_space<vmem_shared>> -> memref<32x128xf32, #tpu.memory_space<vmem_shared>>
    %dma_start3A_139 = arith.constant 0 : i32
    %dma_start3A_140 = tpu.memref_slice %arg5[%multiple_of3A_136, %dma_start3A_139] : memref<10240x128xf32, #tpu.memory_space<vmem_shared>> -> memref<32x128xf32, #tpu.memory_space<vmem_shared>>
    tpu.enqueue_dma source(%arg11 : memref<32x128xf32, #tpu.memory_space<vmem>>) target(%dma_start3A_140 : memref<32x128xf32, #tpu.memory_space<vmem_shared>>) target_semaphore(%arg16 : memref<!tpu.dma_semaphore, #tpu.memory_space<semaphore_mem>>)
    %mul3A_141 = arith.constant 640 : i32
    %mul3A_142 = arith.muli %arg1, %mul3A_141 : i32
    %add3A_143 = arith.constant 352 : i32
    %add3A_144 = arith.addi %mul3A_142, %add3A_143 : i32
    %multiple_of3A_145 = tpu.assume_multiple %add3A_144, 8 : i32
    %dma_start3A_146 = arith.constant 0 : i32
    %dma_start3A_147 = tpu.memref_slice %arg5[%multiple_of3A_145, %dma_start3A_146] : memref<10240x128xf32, #tpu.memory_space<vmem_shared>> -> memref<32x128xf32, #tpu.memory_space<vmem_shared>>
    %dma_start3A_148 = arith.constant 0 : i32
    %dma_start3A_149 = tpu.memref_slice %arg5[%multiple_of3A_145, %dma_start3A_148] : memref<10240x128xf32, #tpu.memory_space<vmem_shared>> -> memref<32x128xf32, #tpu.memory_space<vmem_shared>>
    tpu.enqueue_dma source(%arg11 : memref<32x128xf32, #tpu.memory_space<vmem>>) target(%dma_start3A_149 : memref<32x128xf32, #tpu.memory_space<vmem_shared>>) target_semaphore(%arg16 : memref<!tpu.dma_semaphore, #tpu.memory_space<semaphore_mem>>)
    %mul3A_150 = arith.constant 640 : i32
    %mul3A_151 = arith.muli %arg1, %mul3A_150 : i32
    %add3A_152 = arith.constant 384 : i32
    %add3A_153 = arith.addi %mul3A_151, %add3A_152 : i32
    %multiple_of3A_154 = tpu.assume_multiple %add3A_153, 8 : i32
    %dma_start3A_155 = arith.constant 0 : i32
    %dma_start3A_156 = tpu.memref_slice %arg5[%multiple_of3A_154, %dma_start3A_155] : memref<10240x128xf32, #tpu.memory_space<vmem_shared>> -> memref<32x128xf32, #tpu.memory_space<vmem_shared>>
    %dma_start3A_157 = arith.constant 0 : i32
    %dma_start3A_158 = tpu.memref_slice %arg5[%multiple_of3A_154, %dma_start3A_157] : memref<10240x128xf32, #tpu.memory_space<vmem_shared>> -> memref<32x128xf32, #tpu.memory_space<vmem_shared>>
    tpu.enqueue_dma source(%arg11 : memref<32x128xf32, #tpu.memory_space<vmem>>) target(%dma_start3A_158 : memref<32x128xf32, #tpu.memory_space<vmem_shared>>) target_semaphore(%arg16 : memref<!tpu.dma_semaphore, #tpu.memory_space<semaphore_mem>>)
    %mul3A_159 = arith.constant 640 : i32
    %mul3A_160 = arith.muli %arg1, %mul3A_159 : i32
    %add3A_161 = arith.constant 416 : i32
    %add3A_162 = arith.addi %mul3A_160, %add3A_161 : i32
    %multiple_of3A_163 = tpu.assume_multiple %add3A_162, 8 : i32
    %dma_start3A_164 = arith.constant 0 : i32
    %dma_start3A_165 = tpu.memref_slice %arg5[%multiple_of3A_163, %dma_start3A_164] : memref<10240x128xf32, #tpu.memory_space<vmem_shared>> -> memref<32x128xf32, #tpu.memory_space<vmem_shared>>
    %dma_start3A_166 = arith.constant 0 : i32
    %dma_start3A_167 = tpu.memref_slice %arg5[%multiple_of3A_163, %dma_start3A_166] : memref<10240x128xf32, #tpu.memory_space<vmem_shared>> -> memref<32x128xf32, #tpu.memory_space<vmem_shared>>
    tpu.enqueue_dma source(%arg11 : memref<32x128xf32, #tpu.memory_space<vmem>>) target(%dma_start3A_167 : memref<32x128xf32, #tpu.memory_space<vmem_shared>>) target_semaphore(%arg16 : memref<!tpu.dma_semaphore, #tpu.memory_space<semaphore_mem>>)
    %mul3A_168 = arith.constant 640 : i32
    %mul3A_169 = arith.muli %arg1, %mul3A_168 : i32
    %add3A_170 = arith.constant 448 : i32
    %add3A_171 = arith.addi %mul3A_169, %add3A_170 : i32
    %multiple_of3A_172 = tpu.assume_multiple %add3A_171, 8 : i32
    %dma_start3A_173 = arith.constant 0 : i32
    %dma_start3A_174 = tpu.memref_slice %arg5[%multiple_of3A_172, %dma_start3A_173] : memref<10240x128xf32, #tpu.memory_space<vmem_shared>> -> memref<32x128xf32, #tpu.memory_space<vmem_shared>>
    %dma_start3A_175 = arith.constant 0 : i32
    %dma_start3A_176 = tpu.memref_slice %arg5[%multiple_of3A_172, %dma_start3A_175] : memref<10240x128xf32, #tpu.memory_space<vmem_shared>> -> memref<32x128xf32, #tpu.memory_space<vmem_shared>>
    tpu.enqueue_dma source(%arg11 : memref<32x128xf32, #tpu.memory_space<vmem>>) target(%dma_start3A_176 : memref<32x128xf32, #tpu.memory_space<vmem_shared>>) target_semaphore(%arg16 : memref<!tpu.dma_semaphore, #tpu.memory_space<semaphore_mem>>)
    %mul3A_177 = arith.constant 640 : i32
    %mul3A_178 = arith.muli %arg1, %mul3A_177 : i32
    %add3A_179 = arith.constant 480 : i32
    %add3A_180 = arith.addi %mul3A_178, %add3A_179 : i32
    %multiple_of3A_181 = tpu.assume_multiple %add3A_180, 8 : i32
    %dma_start3A_182 = arith.constant 0 : i32
    %dma_start3A_183 = tpu.memref_slice %arg5[%multiple_of3A_181, %dma_start3A_182] : memref<10240x128xf32, #tpu.memory_space<vmem_shared>> -> memref<32x128xf32, #tpu.memory_space<vmem_shared>>
    %dma_start3A_184 = arith.constant 0 : i32
    %dma_start3A_185 = tpu.memref_slice %arg5[%multiple_of3A_181, %dma_start3A_184] : memref<10240x128xf32, #tpu.memory_space<vmem_shared>> -> memref<32x128xf32, #tpu.memory_space<vmem_shared>>
    tpu.enqueue_dma source(%arg11 : memref<32x128xf32, #tpu.memory_space<vmem>>) target(%dma_start3A_185 : memref<32x128xf32, #tpu.memory_space<vmem_shared>>) target_semaphore(%arg16 : memref<!tpu.dma_semaphore, #tpu.memory_space<semaphore_mem>>)
    %mul3A_186 = arith.constant 640 : i32
    %mul3A_187 = arith.muli %arg1, %mul3A_186 : i32
    %add3A_188 = arith.constant 512 : i32
    %add3A_189 = arith.addi %mul3A_187, %add3A_188 : i32
    %multiple_of3A_190 = tpu.assume_multiple %add3A_189, 8 : i32
    %dma_start3A_191 = arith.constant 0 : i32
    %dma_start3A_192 = tpu.memref_slice %arg5[%multiple_of3A_190, %dma_start3A_191] : memref<10240x128xf32, #tpu.memory_space<vmem_shared>> -> memref<32x128xf32, #tpu.memory_space<vmem_shared>>
    %dma_start3A_193 = arith.constant 0 : i32
    %dma_start3A_194 = tpu.memref_slice %arg5[%multiple_of3A_190, %dma_start3A_193] : memref<10240x128xf32, #tpu.memory_space<vmem_shared>> -> memref<32x128xf32, #tpu.memory_space<vmem_shared>>
    tpu.enqueue_dma source(%arg11 : memref<32x128xf32, #tpu.memory_space<vmem>>) target(%dma_start3A_194 : memref<32x128xf32, #tpu.memory_space<vmem_shared>>) target_semaphore(%arg16 : memref<!tpu.dma_semaphore, #tpu.memory_space<semaphore_mem>>)
    %mul3A_195 = arith.constant 640 : i32
    %mul3A_196 = arith.muli %arg1, %mul3A_195 : i32
    %add3A_197 = arith.constant 544 : i32
    %add3A_198 = arith.addi %mul3A_196, %add3A_197 : i32
    %multiple_of3A_199 = tpu.assume_multiple %add3A_198, 8 : i32
    %dma_start3A_200 = arith.constant 0 : i32
    %dma_start3A_201 = tpu.memref_slice %arg5[%multiple_of3A_199, %dma_start3A_200] : memref<10240x128xf32, #tpu.memory_space<vmem_shared>> -> memref<32x128xf32, #tpu.memory_space<vmem_shared>>
    %dma_start3A_202 = arith.constant 0 : i32
    %dma_start3A_203 = tpu.memref_slice %arg5[%multiple_of3A_199, %dma_start3A_202] : memref<10240x128xf32, #tpu.memory_space<vmem_shared>> -> memref<32x128xf32, #tpu.memory_space<vmem_shared>>
    tpu.enqueue_dma source(%arg11 : memref<32x128xf32, #tpu.memory_space<vmem>>) target(%dma_start3A_203 : memref<32x128xf32, #tpu.memory_space<vmem_shared>>) target_semaphore(%arg16 : memref<!tpu.dma_semaphore, #tpu.memory_space<semaphore_mem>>)
    %mul3A_204 = arith.constant 640 : i32
    %mul3A_205 = arith.muli %arg1, %mul3A_204 : i32
    %add3A_206 = arith.constant 576 : i32
    %add3A_207 = arith.addi %mul3A_205, %add3A_206 : i32
    %multiple_of3A_208 = tpu.assume_multiple %add3A_207, 8 : i32
    %dma_start3A_209 = arith.constant 0 : i32
    %dma_start3A_210 = tpu.memref_slice %arg5[%multiple_of3A_208, %dma_start3A_209] : memref<10240x128xf32, #tpu.memory_space<vmem_shared>> -> memref<32x128xf32, #tpu.memory_space<vmem_shared>>
    %dma_start3A_211 = arith.constant 0 : i32
    %dma_start3A_212 = tpu.memref_slice %arg5[%multiple_of3A_208, %dma_start3A_211] : memref<10240x128xf32, #tpu.memory_space<vmem_shared>> -> memref<32x128xf32, #tpu.memory_space<vmem_shared>>
    tpu.enqueue_dma source(%arg11 : memref<32x128xf32, #tpu.memory_space<vmem>>) target(%dma_start3A_212 : memref<32x128xf32, #tpu.memory_space<vmem_shared>>) target_semaphore(%arg16 : memref<!tpu.dma_semaphore, #tpu.memory_space<semaphore_mem>>)
    %mul3A_213 = arith.constant 640 : i32
    %mul3A_214 = arith.muli %arg1, %mul3A_213 : i32
    %add3A_215 = arith.constant 608 : i32
    %add3A_216 = arith.addi %mul3A_214, %add3A_215 : i32
    %multiple_of3A_217 = tpu.assume_multiple %add3A_216, 8 : i32
    %dma_start3A_218 = arith.constant 0 : i32
    %dma_start3A_219 = tpu.memref_slice %arg5[%multiple_of3A_217, %dma_start3A_218] : memref<10240x128xf32, #tpu.memory_space<vmem_shared>> -> memref<32x128xf32, #tpu.memory_space<vmem_shared>>
    %dma_start3A_220 = arith.constant 0 : i32
    %dma_start3A_221 = tpu.memref_slice %arg5[%multiple_of3A_217, %dma_start3A_220] : memref<10240x128xf32, #tpu.memory_space<vmem_shared>> -> memref<32x128xf32, #tpu.memory_space<vmem_shared>>
    tpu.enqueue_dma source(%arg11 : memref<32x128xf32, #tpu.memory_space<vmem>>) target(%dma_start3A_221 : memref<32x128xf32, #tpu.memory_space<vmem_shared>>) target_semaphore(%arg16 : memref<!tpu.dma_semaphore, #tpu.memory_space<semaphore_mem>>)
    %dma_wait3A_222 = arith.constant 0 : i32
    %dma_wait3A_223 = arith.constant 0 : i32
    %dma_wait3A_224 = tpu.memref_slice %arg5[%dma_wait3A_222, %dma_wait3A_223] : memref<10240x128xf32, #tpu.memory_space<vmem_shared>> -> memref<32x128xf32, #tpu.memory_space<vmem_shared>>
    %dma_wait3A_225 = arith.constant 0 : i32
    %dma_wait3A_226 = arith.constant 0 : i32
    %dma_wait3A_227 = tpu.memref_slice %arg5[%dma_wait3A_225, %dma_wait3A_226] : memref<10240x128xf32, #tpu.memory_space<vmem_shared>> -> memref<32x128xf32, #tpu.memory_space<vmem_shared>>
    tpu.wait_dma2 semaphore(%arg16 : memref<!tpu.dma_semaphore, #tpu.memory_space<semaphore_mem>>) src(%arg11 : memref<32x128xf32, #tpu.memory_space<vmem>>) dst(%dma_wait3A_227 : memref<32x128xf32, #tpu.memory_space<vmem_shared>>)
    %dma_wait3A_228 = arith.constant 0 : i32
    %dma_wait3A_229 = arith.constant 0 : i32
    %dma_wait3A_230 = tpu.memref_slice %arg5[%dma_wait3A_228, %dma_wait3A_229] : memref<10240x128xf32, #tpu.memory_space<vmem_shared>> -> memref<32x128xf32, #tpu.memory_space<vmem_shared>>
    %dma_wait3A_231 = arith.constant 0 : i32
    %dma_wait3A_232 = arith.constant 0 : i32
    %dma_wait3A_233 = tpu.memref_slice %arg5[%dma_wait3A_231, %dma_wait3A_232] : memref<10240x128xf32, #tpu.memory_space<vmem_shared>> -> memref<32x128xf32, #tpu.memory_space<vmem_shared>>
    tpu.wait_dma2 semaphore(%arg16 : memref<!tpu.dma_semaphore, #tpu.memory_space<semaphore_mem>>) src(%arg11 : memref<32x128xf32, #tpu.memory_space<vmem>>) dst(%dma_wait3A_233 : memref<32x128xf32, #tpu.memory_space<vmem_shared>>)
    %dma_wait3A_234 = arith.constant 0 : i32
    %dma_wait3A_235 = arith.constant 0 : i32
    %dma_wait3A_236 = tpu.memref_slice %arg5[%dma_wait3A_234, %dma_wait3A_235] : memref<10240x128xf32, #tpu.memory_space<vmem_shared>> -> memref<32x128xf32, #tpu.memory_space<vmem_shared>>
    %dma_wait3A_237 = arith.constant 0 : i32
    %dma_wait3A_238 = arith.constant 0 : i32
    %dma_wait3A_239 = tpu.memref_slice %arg5[%dma_wait3A_237, %dma_wait3A_238] : memref<10240x128xf32, #tpu.memory_space<vmem_shared>> -> memref<32x128xf32, #tpu.memory_space<vmem_shared>>
    tpu.wait_dma2 semaphore(%arg16 : memref<!tpu.dma_semaphore, #tpu.memory_space<semaphore_mem>>) src(%arg11 : memref<32x128xf32, #tpu.memory_space<vmem>>) dst(%dma_wait3A_239 : memref<32x128xf32, #tpu.memory_space<vmem_shared>>)
    %dma_wait3A_240 = arith.constant 0 : i32
    %dma_wait3A_241 = arith.constant 0 : i32
    %dma_wait3A_242 = tpu.memref_slice %arg5[%dma_wait3A_240, %dma_wait3A_241] : memref<10240x128xf32, #tpu.memory_space<vmem_shared>> -> memref<32x128xf32, #tpu.memory_space<vmem_shared>>
    %dma_wait3A_243 = arith.constant 0 : i32
    %dma_wait3A_244 = arith.constant 0 : i32
    %dma_wait3A_245 = tpu.memref_slice %arg5[%dma_wait3A_243, %dma_wait3A_244] : memref<10240x128xf32, #tpu.memory_space<vmem_shared>> -> memref<32x128xf32, #tpu.memory_space<vmem_shared>>
    tpu.wait_dma2 semaphore(%arg16 : memref<!tpu.dma_semaphore, #tpu.memory_space<semaphore_mem>>) src(%arg11 : memref<32x128xf32, #tpu.memory_space<vmem>>) dst(%dma_wait3A_245 : memref<32x128xf32, #tpu.memory_space<vmem_shared>>)
    %dma_wait3A_246 = arith.constant 0 : i32
    %dma_wait3A_247 = arith.constant 0 : i32
    %dma_wait3A_248 = tpu.memref_slice %arg5[%dma_wait3A_246, %dma_wait3A_247] : memref<10240x128xf32, #tpu.memory_space<vmem_shared>> -> memref<32x128xf32, #tpu.memory_space<vmem_shared>>
    %dma_wait3A_249 = arith.constant 0 : i32
    %dma_wait3A_250 = arith.constant 0 : i32
    %dma_wait3A_251 = tpu.memref_slice %arg5[%dma_wait3A_249, %dma_wait3A_250] : memref<10240x128xf32, #tpu.memory_space<vmem_shared>> -> memref<32x128xf32, #tpu.memory_space<vmem_shared>>
    tpu.wait_dma2 semaphore(%arg16 : memref<!tpu.dma_semaphore, #tpu.memory_space<semaphore_mem>>) src(%arg11 : memref<32x128xf32, #tpu.memory_space<vmem>>) dst(%dma_wait3A_251 : memref<32x128xf32, #tpu.memory_space<vmem_shared>>)
    %dma_wait3A_252 = arith.constant 0 : i32
    %dma_wait3A_253 = arith.constant 0 : i32
    %dma_wait3A_254 = tpu.memref_slice %arg5[%dma_wait3A_252, %dma_wait3A_253] : memref<10240x128xf32, #tpu.memory_space<vmem_shared>> -> memref<32x128xf32, #tpu.memory_space<vmem_shared>>
    %dma_wait3A_255 = arith.constant 0 : i32
    %dma_wait3A_256 = arith.constant 0 : i32
    %dma_wait3A_257 = tpu.memref_slice %arg5[%dma_wait3A_255, %dma_wait3A_256] : memref<10240x128xf32, #tpu.memory_space<vmem_shared>> -> memref<32x128xf32, #tpu.memory_space<vmem_shared>>
    tpu.wait_dma2 semaphore(%arg16 : memref<!tpu.dma_semaphore, #tpu.memory_space<semaphore_mem>>) src(%arg11 : memref<32x128xf32, #tpu.memory_space<vmem>>) dst(%dma_wait3A_257 : memref<32x128xf32, #tpu.memory_space<vmem_shared>>)
    %dma_wait3A_258 = arith.constant 0 : i32
    %dma_wait3A_259 = arith.constant 0 : i32
    %dma_wait3A_260 = tpu.memref_slice %arg5[%dma_wait3A_258, %dma_wait3A_259] : memref<10240x128xf32, #tpu.memory_space<vmem_shared>> -> memref<32x128xf32, #tpu.memory_space<vmem_shared>>
    %dma_wait3A_261 = arith.constant 0 : i32
    %dma_wait3A_262 = arith.constant 0 : i32
    %dma_wait3A_263 = tpu.memref_slice %arg5[%dma_wait3A_261, %dma_wait3A_262] : memref<10240x128xf32, #tpu.memory_space<vmem_shared>> -> memref<32x128xf32, #tpu.memory_space<vmem_shared>>
    tpu.wait_dma2 semaphore(%arg16 : memref<!tpu.dma_semaphore, #tpu.memory_space<semaphore_mem>>) src(%arg11 : memref<32x128xf32, #tpu.memory_space<vmem>>) dst(%dma_wait3A_263 : memref<32x128xf32, #tpu.memory_space<vmem_shared>>)
    %dma_wait3A_264 = arith.constant 0 : i32
    %dma_wait3A_265 = arith.constant 0 : i32
    %dma_wait3A_266 = tpu.memref_slice %arg5[%dma_wait3A_264, %dma_wait3A_265] : memref<10240x128xf32, #tpu.memory_space<vmem_shared>> -> memref<32x128xf32, #tpu.memory_space<vmem_shared>>
    %dma_wait3A_267 = arith.constant 0 : i32
    %dma_wait3A_268 = arith.constant 0 : i32
    %dma_wait3A_269 = tpu.memref_slice %arg5[%dma_wait3A_267, %dma_wait3A_268] : memref<10240x128xf32, #tpu.memory_space<vmem_shared>> -> memref<32x128xf32, #tpu.memory_space<vmem_shared>>
    tpu.wait_dma2 semaphore(%arg16 : memref<!tpu.dma_semaphore, #tpu.memory_space<semaphore_mem>>) src(%arg11 : memref<32x128xf32, #tpu.memory_space<vmem>>) dst(%dma_wait3A_269 : memref<32x128xf32, #tpu.memory_space<vmem_shared>>)
    %dma_wait3A_270 = arith.constant 0 : i32
    %dma_wait3A_271 = arith.constant 0 : i32
    %dma_wait3A_272 = tpu.memref_slice %arg5[%dma_wait3A_270, %dma_wait3A_271] : memref<10240x128xf32, #tpu.memory_space<vmem_shared>> -> memref<32x128xf32, #tpu.memory_space<vmem_shared>>
    %dma_wait3A_273 = arith.constant 0 : i32
    %dma_wait3A_274 = arith.constant 0 : i32
    %dma_wait3A_275 = tpu.memref_slice %arg5[%dma_wait3A_273, %dma_wait3A_274] : memref<10240x128xf32, #tpu.memory_space<vmem_shared>> -> memref<32x128xf32, #tpu.memory_space<vmem_shared>>
    tpu.wait_dma2 semaphore(%arg16 : memref<!tpu.dma_semaphore, #tpu.memory_space<semaphore_mem>>) src(%arg11 : memref<32x128xf32, #tpu.memory_space<vmem>>) dst(%dma_wait3A_275 : memref<32x128xf32, #tpu.memory_space<vmem_shared>>)
    %dma_wait3A_276 = arith.constant 0 : i32
    %dma_wait3A_277 = arith.constant 0 : i32
    %dma_wait3A_278 = tpu.memref_slice %arg5[%dma_wait3A_276, %dma_wait3A_277] : memref<10240x128xf32, #tpu.memory_space<vmem_shared>> -> memref<32x128xf32, #tpu.memory_space<vmem_shared>>
    %dma_wait3A_279 = arith.constant 0 : i32
    %dma_wait3A_280 = arith.constant 0 : i32
    %dma_wait3A_281 = tpu.memref_slice %arg5[%dma_wait3A_279, %dma_wait3A_280] : memref<10240x128xf32, #tpu.memory_space<vmem_shared>> -> memref<32x128xf32, #tpu.memory_space<vmem_shared>>
    tpu.wait_dma2 semaphore(%arg16 : memref<!tpu.dma_semaphore, #tpu.memory_space<semaphore_mem>>) src(%arg11 : memref<32x128xf32, #tpu.memory_space<vmem>>) dst(%dma_wait3A_281 : memref<32x128xf32, #tpu.memory_space<vmem_shared>>)
    %dma_wait3A_282 = arith.constant 0 : i32
    %dma_wait3A_283 = arith.constant 0 : i32
    %dma_wait3A_284 = tpu.memref_slice %arg5[%dma_wait3A_282, %dma_wait3A_283] : memref<10240x128xf32, #tpu.memory_space<vmem_shared>> -> memref<32x128xf32, #tpu.memory_space<vmem_shared>>
    %dma_wait3A_285 = arith.constant 0 : i32
    %dma_wait3A_286 = arith.constant 0 : i32
    %dma_wait3A_287 = tpu.memref_slice %arg5[%dma_wait3A_285, %dma_wait3A_286] : memref<10240x128xf32, #tpu.memory_space<vmem_shared>> -> memref<32x128xf32, #tpu.memory_space<vmem_shared>>
    tpu.wait_dma2 semaphore(%arg16 : memref<!tpu.dma_semaphore, #tpu.memory_space<semaphore_mem>>) src(%arg11 : memref<32x128xf32, #tpu.memory_space<vmem>>) dst(%dma_wait3A_287 : memref<32x128xf32, #tpu.memory_space<vmem_shared>>)
    %dma_wait3A_288 = arith.constant 0 : i32
    %dma_wait3A_289 = arith.constant 0 : i32
    %dma_wait3A_290 = tpu.memref_slice %arg5[%dma_wait3A_288, %dma_wait3A_289] : memref<10240x128xf32, #tpu.memory_space<vmem_shared>> -> memref<32x128xf32, #tpu.memory_space<vmem_shared>>
    %dma_wait3A_291 = arith.constant 0 : i32
    %dma_wait3A_292 = arith.constant 0 : i32
    %dma_wait3A_293 = tpu.memref_slice %arg5[%dma_wait3A_291, %dma_wait3A_292] : memref<10240x128xf32, #tpu.memory_space<vmem_shared>> -> memref<32x128xf32, #tpu.memory_space<vmem_shared>>
    tpu.wait_dma2 semaphore(%arg16 : memref<!tpu.dma_semaphore, #tpu.memory_space<semaphore_mem>>) src(%arg11 : memref<32x128xf32, #tpu.memory_space<vmem>>) dst(%dma_wait3A_293 : memref<32x128xf32, #tpu.memory_space<vmem_shared>>)
    %dma_wait3A_294 = arith.constant 0 : i32
    %dma_wait3A_295 = arith.constant 0 : i32
    %dma_wait3A_296 = tpu.memref_slice %arg5[%dma_wait3A_294, %dma_wait3A_295] : memref<10240x128xf32, #tpu.memory_space<vmem_shared>> -> memref<32x128xf32, #tpu.memory_space<vmem_shared>>
    %dma_wait3A_297 = arith.constant 0 : i32
    %dma_wait3A_298 = arith.constant 0 : i32
    %dma_wait3A_299 = tpu.memref_slice %arg5[%dma_wait3A_297, %dma_wait3A_298] : memref<10240x128xf32, #tpu.memory_space<vmem_shared>> -> memref<32x128xf32, #tpu.memory_space<vmem_shared>>
    tpu.wait_dma2 semaphore(%arg16 : memref<!tpu.dma_semaphore, #tpu.memory_space<semaphore_mem>>) src(%arg11 : memref<32x128xf32, #tpu.memory_space<vmem>>) dst(%dma_wait3A_299 : memref<32x128xf32, #tpu.memory_space<vmem_shared>>)
    %dma_wait3A_300 = arith.constant 0 : i32
    %dma_wait3A_301 = arith.constant 0 : i32
    %dma_wait3A_302 = tpu.memref_slice %arg5[%dma_wait3A_300, %dma_wait3A_301] : memref<10240x128xf32, #tpu.memory_space<vmem_shared>> -> memref<32x128xf32, #tpu.memory_space<vmem_shared>>
    %dma_wait3A_303 = arith.constant 0 : i32
    %dma_wait3A_304 = arith.constant 0 : i32
    %dma_wait3A_305 = tpu.memref_slice %arg5[%dma_wait3A_303, %dma_wait3A_304] : memref<10240x128xf32, #tpu.memory_space<vmem_shared>> -> memref<32x128xf32, #tpu.memory_space<vmem_shared>>
    tpu.wait_dma2 semaphore(%arg16 : memref<!tpu.dma_semaphore, #tpu.memory_space<semaphore_mem>>) src(%arg11 : memref<32x128xf32, #tpu.memory_space<vmem>>) dst(%dma_wait3A_305 : memref<32x128xf32, #tpu.memory_space<vmem_shared>>)
    %dma_wait3A_306 = arith.constant 0 : i32
    %dma_wait3A_307 = arith.constant 0 : i32
    %dma_wait3A_308 = tpu.memref_slice %arg5[%dma_wait3A_306, %dma_wait3A_307] : memref<10240x128xf32, #tpu.memory_space<vmem_shared>> -> memref<32x128xf32, #tpu.memory_space<vmem_shared>>
    %dma_wait3A_309 = arith.constant 0 : i32
    %dma_wait3A_310 = arith.constant 0 : i32
    %dma_wait3A_311 = tpu.memref_slice %arg5[%dma_wait3A_309, %dma_wait3A_310] : memref<10240x128xf32, #tpu.memory_space<vmem_shared>> -> memref<32x128xf32, #tpu.memory_space<vmem_shared>>
    tpu.wait_dma2 semaphore(%arg16 : memref<!tpu.dma_semaphore, #tpu.memory_space<semaphore_mem>>) src(%arg11 : memref<32x128xf32, #tpu.memory_space<vmem>>) dst(%dma_wait3A_311 : memref<32x128xf32, #tpu.memory_space<vmem_shared>>)
    %dma_wait3A_312 = arith.constant 0 : i32
    %dma_wait3A_313 = arith.constant 0 : i32
    %dma_wait3A_314 = tpu.memref_slice %arg5[%dma_wait3A_312, %dma_wait3A_313] : memref<10240x128xf32, #tpu.memory_space<vmem_shared>> -> memref<32x128xf32, #tpu.memory_space<vmem_shared>>
    %dma_wait3A_315 = arith.constant 0 : i32
    %dma_wait3A_316 = arith.constant 0 : i32
    %dma_wait3A_317 = tpu.memref_slice %arg5[%dma_wait3A_315, %dma_wait3A_316] : memref<10240x128xf32, #tpu.memory_space<vmem_shared>> -> memref<32x128xf32, #tpu.memory_space<vmem_shared>>
    tpu.wait_dma2 semaphore(%arg16 : memref<!tpu.dma_semaphore, #tpu.memory_space<semaphore_mem>>) src(%arg11 : memref<32x128xf32, #tpu.memory_space<vmem>>) dst(%dma_wait3A_317 : memref<32x128xf32, #tpu.memory_space<vmem_shared>>)
    %dma_wait3A_318 = arith.constant 0 : i32
    %dma_wait3A_319 = arith.constant 0 : i32
    %dma_wait3A_320 = tpu.memref_slice %arg5[%dma_wait3A_318, %dma_wait3A_319] : memref<10240x128xf32, #tpu.memory_space<vmem_shared>> -> memref<32x128xf32, #tpu.memory_space<vmem_shared>>
    %dma_wait3A_321 = arith.constant 0 : i32
    %dma_wait3A_322 = arith.constant 0 : i32
    %dma_wait3A_323 = tpu.memref_slice %arg5[%dma_wait3A_321, %dma_wait3A_322] : memref<10240x128xf32, #tpu.memory_space<vmem_shared>> -> memref<32x128xf32, #tpu.memory_space<vmem_shared>>
    tpu.wait_dma2 semaphore(%arg16 : memref<!tpu.dma_semaphore, #tpu.memory_space<semaphore_mem>>) src(%arg11 : memref<32x128xf32, #tpu.memory_space<vmem>>) dst(%dma_wait3A_323 : memref<32x128xf32, #tpu.memory_space<vmem_shared>>)
    %dma_wait3A_324 = arith.constant 0 : i32
    %dma_wait3A_325 = arith.constant 0 : i32
    %dma_wait3A_326 = tpu.memref_slice %arg5[%dma_wait3A_324, %dma_wait3A_325] : memref<10240x128xf32, #tpu.memory_space<vmem_shared>> -> memref<32x128xf32, #tpu.memory_space<vmem_shared>>
    %dma_wait3A_327 = arith.constant 0 : i32
    %dma_wait3A_328 = arith.constant 0 : i32
    %dma_wait3A_329 = tpu.memref_slice %arg5[%dma_wait3A_327, %dma_wait3A_328] : memref<10240x128xf32, #tpu.memory_space<vmem_shared>> -> memref<32x128xf32, #tpu.memory_space<vmem_shared>>
    tpu.wait_dma2 semaphore(%arg16 : memref<!tpu.dma_semaphore, #tpu.memory_space<semaphore_mem>>) src(%arg11 : memref<32x128xf32, #tpu.memory_space<vmem>>) dst(%dma_wait3A_329 : memref<32x128xf32, #tpu.memory_space<vmem_shared>>)
    %dma_wait3A_330 = arith.constant 0 : i32
    %dma_wait3A_331 = arith.constant 0 : i32
    %dma_wait3A_332 = tpu.memref_slice %arg5[%dma_wait3A_330, %dma_wait3A_331] : memref<10240x128xf32, #tpu.memory_space<vmem_shared>> -> memref<32x128xf32, #tpu.memory_space<vmem_shared>>
    %dma_wait3A_333 = arith.constant 0 : i32
    %dma_wait3A_334 = arith.constant 0 : i32
    %dma_wait3A_335 = tpu.memref_slice %arg5[%dma_wait3A_333, %dma_wait3A_334] : memref<10240x128xf32, #tpu.memory_space<vmem_shared>> -> memref<32x128xf32, #tpu.memory_space<vmem_shared>>
    tpu.wait_dma2 semaphore(%arg16 : memref<!tpu.dma_semaphore, #tpu.memory_space<semaphore_mem>>) src(%arg11 : memref<32x128xf32, #tpu.memory_space<vmem>>) dst(%dma_wait3A_335 : memref<32x128xf32, #tpu.memory_space<vmem_shared>>)
    %dma_wait3A_336 = arith.constant 0 : i32
    %dma_wait3A_337 = arith.constant 0 : i32
    %dma_wait3A_338 = tpu.memref_slice %arg5[%dma_wait3A_336, %dma_wait3A_337] : memref<10240x128xf32, #tpu.memory_space<vmem_shared>> -> memref<32x128xf32, #tpu.memory_space<vmem_shared>>
    %dma_wait3A_339 = arith.constant 0 : i32
    %dma_wait3A_340 = arith.constant 0 : i32
    %dma_wait3A_341 = tpu.memref_slice %arg5[%dma_wait3A_339, %dma_wait3A_340] : memref<10240x128xf32, #tpu.memory_space<vmem_shared>> -> memref<32x128xf32, #tpu.memory_space<vmem_shared>>
    tpu.wait_dma2 semaphore(%arg16 : memref<!tpu.dma_semaphore, #tpu.memory_space<semaphore_mem>>) src(%arg11 : memref<32x128xf32, #tpu.memory_space<vmem>>) dst(%dma_wait3A_341 : memref<32x128xf32, #tpu.memory_space<vmem_shared>>)
    %barrier3A = arith.constant 0 : index
    tpu.barrier barrier_id(%barrier3A)
    %scan3A_342 = arith.constant 0 : i32
    %scan3A_343 = arith.constant 0 : i32
    %scan3A_344 = arith.constant 39 : i32
    %scan3A_345 = arith.addi %scan3A_343, %scan3A_344 : i32
    %scan3A_346 = arith.constant 1 : i32
    scf.for %scan3A_377 = %scan3A_343 to %scan3A_345 step %scan3A_346  : i32 {
      %mul3A_378 = arith.constant 2 : i32
      %mul3A_379 = arith.muli %mul3A_378, %scan3A_377 : i32
      %dma_wait3A_380 = arith.constant 0 : i32
      %dma_wait3A_381 = tpu.memref_slice %arg2[%dma_wait3A_380] : memref<320000xi32, #tpu.memory_space<hbm>> -> memref<128xi32, #tpu.memory_space<hbm>>
      %dma_wait3A_382 = arith.constant 0 : i32
      %dma_wait3A_383 = tpu.memref_slice %arg2[%dma_wait3A_382] : memref<320000xi32, #tpu.memory_space<hbm>> -> memref<128xi32, #tpu.memory_space<hbm>>
      tpu.wait_dma2 semaphore(%arg14 : memref<!tpu.dma_semaphore, #tpu.memory_space<semaphore_mem>>) src(%dma_wait3A_383 : memref<128xi32, #tpu.memory_space<hbm>>) dst(%arg7 : memref<128xi32, #tpu.memory_space<vmem>>)
      %dma_wait3A_384 = arith.constant 0 : i32
      %dma_wait3A_385 = arith.constant 0 : i32
      %dma_wait3A_386 = tpu.memref_slice %arg3[%dma_wait3A_384, %dma_wait3A_385] : memref<10000x128xf32, #tpu.memory_space<hbm>> -> memref<128x128xf32, #tpu.memory_space<hbm>>
      %dma_wait3A_387 = arith.constant 0 : i32
      %dma_wait3A_388 = arith.constant 0 : i32
      %dma_wait3A_389 = tpu.memref_slice %arg3[%dma_wait3A_387, %dma_wait3A_388] : memref<10000x128xf32, #tpu.memory_space<hbm>> -> memref<128x128xf32, #tpu.memory_space<hbm>>
      tpu.wait_dma2 semaphore(%arg12 : memref<!tpu.dma_semaphore, #tpu.memory_space<semaphore_mem>>) src(%dma_wait3A_389 : memref<128x128xf32, #tpu.memory_space<hbm>>) dst(%arg9 : memref<128x128xf32, #tpu.memory_space<vmem>>)
      "tpu.region"() ({
        %run_scoped3A = tpu.sem_alloc : memref<!tpu.dma_semaphore, #tpu.memory_space<semaphore_mem>>
        %dma_start3A_412 = arith.constant 0 : i32
        %dma_start3A_413 = arith.constant 0 : i32
        %dma_start3A_414 = tpu.memref_slice %arg5[%dma_start3A_412, %dma_start3A_413] : memref<10240x128xf32, #tpu.memory_space<vmem_shared>> -> memref<10240x128xf32, #tpu.memory_space<vmem_shared>>
        tpu.enqueue_indirect_dma source(%arg9 : memref<128x128xf32, #tpu.memory_space<vmem>>) target(%dma_start3A_414 : memref<10240x128xf32, #tpu.memory_space<vmem_shared>>) offsets(%arg7 : memref<128xi32, #tpu.memory_space<vmem>>) semaphore(%run_scoped3A : memref<!tpu.dma_semaphore, #tpu.memory_space<semaphore_mem>>) {add = true}
        %dma_wait3A_415 = arith.constant 0 : i32
        %dma_wait3A_416 = arith.constant 0 : i32
        %dma_wait3A_417 = tpu.memref_slice %arg5[%dma_wait3A_415, %dma_wait3A_416] : memref<10240x128xf32, #tpu.memory_space<vmem_shared>> -> memref<10240x128xf32, #tpu.memory_space<vmem_shared>>
        tpu.wait_indirect_dma semaphore(%run_scoped3A : memref<!tpu.dma_semaphore, #tpu.memory_space<semaphore_mem>>) src(%arg9 : memref<128x128xf32, #tpu.memory_space<vmem>>) dst(%dma_wait3A_417 : memref<10240x128xf32, #tpu.memory_space<vmem_shared>>)
        tpu.yield
      }) : () -> ()
      %add3A_390 = arith.constant 2 : i32
      %add3A_391 = arith.addi %mul3A_379, %add3A_390 : i32
      %lt3A_392 = arith.cmpi slt, %add3A_391, %add3A_2 : i32
      %convert_element_type3A_393 = arith.extui %lt3A_392 : i1 to i32
      %cond3A_394 = arith.constant 0 : i32
      %cond3A_395 = arith.cmpi ne, %convert_element_type3A_393, %cond3A_394 : i32
      scf.if %cond3A_395 {
        %add3A_412 = arith.constant 2 : i32
        %add3A_413 = arith.addi %mul3A_379, %add3A_412 : i32
        %mul3A_414 = arith.constant 128 : i32
        %mul3A_415 = arith.muli %add3A_413, %mul3A_414 : i32
        %add3A_416 = arith.addi %add3A_21, %mul3A_415 : i32
        %multiple_of3A_417 = tpu.assume_multiple %add3A_416, 8 : i32
        %dma_start3A_418 = tpu.memref_slice %arg2[%multiple_of3A_417] : memref<320000xi32, #tpu.memory_space<hbm>> -> memref<128xi32, #tpu.memory_space<hbm>>
        %dma_start3A_419 = tpu.memref_slice %arg2[%multiple_of3A_417] : memref<320000xi32, #tpu.memory_space<hbm>> -> memref<128xi32, #tpu.memory_space<hbm>>
        tpu.enqueue_dma source(%dma_start3A_419 : memref<128xi32, #tpu.memory_space<hbm>>) target(%arg7 : memref<128xi32, #tpu.memory_space<vmem>>) target_semaphore(%arg14 : memref<!tpu.dma_semaphore, #tpu.memory_space<semaphore_mem>>)
        %mul3A_420 = arith.constant 128 : i32
        %mul3A_421 = arith.muli %add3A_413, %mul3A_420 : i32
        %dma_start3A_422 = tpu.memref_slice %arg6[%mul3A_421] : memref<10112xi32, #tpu.memory_space<vmem>> -> memref<128xi32, #tpu.memory_space<vmem>>
        %dma_start3A_423 = arith.constant 0 : i32
        %dma_start3A_424 = arith.constant 0 : i32
        %dma_start3A_425 = tpu.memref_slice %arg3[%dma_start3A_423, %dma_start3A_424] : memref<10000x128xf32, #tpu.memory_space<hbm>> -> memref<10000x128xf32, #tpu.memory_space<hbm>>
        tpu.enqueue_indirect_dma source(%dma_start3A_425 : memref<10000x128xf32, #tpu.memory_space<hbm>>) target(%arg9 : memref<128x128xf32, #tpu.memory_space<vmem>>) offsets(%dma_start3A_422 : memref<128xi32, #tpu.memory_space<vmem>>) semaphore(%arg12 : memref<!tpu.dma_semaphore, #tpu.memory_space<semaphore_mem>>)
      } else {
      }
      %dma_wait3A_396 = arith.constant 0 : i32
      %dma_wait3A_397 = tpu.memref_slice %arg2[%dma_wait3A_396] : memref<320000xi32, #tpu.memory_space<hbm>> -> memref<128xi32, #tpu.memory_space<hbm>>
      %dma_wait3A_398 = arith.constant 0 : i32
      %dma_wait3A_399 = tpu.memref_slice %arg2[%dma_wait3A_398] : memref<320000xi32, #tpu.memory_space<hbm>> -> memref<128xi32, #tpu.memory_space<hbm>>
      tpu.wait_dma2 semaphore(%arg15 : memref<!tpu.dma_semaphore, #tpu.memory_space<semaphore_mem>>) src(%dma_wait3A_399 : memref<128xi32, #tpu.memory_space<hbm>>) dst(%arg8 : memref<128xi32, #tpu.memory_space<vmem>>)
      %dma_wait3A_400 = arith.constant 0 : i32
      %dma_wait3A_401 = arith.constant 0 : i32
      %dma_wait3A_402 = tpu.memref_slice %arg3[%dma_wait3A_400, %dma_wait3A_401] : memref<10000x128xf32, #tpu.memory_space<hbm>> -> memref<128x128xf32, #tpu.memory_space<hbm>>
      %dma_wait3A_403 = arith.constant 0 : i32
      %dma_wait3A_404 = arith.constant 0 : i32
      %dma_wait3A_405 = tpu.memref_slice %arg3[%dma_wait3A_403, %dma_wait3A_404] : memref<10000x128xf32, #tpu.memory_space<hbm>> -> memref<128x128xf32, #tpu.memory_space<hbm>>
      tpu.wait_dma2 semaphore(%arg13 : memref<!tpu.dma_semaphore, #tpu.memory_space<semaphore_mem>>) src(%dma_wait3A_405 : memref<128x128xf32, #tpu.memory_space<hbm>>) dst(%arg10 : memref<128x128xf32, #tpu.memory_space<vmem>>)
      "tpu.region"() ({
        %run_scoped3A = tpu.sem_alloc : memref<!tpu.dma_semaphore, #tpu.memory_space<semaphore_mem>>
        %dma_start3A_412 = arith.constant 0 : i32
        %dma_start3A_413 = arith.constant 0 : i32
        %dma_start3A_414 = tpu.memref_slice %arg5[%dma_start3A_412, %dma_start3A_413] : memref<10240x128xf32, #tpu.memory_space<vmem_shared>> -> memref<10240x128xf32, #tpu.memory_space<vmem_shared>>
        tpu.enqueue_indirect_dma source(%arg10 : memref<128x128xf32, #tpu.memory_space<vmem>>) target(%dma_start3A_414 : memref<10240x128xf32, #tpu.memory_space<vmem_shared>>) offsets(%arg8 : memref<128xi32, #tpu.memory_space<vmem>>) semaphore(%run_scoped3A : memref<!tpu.dma_semaphore, #tpu.memory_space<semaphore_mem>>) {add = true}
        %dma_wait3A_415 = arith.constant 0 : i32
        %dma_wait3A_416 = arith.constant 0 : i32
        %dma_wait3A_417 = tpu.memref_slice %arg5[%dma_wait3A_415, %dma_wait3A_416] : memref<10240x128xf32, #tpu.memory_space<vmem_shared>> -> memref<10240x128xf32, #tpu.memory_space<vmem_shared>>
        tpu.wait_indirect_dma semaphore(%run_scoped3A : memref<!tpu.dma_semaphore, #tpu.memory_space<semaphore_mem>>) src(%arg10 : memref<128x128xf32, #tpu.memory_space<vmem>>) dst(%dma_wait3A_417 : memref<10240x128xf32, #tpu.memory_space<vmem_shared>>)
        tpu.yield
      }) : () -> ()
      %add3A_406 = arith.constant 3 : i32
      %add3A_407 = arith.addi %mul3A_379, %add3A_406 : i32
      %lt3A_408 = arith.cmpi slt, %add3A_407, %add3A_2 : i32
      %convert_element_type3A_409 = arith.extui %lt3A_408 : i1 to i32
      %cond3A_410 = arith.constant 0 : i32
      %cond3A_411 = arith.cmpi ne, %convert_element_type3A_409, %cond3A_410 : i32
      scf.if %cond3A_411 {
        %add3A_412 = arith.constant 3 : i32
        %add3A_413 = arith.addi %mul3A_379, %add3A_412 : i32
        %mul3A_414 = arith.constant 128 : i32
        %mul3A_415 = arith.muli %add3A_413, %mul3A_414 : i32
        %add3A_416 = arith.addi %add3A_21, %mul3A_415 : i32
        %multiple_of3A_417 = tpu.assume_multiple %add3A_416, 8 : i32
        %dma_start3A_418 = tpu.memref_slice %arg2[%multiple_of3A_417] : memref<320000xi32, #tpu.memory_space<hbm>> -> memref<128xi32, #tpu.memory_space<hbm>>
        %dma_start3A_419 = tpu.memref_slice %arg2[%multiple_of3A_417] : memref<320000xi32, #tpu.memory_space<hbm>> -> memref<128xi32, #tpu.memory_space<hbm>>
        tpu.enqueue_dma source(%dma_start3A_419 : memref<128xi32, #tpu.memory_space<hbm>>) target(%arg8 : memref<128xi32, #tpu.memory_space<vmem>>) target_semaphore(%arg15 : memref<!tpu.dma_semaphore, #tpu.memory_space<semaphore_mem>>)
        %mul3A_420 = arith.constant 128 : i32
        %mul3A_421 = arith.muli %add3A_413, %mul3A_420 : i32
        %dma_start3A_422 = tpu.memref_slice %arg6[%mul3A_421] : memref<10112xi32, #tpu.memory_space<vmem>> -> memref<128xi32, #tpu.memory_space<vmem>>
        %dma_start3A_423 = arith.constant 0 : i32
        %dma_start3A_424 = arith.constant 0 : i32
        %dma_start3A_425 = tpu.memref_slice %arg3[%dma_start3A_423, %dma_start3A_424] : memref<10000x128xf32, #tpu.memory_space<hbm>> -> memref<10000x128xf32, #tpu.memory_space<hbm>>
        tpu.enqueue_indirect_dma source(%dma_start3A_425 : memref<10000x128xf32, #tpu.memory_space<hbm>>) target(%arg10 : memref<128x128xf32, #tpu.memory_space<vmem>>) offsets(%dma_start3A_422 : memref<128xi32, #tpu.memory_space<vmem>>) semaphore(%arg13 : memref<!tpu.dma_semaphore, #tpu.memory_space<semaphore_mem>>)
      } else {
      }
    }
    %scan3A_347 = arith.constant 39 : i32
    %jit3A_348 = arith.constant 2 : i32
    %eq3A = arith.constant 0 : i32
    %eq3A_349 = arith.cmpi eq, %jit3A_348, %eq3A : i32
    %jit3A_350 = arith.constant 1 : i32
    %select_n3A_351 = arith.select %eq3A_349, %jit3A_350, %jit3A_348 : i32
    %rem3A = arith.remsi %add3A_2, %select_n3A_351 : i32
    %ne3A = arith.constant 0 : i32
    %ne3A_352 = arith.cmpi ne, %rem3A, %ne3A : i32
    %lt3A_353 = arith.constant 0 : i32
    %lt3A_354 = arith.cmpi slt, %rem3A, %lt3A_353 : i32
    %lt3A_355 = arith.constant 0 : i32
    %lt3A_356 = arith.cmpi slt, %select_n3A_351, %lt3A_355 : i32
    %ne3A_357 = arith.xori %lt3A_354, %lt3A_356 : i1
    %and3A = arith.andi %ne3A_357, %ne3A_352 : i1
    %add3A_358 = arith.addi %rem3A, %select_n3A_351 : i32
    %select_n3A_359 = arith.select %and3A, %add3A_358, %rem3A : i32
    %eq3A_360 = arith.constant 1 : i32
    %eq3A_361 = arith.cmpi eq, %select_n3A_359, %eq3A_360 : i32
    %convert_element_type3A = arith.extui %eq3A_361 : i1 to i32
    %cond3A = arith.constant 0 : i32
    %cond3A_362 = arith.cmpi ne, %convert_element_type3A, %cond3A : i32
    scf.if %cond3A_362 {
      %dma_wait3A_377 = arith.constant 0 : i32
      %dma_wait3A_378 = tpu.memref_slice %arg2[%dma_wait3A_377] : memref<320000xi32, #tpu.memory_space<hbm>> -> memref<128xi32, #tpu.memory_space<hbm>>
      %dma_wait3A_379 = arith.constant 0 : i32
      %dma_wait3A_380 = tpu.memref_slice %arg2[%dma_wait3A_379] : memref<320000xi32, #tpu.memory_space<hbm>> -> memref<128xi32, #tpu.memory_space<hbm>>
      tpu.wait_dma2 semaphore(%arg14 : memref<!tpu.dma_semaphore, #tpu.memory_space<semaphore_mem>>) src(%dma_wait3A_380 : memref<128xi32, #tpu.memory_space<hbm>>) dst(%arg7 : memref<128xi32, #tpu.memory_space<vmem>>)
      %dma_wait3A_381 = arith.constant 0 : i32
      %dma_wait3A_382 = arith.constant 0 : i32
      %dma_wait3A_383 = tpu.memref_slice %arg3[%dma_wait3A_381, %dma_wait3A_382] : memref<10000x128xf32, #tpu.memory_space<hbm>> -> memref<128x128xf32, #tpu.memory_space<hbm>>
      %dma_wait3A_384 = arith.constant 0 : i32
      %dma_wait3A_385 = arith.constant 0 : i32
      %dma_wait3A_386 = tpu.memref_slice %arg3[%dma_wait3A_384, %dma_wait3A_385] : memref<10000x128xf32, #tpu.memory_space<hbm>> -> memref<128x128xf32, #tpu.memory_space<hbm>>
      tpu.wait_dma2 semaphore(%arg12 : memref<!tpu.dma_semaphore, #tpu.memory_space<semaphore_mem>>) src(%dma_wait3A_386 : memref<128x128xf32, #tpu.memory_space<hbm>>) dst(%arg9 : memref<128x128xf32, #tpu.memory_space<vmem>>)
      "tpu.region"() ({
        %run_scoped3A = tpu.sem_alloc : memref<!tpu.dma_semaphore, #tpu.memory_space<semaphore_mem>>
        %dma_start3A_387 = arith.constant 0 : i32
        %dma_start3A_388 = arith.constant 0 : i32
        %dma_start3A_389 = tpu.memref_slice %arg5[%dma_start3A_387, %dma_start3A_388] : memref<10240x128xf32, #tpu.memory_space<vmem_shared>> -> memref<10240x128xf32, #tpu.memory_space<vmem_shared>>
        tpu.enqueue_indirect_dma source(%arg9 : memref<128x128xf32, #tpu.memory_space<vmem>>) target(%dma_start3A_389 : memref<10240x128xf32, #tpu.memory_space<vmem_shared>>) offsets(%arg7 : memref<128xi32, #tpu.memory_space<vmem>>) semaphore(%run_scoped3A : memref<!tpu.dma_semaphore, #tpu.memory_space<semaphore_mem>>) {add = true}
        %dma_wait3A_390 = arith.constant 0 : i32
        %dma_wait3A_391 = arith.constant 0 : i32
        %dma_wait3A_392 = tpu.memref_slice %arg5[%dma_wait3A_390, %dma_wait3A_391] : memref<10240x128xf32, #tpu.memory_space<vmem_shared>> -> memref<10240x128xf32, #tpu.memory_space<vmem_shared>>
        tpu.wait_indirect_dma semaphore(%run_scoped3A : memref<!tpu.dma_semaphore, #tpu.memory_space<semaphore_mem>>) src(%arg9 : memref<128x128xf32, #tpu.memory_space<vmem>>) dst(%dma_wait3A_392 : memref<10240x128xf32, #tpu.memory_space<vmem_shared>>)
        tpu.yield
      }) : () -> ()
    } else {
    }
    %barrier3A_363 = arith.constant 0 : index
    tpu.barrier barrier_id(%barrier3A_363)
    %mul3A_364 = arith.constant 640 : i32
    %mul3A_365 = arith.muli %arg1, %mul3A_364 : i32
    %multiple_of3A_366 = tpu.assume_multiple %mul3A_365, 8 : i32
    %lt3A_367 = arith.constant 15 : i32
    %lt3A_368 = arith.cmpi slt, %arg1, %lt3A_367 : i32
    %convert_element_type3A_369 = arith.extui %lt3A_368 : i1 to i32
    %cond3A_370 = arith.constant 0 : i32
    %cond3A_371 = arith.cmpi ne, %convert_element_type3A_369, %cond3A_370 : i32
    scf.if %cond3A_371 {
      "tpu.region"() ({
        %run_scoped3A = tpu.sem_alloc : memref<!tpu.dma_semaphore, #tpu.memory_space<semaphore_mem>>
        %dma_start3A_377 = arith.constant 0 : i32
        %dma_start3A_378 = tpu.memref_slice %arg4[%multiple_of3A_366, %dma_start3A_377] : memref<10000x128xf32, #tpu.memory_space<hbm>> -> memref<640x128xf32, #tpu.memory_space<hbm>>
        %dma_start3A_379 = arith.constant 0 : i32
        %dma_start3A_380 = tpu.memref_slice %arg5[%multiple_of3A_366, %dma_start3A_379] : memref<10240x128xf32, #tpu.memory_space<vmem_shared>> -> memref<640x128xf32, #tpu.memory_space<vmem_shared>>
        tpu.enqueue_dma source(%dma_start3A_380 : memref<640x128xf32, #tpu.memory_space<vmem_shared>>) target(%dma_start3A_378 : memref<640x128xf32, #tpu.memory_space<hbm>>) target_semaphore(%run_scoped3A : memref<!tpu.dma_semaphore, #tpu.memory_space<semaphore_mem>>)
        %dma_wait3A_381 = arith.constant 0 : i32
        %dma_wait3A_382 = tpu.memref_slice %arg4[%multiple_of3A_366, %dma_wait3A_381] : memref<10000x128xf32, #tpu.memory_space<hbm>> -> memref<640x128xf32, #tpu.memory_space<hbm>>
        %dma_wait3A_383 = arith.constant 0 : i32
        %dma_wait3A_384 = tpu.memref_slice %arg5[%multiple_of3A_366, %dma_wait3A_383] : memref<10240x128xf32, #tpu.memory_space<vmem_shared>> -> memref<640x128xf32, #tpu.memory_space<vmem_shared>>
        tpu.wait_dma2 semaphore(%run_scoped3A : memref<!tpu.dma_semaphore, #tpu.memory_space<semaphore_mem>>) src(%dma_wait3A_384 : memref<640x128xf32, #tpu.memory_space<vmem_shared>>) dst(%dma_wait3A_382 : memref<640x128xf32, #tpu.memory_space<hbm>>)
        tpu.yield
      }) : () -> ()
    } else {
    }
    %eq3A_372 = arith.constant 15 : i32
    %eq3A_373 = arith.cmpi eq, %arg1, %eq3A_372 : i32
    %convert_element_type3A_374 = arith.extui %eq3A_373 : i1 to i32
    %cond3A_375 = arith.constant 0 : i32
    %cond3A_376 = arith.cmpi ne, %convert_element_type3A_374, %cond3A_375 : i32
    scf.if %cond3A_376 {
      "tpu.region"() ({
        %run_scoped3A = tpu.sem_alloc : memref<!tpu.dma_semaphore, #tpu.memory_space<semaphore_mem>>
        %dma_start3A_377 = arith.constant 0 : i32
        %dma_start3A_378 = tpu.memref_slice %arg4[%multiple_of3A_366, %dma_start3A_377] : memref<10000x128xf32, #tpu.memory_space<hbm>> -> memref<400x128xf32, #tpu.memory_space<hbm>>
        %dma_start3A_379 = arith.constant 0 : i32
        %dma_start3A_380 = tpu.memref_slice %arg5[%multiple_of3A_366, %dma_start3A_379] : memref<10240x128xf32, #tpu.memory_space<vmem_shared>> -> memref<400x128xf32, #tpu.memory_space<vmem_shared>>
        tpu.enqueue_dma source(%dma_start3A_380 : memref<400x128xf32, #tpu.memory_space<vmem_shared>>) target(%dma_start3A_378 : memref<400x128xf32, #tpu.memory_space<hbm>>) target_semaphore(%run_scoped3A : memref<!tpu.dma_semaphore, #tpu.memory_space<semaphore_mem>>)
        %dma_wait3A_381 = arith.constant 0 : i32
        %dma_wait3A_382 = tpu.memref_slice %arg4[%multiple_of3A_366, %dma_wait3A_381] : memref<10000x128xf32, #tpu.memory_space<hbm>> -> memref<400x128xf32, #tpu.memory_space<hbm>>
        %dma_wait3A_383 = arith.constant 0 : i32
        %dma_wait3A_384 = tpu.memref_slice %arg5[%multiple_of3A_366, %dma_wait3A_383] : memref<10240x128xf32, #tpu.memory_space<vmem_shared>> -> memref<400x128xf32, #tpu.memory_space<vmem_shared>>
        tpu.wait_dma2 semaphore(%run_scoped3A : memref<!tpu.dma_semaphore, #tpu.memory_space<semaphore_mem>>) src(%dma_wait3A_384 : memref<400x128xf32, #tpu.memory_space<vmem_shared>>) dst(%dma_wait3A_382 : memref<400x128xf32, #tpu.memory_space<hbm>>)
        tpu.yield
      }) : () -> ()
    } else {
    }
    return
  }
}

#map = affine_map<(d0, d1) -> (0)>
#map1 = affine_map<(d0, d1) -> (0, 0)>
module attributes {stable_mosaic.version = 14 : i64} {
  func.func @_scatter_half(%arg0: i32, %arg1: i32, %arg2: memref<320000xi32, #tpu.memory_space<hbm>>, %arg3: memref<10000x128xf32, #tpu.memory_space<hbm>>, %arg4: memref<10000x128xf32, #tpu.memory_space<hbm>>, %arg5: memref<10240x128xf32, #tpu.memory_space<vmem_shared>>, %arg6: memref<10112xi32, #tpu.memory_space<vmem>>, %arg7: memref<128xi32, #tpu.memory_space<vmem>>, %arg8: memref<128xi32, #tpu.memory_space<vmem>>, %arg9: memref<128x128xf32, #tpu.memory_space<vmem>>, %arg10: memref<128x128xf32, #tpu.memory_space<vmem>>, %arg11: memref<32x128xf32, #tpu.memory_space<vmem>>, %arg12: memref<!tpu.dma_semaphore, #tpu.memory_space<semaphore_mem>>, %arg13: memref<!tpu.dma_semaphore, #tpu.memory_space<semaphore_mem>>, %arg14: memref<!tpu.dma_semaphore, #tpu.memory_space<semaphore_mem>>, %arg15: memref<!tpu.dma_semaphore, #tpu.memory_space<semaphore_mem>>, %arg16: memref<!tpu.dma_semaphore, #tpu.memory_space<semaphore_mem>>) attributes {dimension_semantics = [#tpu.dimension_semantics<core_parallel>, #tpu.dimension_semantics<subcore_parallel>], iteration_bounds = array<i64: 1, 16>, scalar_prefetch = 0 : i64, scratch_operands = 12 : i64, tpu.core_type = #tpu.core_type<sc_vector_subcore>, window_params = [{transform_indices = #map}, {transform_indices = #map1}, {transform_indices = #map1}]} {
    %lt3A = arith.constant 2 : i32
    %lt3A_0 = arith.cmpi slt, %arg1, %lt3A : i32
    %jit3A = arith.constant 1 : i32
    %jit3A_1 = arith.constant 0 : i32
    %select_n3A = arith.select %lt3A_0, %jit3A, %jit3A_1 : i32
    %add3A = arith.constant 78 : i32
    %add3A_2 = arith.addi %add3A, %select_n3A : i32
    %mul3A = arith.constant 78 : i32
    %mul3A_3 = arith.muli %arg1, %mul3A : i32
    %min3A = arith.constant 2 : i32
    %min3A_4 = arith.minsi %arg1, %min3A : i32
    %add3A_5 = arith.addi %mul3A_3, %min3A_4 : i32
    %mul3A_6 = arith.constant 128 : i32
    %mul3A_7 = arith.muli %add3A_5, %mul3A_6 : i32
    %multiple_of3A = tpu.assume_multiple %mul3A_7, 8 : i32
    %dma_start3A = tpu.memref_slice %arg2[%multiple_of3A] : memref<320000xi32, #tpu.memory_space<hbm>> -> memref<10112xi32, #tpu.memory_space<hbm>>
    %dma_start3A_8 = tpu.memref_slice %arg2[%multiple_of3A] : memref<320000xi32, #tpu.memory_space<hbm>> -> memref<10112xi32, #tpu.memory_space<hbm>>
    tpu.enqueue_dma source(%dma_start3A_8 : memref<10112xi32, #tpu.memory_space<hbm>>) target(%arg6 : memref<10112xi32, #tpu.memory_space<vmem>>) target_semaphore(%arg12 : memref<!tpu.dma_semaphore, #tpu.memory_space<semaphore_mem>>)
    %broadcast_in_dim3A = arith.constant 0.000000e+00 : f32
    %broadcast_in_dim3A_9 = vector.broadcast %broadcast_in_dim3A : f32 to vector<16xf32>
    %scan3A = arith.constant 0 : i32
    %scan3A_10 = arith.constant 0 : i32
    %scan3A_11 = arith.constant 256 : i32
    %scan3A_12 = arith.addi %scan3A_10, %scan3A_11 : i32
    %scan3A_13 = arith.constant 1 : i32
    scf.for %scan3A_377 = %scan3A_10 to %scan3A_12 step %scan3A_13  : i32 {
      %jit3A_378 = arith.constant 8 : i32
      %div3A = arith.divsi %scan3A_377, %jit3A_378 : i32
      %sign3A = arith.constant 0 : i32
      %sign3A_379 = arith.cmpi sgt, %scan3A_377, %sign3A : i32
      %sign3A_380 = arith.extui %sign3A_379 : i1 to i32
      %sign3A_381 = arith.constant 0 : i32
      %sign3A_382 = arith.cmpi slt, %scan3A_377, %sign3A_381 : i32
      %sign3A_383 = arith.extui %sign3A_382 : i1 to i32
      %sign3A_384 = arith.subi %sign3A_380, %sign3A_383 : i32
      %sign3A_385 = arith.constant 0 : i32
      %sign3A_386 = arith.cmpi sgt, %jit3A_378, %sign3A_385 : i32
      %sign3A_387 = arith.extui %sign3A_386 : i1 to i32
      %sign3A_388 = arith.constant 0 : i32
      %sign3A_389 = arith.cmpi slt, %jit3A_378, %sign3A_388 : i32
      %sign3A_390 = arith.extui %sign3A_389 : i1 to i32
      %sign3A_391 = arith.subi %sign3A_387, %sign3A_390 : i32
      %ne3A_392 = arith.cmpi ne, %sign3A_384, %sign3A_391 : i32
      %rem3A_393 = arith.remsi %scan3A_377, %jit3A_378 : i32
      %ne3A_394 = arith.constant 0 : i32
      %ne3A_395 = arith.cmpi ne, %rem3A_393, %ne3A_394 : i32
      %and3A_396 = arith.andi %ne3A_392, %ne3A_395 : i1
      %sub3A = arith.constant 1 : i32
      %sub3A_397 = arith.subi %div3A, %sub3A : i32
      %select_n3A_398 = arith.select %and3A_396, %sub3A_397, %div3A : i32
      %jit3A_399 = arith.constant 8 : i32
      %eq3A_400 = arith.constant 0 : i32
      %eq3A_401 = arith.cmpi eq, %jit3A_399, %eq3A_400 : i32
      %jit3A_402 = arith.constant 1 : i32
      %select_n3A_403 = arith.select %eq3A_401, %jit3A_402, %jit3A_399 : i32
      %rem3A_404 = arith.remsi %scan3A_377, %select_n3A_403 : i32
      %ne3A_405 = arith.constant 0 : i32
      %ne3A_406 = arith.cmpi ne, %rem3A_404, %ne3A_405 : i32
      %lt3A_407 = arith.constant 0 : i32
      %lt3A_408 = arith.cmpi slt, %rem3A_404, %lt3A_407 : i32
      %lt3A_409 = arith.constant 0 : i32
      %lt3A_410 = arith.cmpi slt, %select_n3A_403, %lt3A_409 : i32
      %ne3A_411 = arith.xori %lt3A_408, %lt3A_410 : i1
      %and3A_412 = arith.andi %ne3A_411, %ne3A_406 : i1
      %add3A_413 = arith.addi %rem3A_404, %select_n3A_403 : i32
      %select_n3A_414 = arith.select %and3A_412, %add3A_413, %rem3A_404 : i32
      %mul3A_415 = arith.constant 16 : i32
      %mul3A_416 = arith.muli %select_n3A_414, %mul3A_415 : i32
      %swap3A = arith.index_cast %select_n3A_398 : i32 to index
      %swap3A_417 = arith.index_cast %mul3A_416 : i32 to index
      %swap3A_418 = tpu.vector_load %arg11[%swap3A, %swap3A_417] {strides = array<i32>} : memref<32x128xf32, #tpu.memory_space<vmem>>, vector<1x16xf32>,
      %swap3A_419 = vector.shape_cast %swap3A_418 : vector<1x16xf32> to vector<16xf32>
      %swap3A_420 = vector.shape_cast %broadcast_in_dim3A_9 : vector<16xf32> to vector<1x16xf32>
      tpu.vector_store %arg11[%swap3A, %swap3A_417], %swap3A_420 {strides = array<i32>} : memref<32x128xf32, #tpu.memory_space<vmem>>, vector<1x16xf32>,
    }
    %scan3A_14 = arith.constant 256 : i32
    %dma_wait3A = arith.constant 0 : i32
    %dma_wait3A_15 = tpu.memref_slice %arg2[%dma_wait3A] : memref<320000xi32, #tpu.memory_space<hbm>> -> memref<10112xi32, #tpu.memory_space<hbm>>
    %dma_wait3A_16 = arith.constant 0 : i32
    %dma_wait3A_17 = tpu.memref_slice %arg2[%dma_wait3A_16] : memref<320000xi32, #tpu.memory_space<hbm>> -> memref<10112xi32, #tpu.memory_space<hbm>>
    tpu.wait_dma2 semaphore(%arg12 : memref<!tpu.dma_semaphore, #tpu.memory_space<semaphore_mem>>) src(%dma_wait3A_17 : memref<10112xi32, #tpu.memory_space<hbm>>) dst(%arg6 : memref<10112xi32, #tpu.memory_space<vmem>>)
    %mul3A_18 = arith.constant 128 : i32
    %mul3A_19 = arith.muli %add3A_5, %mul3A_18 : i32
    %add3A_20 = arith.constant 160000 : i32
    %add3A_21 = arith.addi %add3A_20, %mul3A_19 : i32
    %add3A_22 = arith.constant 0 : i32
    %add3A_23 = arith.addi %add3A_21, %add3A_22 : i32
    %multiple_of3A_24 = tpu.assume_multiple %add3A_23, 8 : i32
    %dma_start3A_25 = tpu.memref_slice %arg2[%multiple_of3A_24] : memref<320000xi32, #tpu.memory_space<hbm>> -> memref<128xi32, #tpu.memory_space<hbm>>
    %dma_start3A_26 = tpu.memref_slice %arg2[%multiple_of3A_24] : memref<320000xi32, #tpu.memory_space<hbm>> -> memref<128xi32, #tpu.memory_space<hbm>>
    tpu.enqueue_dma source(%dma_start3A_26 : memref<128xi32, #tpu.memory_space<hbm>>) target(%arg7 : memref<128xi32, #tpu.memory_space<vmem>>) target_semaphore(%arg14 : memref<!tpu.dma_semaphore, #tpu.memory_space<semaphore_mem>>)
    %dma_start3A_27 = arith.constant 0 : i32
    %dma_start3A_28 = tpu.memref_slice %arg6[%dma_start3A_27] : memref<10112xi32, #tpu.memory_space<vmem>> -> memref<128xi32, #tpu.memory_space<vmem>>
    %dma_start3A_29 = arith.constant 0 : i32
    %dma_start3A_30 = arith.constant 0 : i32
    %dma_start3A_31 = tpu.memref_slice %arg3[%dma_start3A_29, %dma_start3A_30] : memref<10000x128xf32, #tpu.memory_space<hbm>> -> memref<10000x128xf32, #tpu.memory_space<hbm>>
    tpu.enqueue_indirect_dma source(%dma_start3A_31 : memref<10000x128xf32, #tpu.memory_space<hbm>>) target(%arg9 : memref<128x128xf32, #tpu.memory_space<vmem>>) offsets(%dma_start3A_28 : memref<128xi32, #tpu.memory_space<vmem>>) semaphore(%arg12 : memref<!tpu.dma_semaphore, #tpu.memory_space<semaphore_mem>>)
    %add3A_32 = arith.constant 128 : i32
    %add3A_33 = arith.addi %add3A_21, %add3A_32 : i32
    %multiple_of3A_34 = tpu.assume_multiple %add3A_33, 8 : i32
    %dma_start3A_35 = tpu.memref_slice %arg2[%multiple_of3A_34] : memref<320000xi32, #tpu.memory_space<hbm>> -> memref<128xi32, #tpu.memory_space<hbm>>
    %dma_start3A_36 = tpu.memref_slice %arg2[%multiple_of3A_34] : memref<320000xi32, #tpu.memory_space<hbm>> -> memref<128xi32, #tpu.memory_space<hbm>>
    tpu.enqueue_dma source(%dma_start3A_36 : memref<128xi32, #tpu.memory_space<hbm>>) target(%arg8 : memref<128xi32, #tpu.memory_space<vmem>>) target_semaphore(%arg15 : memref<!tpu.dma_semaphore, #tpu.memory_space<semaphore_mem>>)
    %dma_start3A_37 = arith.constant 128 : i32
    %dma_start3A_38 = tpu.memref_slice %arg6[%dma_start3A_37] : memref<10112xi32, #tpu.memory_space<vmem>> -> memref<128xi32, #tpu.memory_space<vmem>>
    %dma_start3A_39 = arith.constant 0 : i32
    %dma_start3A_40 = arith.constant 0 : i32
    %dma_start3A_41 = tpu.memref_slice %arg3[%dma_start3A_39, %dma_start3A_40] : memref<10000x128xf32, #tpu.memory_space<hbm>> -> memref<10000x128xf32, #tpu.memory_space<hbm>>
    tpu.enqueue_indirect_dma source(%dma_start3A_41 : memref<10000x128xf32, #tpu.memory_space<hbm>>) target(%arg10 : memref<128x128xf32, #tpu.memory_space<vmem>>) offsets(%dma_start3A_38 : memref<128xi32, #tpu.memory_space<vmem>>) semaphore(%arg13 : memref<!tpu.dma_semaphore, #tpu.memory_space<semaphore_mem>>)
    %mul3A_42 = arith.constant 640 : i32
    %mul3A_43 = arith.muli %arg1, %mul3A_42 : i32
    %add3A_44 = arith.constant 0 : i32
    %add3A_45 = arith.addi %mul3A_43, %add3A_44 : i32
    %multiple_of3A_46 = tpu.assume_multiple %add3A_45, 8 : i32
    %dma_start3A_47 = arith.constant 0 : i32
    %dma_start3A_48 = tpu.memref_slice %arg5[%multiple_of3A_46, %dma_start3A_47] : memref<10240x128xf32, #tpu.memory_space<vmem_shared>> -> memref<32x128xf32, #tpu.memory_space<vmem_shared>>
    %dma_start3A_49 = arith.constant 0 : i32
    %dma_start3A_50 = tpu.memref_slice %arg5[%multiple_of3A_46, %dma_start3A_49] : memref<10240x128xf32, #tpu.memory_space<vmem_shared>> -> memref<32x128xf32, #tpu.memory_space<vmem_shared>>
    tpu.enqueue_dma source(%arg11 : memref<32x128xf32, #tpu.memory_space<vmem>>) target(%dma_start3A_50 : memref<32x128xf32, #tpu.memory_space<vmem_shared>>) target_semaphore(%arg16 : memref<!tpu.dma_semaphore, #tpu.memory_space<semaphore_mem>>)
    %mul3A_51 = arith.constant 640 : i32
    %mul3A_52 = arith.muli %arg1, %mul3A_51 : i32
    %add3A_53 = arith.constant 32 : i32
    %add3A_54 = arith.addi %mul3A_52, %add3A_53 : i32
    %multiple_of3A_55 = tpu.assume_multiple %add3A_54, 8 : i32
    %dma_start3A_56 = arith.constant 0 : i32
    %dma_start3A_57 = tpu.memref_slice %arg5[%multiple_of3A_55, %dma_start3A_56] : memref<10240x128xf32, #tpu.memory_space<vmem_shared>> -> memref<32x128xf32, #tpu.memory_space<vmem_shared>>
    %dma_start3A_58 = arith.constant 0 : i32
    %dma_start3A_59 = tpu.memref_slice %arg5[%multiple_of3A_55, %dma_start3A_58] : memref<10240x128xf32, #tpu.memory_space<vmem_shared>> -> memref<32x128xf32, #tpu.memory_space<vmem_shared>>
    tpu.enqueue_dma source(%arg11 : memref<32x128xf32, #tpu.memory_space<vmem>>) target(%dma_start3A_59 : memref<32x128xf32, #tpu.memory_space<vmem_shared>>) target_semaphore(%arg16 : memref<!tpu.dma_semaphore, #tpu.memory_space<semaphore_mem>>)
    %mul3A_60 = arith.constant 640 : i32
    %mul3A_61 = arith.muli %arg1, %mul3A_60 : i32
    %add3A_62 = arith.constant 64 : i32
    %add3A_63 = arith.addi %mul3A_61, %add3A_62 : i32
    %multiple_of3A_64 = tpu.assume_multiple %add3A_63, 8 : i32
    %dma_start3A_65 = arith.constant 0 : i32
    %dma_start3A_66 = tpu.memref_slice %arg5[%multiple_of3A_64, %dma_start3A_65] : memref<10240x128xf32, #tpu.memory_space<vmem_shared>> -> memref<32x128xf32, #tpu.memory_space<vmem_shared>>
    %dma_start3A_67 = arith.constant 0 : i32
    %dma_start3A_68 = tpu.memref_slice %arg5[%multiple_of3A_64, %dma_start3A_67] : memref<10240x128xf32, #tpu.memory_space<vmem_shared>> -> memref<32x128xf32, #tpu.memory_space<vmem_shared>>
    tpu.enqueue_dma source(%arg11 : memref<32x128xf32, #tpu.memory_space<vmem>>) target(%dma_start3A_68 : memref<32x128xf32, #tpu.memory_space<vmem_shared>>) target_semaphore(%arg16 : memref<!tpu.dma_semaphore, #tpu.memory_space<semaphore_mem>>)
    %mul3A_69 = arith.constant 640 : i32
    %mul3A_70 = arith.muli %arg1, %mul3A_69 : i32
    %add3A_71 = arith.constant 96 : i32
    %add3A_72 = arith.addi %mul3A_70, %add3A_71 : i32
    %multiple_of3A_73 = tpu.assume_multiple %add3A_72, 8 : i32
    %dma_start3A_74 = arith.constant 0 : i32
    %dma_start3A_75 = tpu.memref_slice %arg5[%multiple_of3A_73, %dma_start3A_74] : memref<10240x128xf32, #tpu.memory_space<vmem_shared>> -> memref<32x128xf32, #tpu.memory_space<vmem_shared>>
    %dma_start3A_76 = arith.constant 0 : i32
    %dma_start3A_77 = tpu.memref_slice %arg5[%multiple_of3A_73, %dma_start3A_76] : memref<10240x128xf32, #tpu.memory_space<vmem_shared>> -> memref<32x128xf32, #tpu.memory_space<vmem_shared>>
    tpu.enqueue_dma source(%arg11 : memref<32x128xf32, #tpu.memory_space<vmem>>) target(%dma_start3A_77 : memref<32x128xf32, #tpu.memory_space<vmem_shared>>) target_semaphore(%arg16 : memref<!tpu.dma_semaphore, #tpu.memory_space<semaphore_mem>>)
    %mul3A_78 = arith.constant 640 : i32
    %mul3A_79 = arith.muli %arg1, %mul3A_78 : i32
    %add3A_80 = arith.constant 128 : i32
    %add3A_81 = arith.addi %mul3A_79, %add3A_80 : i32
    %multiple_of3A_82 = tpu.assume_multiple %add3A_81, 8 : i32
    %dma_start3A_83 = arith.constant 0 : i32
    %dma_start3A_84 = tpu.memref_slice %arg5[%multiple_of3A_82, %dma_start3A_83] : memref<10240x128xf32, #tpu.memory_space<vmem_shared>> -> memref<32x128xf32, #tpu.memory_space<vmem_shared>>
    %dma_start3A_85 = arith.constant 0 : i32
    %dma_start3A_86 = tpu.memref_slice %arg5[%multiple_of3A_82, %dma_start3A_85] : memref<10240x128xf32, #tpu.memory_space<vmem_shared>> -> memref<32x128xf32, #tpu.memory_space<vmem_shared>>
    tpu.enqueue_dma source(%arg11 : memref<32x128xf32, #tpu.memory_space<vmem>>) target(%dma_start3A_86 : memref<32x128xf32, #tpu.memory_space<vmem_shared>>) target_semaphore(%arg16 : memref<!tpu.dma_semaphore, #tpu.memory_space<semaphore_mem>>)
    %mul3A_87 = arith.constant 640 : i32
    %mul3A_88 = arith.muli %arg1, %mul3A_87 : i32
    %add3A_89 = arith.constant 160 : i32
    %add3A_90 = arith.addi %mul3A_88, %add3A_89 : i32
    %multiple_of3A_91 = tpu.assume_multiple %add3A_90, 8 : i32
    %dma_start3A_92 = arith.constant 0 : i32
    %dma_start3A_93 = tpu.memref_slice %arg5[%multiple_of3A_91, %dma_start3A_92] : memref<10240x128xf32, #tpu.memory_space<vmem_shared>> -> memref<32x128xf32, #tpu.memory_space<vmem_shared>>
    %dma_start3A_94 = arith.constant 0 : i32
    %dma_start3A_95 = tpu.memref_slice %arg5[%multiple_of3A_91, %dma_start3A_94] : memref<10240x128xf32, #tpu.memory_space<vmem_shared>> -> memref<32x128xf32, #tpu.memory_space<vmem_shared>>
    tpu.enqueue_dma source(%arg11 : memref<32x128xf32, #tpu.memory_space<vmem>>) target(%dma_start3A_95 : memref<32x128xf32, #tpu.memory_space<vmem_shared>>) target_semaphore(%arg16 : memref<!tpu.dma_semaphore, #tpu.memory_space<semaphore_mem>>)
    %mul3A_96 = arith.constant 640 : i32
    %mul3A_97 = arith.muli %arg1, %mul3A_96 : i32
    %add3A_98 = arith.constant 192 : i32
    %add3A_99 = arith.addi %mul3A_97, %add3A_98 : i32
    %multiple_of3A_100 = tpu.assume_multiple %add3A_99, 8 : i32
    %dma_start3A_101 = arith.constant 0 : i32
    %dma_start3A_102 = tpu.memref_slice %arg5[%multiple_of3A_100, %dma_start3A_101] : memref<10240x128xf32, #tpu.memory_space<vmem_shared>> -> memref<32x128xf32, #tpu.memory_space<vmem_shared>>
    %dma_start3A_103 = arith.constant 0 : i32
    %dma_start3A_104 = tpu.memref_slice %arg5[%multiple_of3A_100, %dma_start3A_103] : memref<10240x128xf32, #tpu.memory_space<vmem_shared>> -> memref<32x128xf32, #tpu.memory_space<vmem_shared>>
    tpu.enqueue_dma source(%arg11 : memref<32x128xf32, #tpu.memory_space<vmem>>) target(%dma_start3A_104 : memref<32x128xf32, #tpu.memory_space<vmem_shared>>) target_semaphore(%arg16 : memref<!tpu.dma_semaphore, #tpu.memory_space<semaphore_mem>>)
    %mul3A_105 = arith.constant 640 : i32
    %mul3A_106 = arith.muli %arg1, %mul3A_105 : i32
    %add3A_107 = arith.constant 224 : i32
    %add3A_108 = arith.addi %mul3A_106, %add3A_107 : i32
    %multiple_of3A_109 = tpu.assume_multiple %add3A_108, 8 : i32
    %dma_start3A_110 = arith.constant 0 : i32
    %dma_start3A_111 = tpu.memref_slice %arg5[%multiple_of3A_109, %dma_start3A_110] : memref<10240x128xf32, #tpu.memory_space<vmem_shared>> -> memref<32x128xf32, #tpu.memory_space<vmem_shared>>
    %dma_start3A_112 = arith.constant 0 : i32
    %dma_start3A_113 = tpu.memref_slice %arg5[%multiple_of3A_109, %dma_start3A_112] : memref<10240x128xf32, #tpu.memory_space<vmem_shared>> -> memref<32x128xf32, #tpu.memory_space<vmem_shared>>
    tpu.enqueue_dma source(%arg11 : memref<32x128xf32, #tpu.memory_space<vmem>>) target(%dma_start3A_113 : memref<32x128xf32, #tpu.memory_space<vmem_shared>>) target_semaphore(%arg16 : memref<!tpu.dma_semaphore, #tpu.memory_space<semaphore_mem>>)
    %mul3A_114 = arith.constant 640 : i32
    %mul3A_115 = arith.muli %arg1, %mul3A_114 : i32
    %add3A_116 = arith.constant 256 : i32
    %add3A_117 = arith.addi %mul3A_115, %add3A_116 : i32
    %multiple_of3A_118 = tpu.assume_multiple %add3A_117, 8 : i32
    %dma_start3A_119 = arith.constant 0 : i32
    %dma_start3A_120 = tpu.memref_slice %arg5[%multiple_of3A_118, %dma_start3A_119] : memref<10240x128xf32, #tpu.memory_space<vmem_shared>> -> memref<32x128xf32, #tpu.memory_space<vmem_shared>>
    %dma_start3A_121 = arith.constant 0 : i32
    %dma_start3A_122 = tpu.memref_slice %arg5[%multiple_of3A_118, %dma_start3A_121] : memref<10240x128xf32, #tpu.memory_space<vmem_shared>> -> memref<32x128xf32, #tpu.memory_space<vmem_shared>>
    tpu.enqueue_dma source(%arg11 : memref<32x128xf32, #tpu.memory_space<vmem>>) target(%dma_start3A_122 : memref<32x128xf32, #tpu.memory_space<vmem_shared>>) target_semaphore(%arg16 : memref<!tpu.dma_semaphore, #tpu.memory_space<semaphore_mem>>)
    %mul3A_123 = arith.constant 640 : i32
    %mul3A_124 = arith.muli %arg1, %mul3A_123 : i32
    %add3A_125 = arith.constant 288 : i32
    %add3A_126 = arith.addi %mul3A_124, %add3A_125 : i32
    %multiple_of3A_127 = tpu.assume_multiple %add3A_126, 8 : i32
    %dma_start3A_128 = arith.constant 0 : i32
    %dma_start3A_129 = tpu.memref_slice %arg5[%multiple_of3A_127, %dma_start3A_128] : memref<10240x128xf32, #tpu.memory_space<vmem_shared>> -> memref<32x128xf32, #tpu.memory_space<vmem_shared>>
    %dma_start3A_130 = arith.constant 0 : i32
    %dma_start3A_131 = tpu.memref_slice %arg5[%multiple_of3A_127, %dma_start3A_130] : memref<10240x128xf32, #tpu.memory_space<vmem_shared>> -> memref<32x128xf32, #tpu.memory_space<vmem_shared>>
    tpu.enqueue_dma source(%arg11 : memref<32x128xf32, #tpu.memory_space<vmem>>) target(%dma_start3A_131 : memref<32x128xf32, #tpu.memory_space<vmem_shared>>) target_semaphore(%arg16 : memref<!tpu.dma_semaphore, #tpu.memory_space<semaphore_mem>>)
    %mul3A_132 = arith.constant 640 : i32
    %mul3A_133 = arith.muli %arg1, %mul3A_132 : i32
    %add3A_134 = arith.constant 320 : i32
    %add3A_135 = arith.addi %mul3A_133, %add3A_134 : i32
    %multiple_of3A_136 = tpu.assume_multiple %add3A_135, 8 : i32
    %dma_start3A_137 = arith.constant 0 : i32
    %dma_start3A_138 = tpu.memref_slice %arg5[%multiple_of3A_136, %dma_start3A_137] : memref<10240x128xf32, #tpu.memory_space<vmem_shared>> -> memref<32x128xf32, #tpu.memory_space<vmem_shared>>
    %dma_start3A_139 = arith.constant 0 : i32
    %dma_start3A_140 = tpu.memref_slice %arg5[%multiple_of3A_136, %dma_start3A_139] : memref<10240x128xf32, #tpu.memory_space<vmem_shared>> -> memref<32x128xf32, #tpu.memory_space<vmem_shared>>
    tpu.enqueue_dma source(%arg11 : memref<32x128xf32, #tpu.memory_space<vmem>>) target(%dma_start3A_140 : memref<32x128xf32, #tpu.memory_space<vmem_shared>>) target_semaphore(%arg16 : memref<!tpu.dma_semaphore, #tpu.memory_space<semaphore_mem>>)
    %mul3A_141 = arith.constant 640 : i32
    %mul3A_142 = arith.muli %arg1, %mul3A_141 : i32
    %add3A_143 = arith.constant 352 : i32
    %add3A_144 = arith.addi %mul3A_142, %add3A_143 : i32
    %multiple_of3A_145 = tpu.assume_multiple %add3A_144, 8 : i32
    %dma_start3A_146 = arith.constant 0 : i32
    %dma_start3A_147 = tpu.memref_slice %arg5[%multiple_of3A_145, %dma_start3A_146] : memref<10240x128xf32, #tpu.memory_space<vmem_shared>> -> memref<32x128xf32, #tpu.memory_space<vmem_shared>>
    %dma_start3A_148 = arith.constant 0 : i32
    %dma_start3A_149 = tpu.memref_slice %arg5[%multiple_of3A_145, %dma_start3A_148] : memref<10240x128xf32, #tpu.memory_space<vmem_shared>> -> memref<32x128xf32, #tpu.memory_space<vmem_shared>>
    tpu.enqueue_dma source(%arg11 : memref<32x128xf32, #tpu.memory_space<vmem>>) target(%dma_start3A_149 : memref<32x128xf32, #tpu.memory_space<vmem_shared>>) target_semaphore(%arg16 : memref<!tpu.dma_semaphore, #tpu.memory_space<semaphore_mem>>)
    %mul3A_150 = arith.constant 640 : i32
    %mul3A_151 = arith.muli %arg1, %mul3A_150 : i32
    %add3A_152 = arith.constant 384 : i32
    %add3A_153 = arith.addi %mul3A_151, %add3A_152 : i32
    %multiple_of3A_154 = tpu.assume_multiple %add3A_153, 8 : i32
    %dma_start3A_155 = arith.constant 0 : i32
    %dma_start3A_156 = tpu.memref_slice %arg5[%multiple_of3A_154, %dma_start3A_155] : memref<10240x128xf32, #tpu.memory_space<vmem_shared>> -> memref<32x128xf32, #tpu.memory_space<vmem_shared>>
    %dma_start3A_157 = arith.constant 0 : i32
    %dma_start3A_158 = tpu.memref_slice %arg5[%multiple_of3A_154, %dma_start3A_157] : memref<10240x128xf32, #tpu.memory_space<vmem_shared>> -> memref<32x128xf32, #tpu.memory_space<vmem_shared>>
    tpu.enqueue_dma source(%arg11 : memref<32x128xf32, #tpu.memory_space<vmem>>) target(%dma_start3A_158 : memref<32x128xf32, #tpu.memory_space<vmem_shared>>) target_semaphore(%arg16 : memref<!tpu.dma_semaphore, #tpu.memory_space<semaphore_mem>>)
    %mul3A_159 = arith.constant 640 : i32
    %mul3A_160 = arith.muli %arg1, %mul3A_159 : i32
    %add3A_161 = arith.constant 416 : i32
    %add3A_162 = arith.addi %mul3A_160, %add3A_161 : i32
    %multiple_of3A_163 = tpu.assume_multiple %add3A_162, 8 : i32
    %dma_start3A_164 = arith.constant 0 : i32
    %dma_start3A_165 = tpu.memref_slice %arg5[%multiple_of3A_163, %dma_start3A_164] : memref<10240x128xf32, #tpu.memory_space<vmem_shared>> -> memref<32x128xf32, #tpu.memory_space<vmem_shared>>
    %dma_start3A_166 = arith.constant 0 : i32
    %dma_start3A_167 = tpu.memref_slice %arg5[%multiple_of3A_163, %dma_start3A_166] : memref<10240x128xf32, #tpu.memory_space<vmem_shared>> -> memref<32x128xf32, #tpu.memory_space<vmem_shared>>
    tpu.enqueue_dma source(%arg11 : memref<32x128xf32, #tpu.memory_space<vmem>>) target(%dma_start3A_167 : memref<32x128xf32, #tpu.memory_space<vmem_shared>>) target_semaphore(%arg16 : memref<!tpu.dma_semaphore, #tpu.memory_space<semaphore_mem>>)
    %mul3A_168 = arith.constant 640 : i32
    %mul3A_169 = arith.muli %arg1, %mul3A_168 : i32
    %add3A_170 = arith.constant 448 : i32
    %add3A_171 = arith.addi %mul3A_169, %add3A_170 : i32
    %multiple_of3A_172 = tpu.assume_multiple %add3A_171, 8 : i32
    %dma_start3A_173 = arith.constant 0 : i32
    %dma_start3A_174 = tpu.memref_slice %arg5[%multiple_of3A_172, %dma_start3A_173] : memref<10240x128xf32, #tpu.memory_space<vmem_shared>> -> memref<32x128xf32, #tpu.memory_space<vmem_shared>>
    %dma_start3A_175 = arith.constant 0 : i32
    %dma_start3A_176 = tpu.memref_slice %arg5[%multiple_of3A_172, %dma_start3A_175] : memref<10240x128xf32, #tpu.memory_space<vmem_shared>> -> memref<32x128xf32, #tpu.memory_space<vmem_shared>>
    tpu.enqueue_dma source(%arg11 : memref<32x128xf32, #tpu.memory_space<vmem>>) target(%dma_start3A_176 : memref<32x128xf32, #tpu.memory_space<vmem_shared>>) target_semaphore(%arg16 : memref<!tpu.dma_semaphore, #tpu.memory_space<semaphore_mem>>)
    %mul3A_177 = arith.constant 640 : i32
    %mul3A_178 = arith.muli %arg1, %mul3A_177 : i32
    %add3A_179 = arith.constant 480 : i32
    %add3A_180 = arith.addi %mul3A_178, %add3A_179 : i32
    %multiple_of3A_181 = tpu.assume_multiple %add3A_180, 8 : i32
    %dma_start3A_182 = arith.constant 0 : i32
    %dma_start3A_183 = tpu.memref_slice %arg5[%multiple_of3A_181, %dma_start3A_182] : memref<10240x128xf32, #tpu.memory_space<vmem_shared>> -> memref<32x128xf32, #tpu.memory_space<vmem_shared>>
    %dma_start3A_184 = arith.constant 0 : i32
    %dma_start3A_185 = tpu.memref_slice %arg5[%multiple_of3A_181, %dma_start3A_184] : memref<10240x128xf32, #tpu.memory_space<vmem_shared>> -> memref<32x128xf32, #tpu.memory_space<vmem_shared>>
    tpu.enqueue_dma source(%arg11 : memref<32x128xf32, #tpu.memory_space<vmem>>) target(%dma_start3A_185 : memref<32x128xf32, #tpu.memory_space<vmem_shared>>) target_semaphore(%arg16 : memref<!tpu.dma_semaphore, #tpu.memory_space<semaphore_mem>>)
    %mul3A_186 = arith.constant 640 : i32
    %mul3A_187 = arith.muli %arg1, %mul3A_186 : i32
    %add3A_188 = arith.constant 512 : i32
    %add3A_189 = arith.addi %mul3A_187, %add3A_188 : i32
    %multiple_of3A_190 = tpu.assume_multiple %add3A_189, 8 : i32
    %dma_start3A_191 = arith.constant 0 : i32
    %dma_start3A_192 = tpu.memref_slice %arg5[%multiple_of3A_190, %dma_start3A_191] : memref<10240x128xf32, #tpu.memory_space<vmem_shared>> -> memref<32x128xf32, #tpu.memory_space<vmem_shared>>
    %dma_start3A_193 = arith.constant 0 : i32
    %dma_start3A_194 = tpu.memref_slice %arg5[%multiple_of3A_190, %dma_start3A_193] : memref<10240x128xf32, #tpu.memory_space<vmem_shared>> -> memref<32x128xf32, #tpu.memory_space<vmem_shared>>
    tpu.enqueue_dma source(%arg11 : memref<32x128xf32, #tpu.memory_space<vmem>>) target(%dma_start3A_194 : memref<32x128xf32, #tpu.memory_space<vmem_shared>>) target_semaphore(%arg16 : memref<!tpu.dma_semaphore, #tpu.memory_space<semaphore_mem>>)
    %mul3A_195 = arith.constant 640 : i32
    %mul3A_196 = arith.muli %arg1, %mul3A_195 : i32
    %add3A_197 = arith.constant 544 : i32
    %add3A_198 = arith.addi %mul3A_196, %add3A_197 : i32
    %multiple_of3A_199 = tpu.assume_multiple %add3A_198, 8 : i32
    %dma_start3A_200 = arith.constant 0 : i32
    %dma_start3A_201 = tpu.memref_slice %arg5[%multiple_of3A_199, %dma_start3A_200] : memref<10240x128xf32, #tpu.memory_space<vmem_shared>> -> memref<32x128xf32, #tpu.memory_space<vmem_shared>>
    %dma_start3A_202 = arith.constant 0 : i32
    %dma_start3A_203 = tpu.memref_slice %arg5[%multiple_of3A_199, %dma_start3A_202] : memref<10240x128xf32, #tpu.memory_space<vmem_shared>> -> memref<32x128xf32, #tpu.memory_space<vmem_shared>>
    tpu.enqueue_dma source(%arg11 : memref<32x128xf32, #tpu.memory_space<vmem>>) target(%dma_start3A_203 : memref<32x128xf32, #tpu.memory_space<vmem_shared>>) target_semaphore(%arg16 : memref<!tpu.dma_semaphore, #tpu.memory_space<semaphore_mem>>)
    %mul3A_204 = arith.constant 640 : i32
    %mul3A_205 = arith.muli %arg1, %mul3A_204 : i32
    %add3A_206 = arith.constant 576 : i32
    %add3A_207 = arith.addi %mul3A_205, %add3A_206 : i32
    %multiple_of3A_208 = tpu.assume_multiple %add3A_207, 8 : i32
    %dma_start3A_209 = arith.constant 0 : i32
    %dma_start3A_210 = tpu.memref_slice %arg5[%multiple_of3A_208, %dma_start3A_209] : memref<10240x128xf32, #tpu.memory_space<vmem_shared>> -> memref<32x128xf32, #tpu.memory_space<vmem_shared>>
    %dma_start3A_211 = arith.constant 0 : i32
    %dma_start3A_212 = tpu.memref_slice %arg5[%multiple_of3A_208, %dma_start3A_211] : memref<10240x128xf32, #tpu.memory_space<vmem_shared>> -> memref<32x128xf32, #tpu.memory_space<vmem_shared>>
    tpu.enqueue_dma source(%arg11 : memref<32x128xf32, #tpu.memory_space<vmem>>) target(%dma_start3A_212 : memref<32x128xf32, #tpu.memory_space<vmem_shared>>) target_semaphore(%arg16 : memref<!tpu.dma_semaphore, #tpu.memory_space<semaphore_mem>>)
    %mul3A_213 = arith.constant 640 : i32
    %mul3A_214 = arith.muli %arg1, %mul3A_213 : i32
    %add3A_215 = arith.constant 608 : i32
    %add3A_216 = arith.addi %mul3A_214, %add3A_215 : i32
    %multiple_of3A_217 = tpu.assume_multiple %add3A_216, 8 : i32
    %dma_start3A_218 = arith.constant 0 : i32
    %dma_start3A_219 = tpu.memref_slice %arg5[%multiple_of3A_217, %dma_start3A_218] : memref<10240x128xf32, #tpu.memory_space<vmem_shared>> -> memref<32x128xf32, #tpu.memory_space<vmem_shared>>
    %dma_start3A_220 = arith.constant 0 : i32
    %dma_start3A_221 = tpu.memref_slice %arg5[%multiple_of3A_217, %dma_start3A_220] : memref<10240x128xf32, #tpu.memory_space<vmem_shared>> -> memref<32x128xf32, #tpu.memory_space<vmem_shared>>
    tpu.enqueue_dma source(%arg11 : memref<32x128xf32, #tpu.memory_space<vmem>>) target(%dma_start3A_221 : memref<32x128xf32, #tpu.memory_space<vmem_shared>>) target_semaphore(%arg16 : memref<!tpu.dma_semaphore, #tpu.memory_space<semaphore_mem>>)
    %dma_wait3A_222 = arith.constant 0 : i32
    %dma_wait3A_223 = arith.constant 0 : i32
    %dma_wait3A_224 = tpu.memref_slice %arg5[%dma_wait3A_222, %dma_wait3A_223] : memref<10240x128xf32, #tpu.memory_space<vmem_shared>> -> memref<32x128xf32, #tpu.memory_space<vmem_shared>>
    %dma_wait3A_225 = arith.constant 0 : i32
    %dma_wait3A_226 = arith.constant 0 : i32
    %dma_wait3A_227 = tpu.memref_slice %arg5[%dma_wait3A_225, %dma_wait3A_226] : memref<10240x128xf32, #tpu.memory_space<vmem_shared>> -> memref<32x128xf32, #tpu.memory_space<vmem_shared>>
    tpu.wait_dma2 semaphore(%arg16 : memref<!tpu.dma_semaphore, #tpu.memory_space<semaphore_mem>>) src(%arg11 : memref<32x128xf32, #tpu.memory_space<vmem>>) dst(%dma_wait3A_227 : memref<32x128xf32, #tpu.memory_space<vmem_shared>>)
    %dma_wait3A_228 = arith.constant 0 : i32
    %dma_wait3A_229 = arith.constant 0 : i32
    %dma_wait3A_230 = tpu.memref_slice %arg5[%dma_wait3A_228, %dma_wait3A_229] : memref<10240x128xf32, #tpu.memory_space<vmem_shared>> -> memref<32x128xf32, #tpu.memory_space<vmem_shared>>
    %dma_wait3A_231 = arith.constant 0 : i32
    %dma_wait3A_232 = arith.constant 0 : i32
    %dma_wait3A_233 = tpu.memref_slice %arg5[%dma_wait3A_231, %dma_wait3A_232] : memref<10240x128xf32, #tpu.memory_space<vmem_shared>> -> memref<32x128xf32, #tpu.memory_space<vmem_shared>>
    tpu.wait_dma2 semaphore(%arg16 : memref<!tpu.dma_semaphore, #tpu.memory_space<semaphore_mem>>) src(%arg11 : memref<32x128xf32, #tpu.memory_space<vmem>>) dst(%dma_wait3A_233 : memref<32x128xf32, #tpu.memory_space<vmem_shared>>)
    %dma_wait3A_234 = arith.constant 0 : i32
    %dma_wait3A_235 = arith.constant 0 : i32
    %dma_wait3A_236 = tpu.memref_slice %arg5[%dma_wait3A_234, %dma_wait3A_235] : memref<10240x128xf32, #tpu.memory_space<vmem_shared>> -> memref<32x128xf32, #tpu.memory_space<vmem_shared>>
    %dma_wait3A_237 = arith.constant 0 : i32
    %dma_wait3A_238 = arith.constant 0 : i32
    %dma_wait3A_239 = tpu.memref_slice %arg5[%dma_wait3A_237, %dma_wait3A_238] : memref<10240x128xf32, #tpu.memory_space<vmem_shared>> -> memref<32x128xf32, #tpu.memory_space<vmem_shared>>
    tpu.wait_dma2 semaphore(%arg16 : memref<!tpu.dma_semaphore, #tpu.memory_space<semaphore_mem>>) src(%arg11 : memref<32x128xf32, #tpu.memory_space<vmem>>) dst(%dma_wait3A_239 : memref<32x128xf32, #tpu.memory_space<vmem_shared>>)
    %dma_wait3A_240 = arith.constant 0 : i32
    %dma_wait3A_241 = arith.constant 0 : i32
    %dma_wait3A_242 = tpu.memref_slice %arg5[%dma_wait3A_240, %dma_wait3A_241] : memref<10240x128xf32, #tpu.memory_space<vmem_shared>> -> memref<32x128xf32, #tpu.memory_space<vmem_shared>>
    %dma_wait3A_243 = arith.constant 0 : i32
    %dma_wait3A_244 = arith.constant 0 : i32
    %dma_wait3A_245 = tpu.memref_slice %arg5[%dma_wait3A_243, %dma_wait3A_244] : memref<10240x128xf32, #tpu.memory_space<vmem_shared>> -> memref<32x128xf32, #tpu.memory_space<vmem_shared>>
    tpu.wait_dma2 semaphore(%arg16 : memref<!tpu.dma_semaphore, #tpu.memory_space<semaphore_mem>>) src(%arg11 : memref<32x128xf32, #tpu.memory_space<vmem>>) dst(%dma_wait3A_245 : memref<32x128xf32, #tpu.memory_space<vmem_shared>>)
    %dma_wait3A_246 = arith.constant 0 : i32
    %dma_wait3A_247 = arith.constant 0 : i32
    %dma_wait3A_248 = tpu.memref_slice %arg5[%dma_wait3A_246, %dma_wait3A_247] : memref<10240x128xf32, #tpu.memory_space<vmem_shared>> -> memref<32x128xf32, #tpu.memory_space<vmem_shared>>
    %dma_wait3A_249 = arith.constant 0 : i32
    %dma_wait3A_250 = arith.constant 0 : i32
    %dma_wait3A_251 = tpu.memref_slice %arg5[%dma_wait3A_249, %dma_wait3A_250] : memref<10240x128xf32, #tpu.memory_space<vmem_shared>> -> memref<32x128xf32, #tpu.memory_space<vmem_shared>>
    tpu.wait_dma2 semaphore(%arg16 : memref<!tpu.dma_semaphore, #tpu.memory_space<semaphore_mem>>) src(%arg11 : memref<32x128xf32, #tpu.memory_space<vmem>>) dst(%dma_wait3A_251 : memref<32x128xf32, #tpu.memory_space<vmem_shared>>)
    %dma_wait3A_252 = arith.constant 0 : i32
    %dma_wait3A_253 = arith.constant 0 : i32
    %dma_wait3A_254 = tpu.memref_slice %arg5[%dma_wait3A_252, %dma_wait3A_253] : memref<10240x128xf32, #tpu.memory_space<vmem_shared>> -> memref<32x128xf32, #tpu.memory_space<vmem_shared>>
    %dma_wait3A_255 = arith.constant 0 : i32
    %dma_wait3A_256 = arith.constant 0 : i32
    %dma_wait3A_257 = tpu.memref_slice %arg5[%dma_wait3A_255, %dma_wait3A_256] : memref<10240x128xf32, #tpu.memory_space<vmem_shared>> -> memref<32x128xf32, #tpu.memory_space<vmem_shared>>
    tpu.wait_dma2 semaphore(%arg16 : memref<!tpu.dma_semaphore, #tpu.memory_space<semaphore_mem>>) src(%arg11 : memref<32x128xf32, #tpu.memory_space<vmem>>) dst(%dma_wait3A_257 : memref<32x128xf32, #tpu.memory_space<vmem_shared>>)
    %dma_wait3A_258 = arith.constant 0 : i32
    %dma_wait3A_259 = arith.constant 0 : i32
    %dma_wait3A_260 = tpu.memref_slice %arg5[%dma_wait3A_258, %dma_wait3A_259] : memref<10240x128xf32, #tpu.memory_space<vmem_shared>> -> memref<32x128xf32, #tpu.memory_space<vmem_shared>>
    %dma_wait3A_261 = arith.constant 0 : i32
    %dma_wait3A_262 = arith.constant 0 : i32
    %dma_wait3A_263 = tpu.memref_slice %arg5[%dma_wait3A_261, %dma_wait3A_262] : memref<10240x128xf32, #tpu.memory_space<vmem_shared>> -> memref<32x128xf32, #tpu.memory_space<vmem_shared>>
    tpu.wait_dma2 semaphore(%arg16 : memref<!tpu.dma_semaphore, #tpu.memory_space<semaphore_mem>>) src(%arg11 : memref<32x128xf32, #tpu.memory_space<vmem>>) dst(%dma_wait3A_263 : memref<32x128xf32, #tpu.memory_space<vmem_shared>>)
    %dma_wait3A_264 = arith.constant 0 : i32
    %dma_wait3A_265 = arith.constant 0 : i32
    %dma_wait3A_266 = tpu.memref_slice %arg5[%dma_wait3A_264, %dma_wait3A_265] : memref<10240x128xf32, #tpu.memory_space<vmem_shared>> -> memref<32x128xf32, #tpu.memory_space<vmem_shared>>
    %dma_wait3A_267 = arith.constant 0 : i32
    %dma_wait3A_268 = arith.constant 0 : i32
    %dma_wait3A_269 = tpu.memref_slice %arg5[%dma_wait3A_267, %dma_wait3A_268] : memref<10240x128xf32, #tpu.memory_space<vmem_shared>> -> memref<32x128xf32, #tpu.memory_space<vmem_shared>>
    tpu.wait_dma2 semaphore(%arg16 : memref<!tpu.dma_semaphore, #tpu.memory_space<semaphore_mem>>) src(%arg11 : memref<32x128xf32, #tpu.memory_space<vmem>>) dst(%dma_wait3A_269 : memref<32x128xf32, #tpu.memory_space<vmem_shared>>)
    %dma_wait3A_270 = arith.constant 0 : i32
    %dma_wait3A_271 = arith.constant 0 : i32
    %dma_wait3A_272 = tpu.memref_slice %arg5[%dma_wait3A_270, %dma_wait3A_271] : memref<10240x128xf32, #tpu.memory_space<vmem_shared>> -> memref<32x128xf32, #tpu.memory_space<vmem_shared>>
    %dma_wait3A_273 = arith.constant 0 : i32
    %dma_wait3A_274 = arith.constant 0 : i32
    %dma_wait3A_275 = tpu.memref_slice %arg5[%dma_wait3A_273, %dma_wait3A_274] : memref<10240x128xf32, #tpu.memory_space<vmem_shared>> -> memref<32x128xf32, #tpu.memory_space<vmem_shared>>
    tpu.wait_dma2 semaphore(%arg16 : memref<!tpu.dma_semaphore, #tpu.memory_space<semaphore_mem>>) src(%arg11 : memref<32x128xf32, #tpu.memory_space<vmem>>) dst(%dma_wait3A_275 : memref<32x128xf32, #tpu.memory_space<vmem_shared>>)
    %dma_wait3A_276 = arith.constant 0 : i32
    %dma_wait3A_277 = arith.constant 0 : i32
    %dma_wait3A_278 = tpu.memref_slice %arg5[%dma_wait3A_276, %dma_wait3A_277] : memref<10240x128xf32, #tpu.memory_space<vmem_shared>> -> memref<32x128xf32, #tpu.memory_space<vmem_shared>>
    %dma_wait3A_279 = arith.constant 0 : i32
    %dma_wait3A_280 = arith.constant 0 : i32
    %dma_wait3A_281 = tpu.memref_slice %arg5[%dma_wait3A_279, %dma_wait3A_280] : memref<10240x128xf32, #tpu.memory_space<vmem_shared>> -> memref<32x128xf32, #tpu.memory_space<vmem_shared>>
    tpu.wait_dma2 semaphore(%arg16 : memref<!tpu.dma_semaphore, #tpu.memory_space<semaphore_mem>>) src(%arg11 : memref<32x128xf32, #tpu.memory_space<vmem>>) dst(%dma_wait3A_281 : memref<32x128xf32, #tpu.memory_space<vmem_shared>>)
    %dma_wait3A_282 = arith.constant 0 : i32
    %dma_wait3A_283 = arith.constant 0 : i32
    %dma_wait3A_284 = tpu.memref_slice %arg5[%dma_wait3A_282, %dma_wait3A_283] : memref<10240x128xf32, #tpu.memory_space<vmem_shared>> -> memref<32x128xf32, #tpu.memory_space<vmem_shared>>
    %dma_wait3A_285 = arith.constant 0 : i32
    %dma_wait3A_286 = arith.constant 0 : i32
    %dma_wait3A_287 = tpu.memref_slice %arg5[%dma_wait3A_285, %dma_wait3A_286] : memref<10240x128xf32, #tpu.memory_space<vmem_shared>> -> memref<32x128xf32, #tpu.memory_space<vmem_shared>>
    tpu.wait_dma2 semaphore(%arg16 : memref<!tpu.dma_semaphore, #tpu.memory_space<semaphore_mem>>) src(%arg11 : memref<32x128xf32, #tpu.memory_space<vmem>>) dst(%dma_wait3A_287 : memref<32x128xf32, #tpu.memory_space<vmem_shared>>)
    %dma_wait3A_288 = arith.constant 0 : i32
    %dma_wait3A_289 = arith.constant 0 : i32
    %dma_wait3A_290 = tpu.memref_slice %arg5[%dma_wait3A_288, %dma_wait3A_289] : memref<10240x128xf32, #tpu.memory_space<vmem_shared>> -> memref<32x128xf32, #tpu.memory_space<vmem_shared>>
    %dma_wait3A_291 = arith.constant 0 : i32
    %dma_wait3A_292 = arith.constant 0 : i32
    %dma_wait3A_293 = tpu.memref_slice %arg5[%dma_wait3A_291, %dma_wait3A_292] : memref<10240x128xf32, #tpu.memory_space<vmem_shared>> -> memref<32x128xf32, #tpu.memory_space<vmem_shared>>
    tpu.wait_dma2 semaphore(%arg16 : memref<!tpu.dma_semaphore, #tpu.memory_space<semaphore_mem>>) src(%arg11 : memref<32x128xf32, #tpu.memory_space<vmem>>) dst(%dma_wait3A_293 : memref<32x128xf32, #tpu.memory_space<vmem_shared>>)
    %dma_wait3A_294 = arith.constant 0 : i32
    %dma_wait3A_295 = arith.constant 0 : i32
    %dma_wait3A_296 = tpu.memref_slice %arg5[%dma_wait3A_294, %dma_wait3A_295] : memref<10240x128xf32, #tpu.memory_space<vmem_shared>> -> memref<32x128xf32, #tpu.memory_space<vmem_shared>>
    %dma_wait3A_297 = arith.constant 0 : i32
    %dma_wait3A_298 = arith.constant 0 : i32
    %dma_wait3A_299 = tpu.memref_slice %arg5[%dma_wait3A_297, %dma_wait3A_298] : memref<10240x128xf32, #tpu.memory_space<vmem_shared>> -> memref<32x128xf32, #tpu.memory_space<vmem_shared>>
    tpu.wait_dma2 semaphore(%arg16 : memref<!tpu.dma_semaphore, #tpu.memory_space<semaphore_mem>>) src(%arg11 : memref<32x128xf32, #tpu.memory_space<vmem>>) dst(%dma_wait3A_299 : memref<32x128xf32, #tpu.memory_space<vmem_shared>>)
    %dma_wait3A_300 = arith.constant 0 : i32
    %dma_wait3A_301 = arith.constant 0 : i32
    %dma_wait3A_302 = tpu.memref_slice %arg5[%dma_wait3A_300, %dma_wait3A_301] : memref<10240x128xf32, #tpu.memory_space<vmem_shared>> -> memref<32x128xf32, #tpu.memory_space<vmem_shared>>
    %dma_wait3A_303 = arith.constant 0 : i32
    %dma_wait3A_304 = arith.constant 0 : i32
    %dma_wait3A_305 = tpu.memref_slice %arg5[%dma_wait3A_303, %dma_wait3A_304] : memref<10240x128xf32, #tpu.memory_space<vmem_shared>> -> memref<32x128xf32, #tpu.memory_space<vmem_shared>>
    tpu.wait_dma2 semaphore(%arg16 : memref<!tpu.dma_semaphore, #tpu.memory_space<semaphore_mem>>) src(%arg11 : memref<32x128xf32, #tpu.memory_space<vmem>>) dst(%dma_wait3A_305 : memref<32x128xf32, #tpu.memory_space<vmem_shared>>)
    %dma_wait3A_306 = arith.constant 0 : i32
    %dma_wait3A_307 = arith.constant 0 : i32
    %dma_wait3A_308 = tpu.memref_slice %arg5[%dma_wait3A_306, %dma_wait3A_307] : memref<10240x128xf32, #tpu.memory_space<vmem_shared>> -> memref<32x128xf32, #tpu.memory_space<vmem_shared>>
    %dma_wait3A_309 = arith.constant 0 : i32
    %dma_wait3A_310 = arith.constant 0 : i32
    %dma_wait3A_311 = tpu.memref_slice %arg5[%dma_wait3A_309, %dma_wait3A_310] : memref<10240x128xf32, #tpu.memory_space<vmem_shared>> -> memref<32x128xf32, #tpu.memory_space<vmem_shared>>
    tpu.wait_dma2 semaphore(%arg16 : memref<!tpu.dma_semaphore, #tpu.memory_space<semaphore_mem>>) src(%arg11 : memref<32x128xf32, #tpu.memory_space<vmem>>) dst(%dma_wait3A_311 : memref<32x128xf32, #tpu.memory_space<vmem_shared>>)
    %dma_wait3A_312 = arith.constant 0 : i32
    %dma_wait3A_313 = arith.constant 0 : i32
    %dma_wait3A_314 = tpu.memref_slice %arg5[%dma_wait3A_312, %dma_wait3A_313] : memref<10240x128xf32, #tpu.memory_space<vmem_shared>> -> memref<32x128xf32, #tpu.memory_space<vmem_shared>>
    %dma_wait3A_315 = arith.constant 0 : i32
    %dma_wait3A_316 = arith.constant 0 : i32
    %dma_wait3A_317 = tpu.memref_slice %arg5[%dma_wait3A_315, %dma_wait3A_316] : memref<10240x128xf32, #tpu.memory_space<vmem_shared>> -> memref<32x128xf32, #tpu.memory_space<vmem_shared>>
    tpu.wait_dma2 semaphore(%arg16 : memref<!tpu.dma_semaphore, #tpu.memory_space<semaphore_mem>>) src(%arg11 : memref<32x128xf32, #tpu.memory_space<vmem>>) dst(%dma_wait3A_317 : memref<32x128xf32, #tpu.memory_space<vmem_shared>>)
    %dma_wait3A_318 = arith.constant 0 : i32
    %dma_wait3A_319 = arith.constant 0 : i32
    %dma_wait3A_320 = tpu.memref_slice %arg5[%dma_wait3A_318, %dma_wait3A_319] : memref<10240x128xf32, #tpu.memory_space<vmem_shared>> -> memref<32x128xf32, #tpu.memory_space<vmem_shared>>
    %dma_wait3A_321 = arith.constant 0 : i32
    %dma_wait3A_322 = arith.constant 0 : i32
    %dma_wait3A_323 = tpu.memref_slice %arg5[%dma_wait3A_321, %dma_wait3A_322] : memref<10240x128xf32, #tpu.memory_space<vmem_shared>> -> memref<32x128xf32, #tpu.memory_space<vmem_shared>>
    tpu.wait_dma2 semaphore(%arg16 : memref<!tpu.dma_semaphore, #tpu.memory_space<semaphore_mem>>) src(%arg11 : memref<32x128xf32, #tpu.memory_space<vmem>>) dst(%dma_wait3A_323 : memref<32x128xf32, #tpu.memory_space<vmem_shared>>)
    %dma_wait3A_324 = arith.constant 0 : i32
    %dma_wait3A_325 = arith.constant 0 : i32
    %dma_wait3A_326 = tpu.memref_slice %arg5[%dma_wait3A_324, %dma_wait3A_325] : memref<10240x128xf32, #tpu.memory_space<vmem_shared>> -> memref<32x128xf32, #tpu.memory_space<vmem_shared>>
    %dma_wait3A_327 = arith.constant 0 : i32
    %dma_wait3A_328 = arith.constant 0 : i32
    %dma_wait3A_329 = tpu.memref_slice %arg5[%dma_wait3A_327, %dma_wait3A_328] : memref<10240x128xf32, #tpu.memory_space<vmem_shared>> -> memref<32x128xf32, #tpu.memory_space<vmem_shared>>
    tpu.wait_dma2 semaphore(%arg16 : memref<!tpu.dma_semaphore, #tpu.memory_space<semaphore_mem>>) src(%arg11 : memref<32x128xf32, #tpu.memory_space<vmem>>) dst(%dma_wait3A_329 : memref<32x128xf32, #tpu.memory_space<vmem_shared>>)
    %dma_wait3A_330 = arith.constant 0 : i32
    %dma_wait3A_331 = arith.constant 0 : i32
    %dma_wait3A_332 = tpu.memref_slice %arg5[%dma_wait3A_330, %dma_wait3A_331] : memref<10240x128xf32, #tpu.memory_space<vmem_shared>> -> memref<32x128xf32, #tpu.memory_space<vmem_shared>>
    %dma_wait3A_333 = arith.constant 0 : i32
    %dma_wait3A_334 = arith.constant 0 : i32
    %dma_wait3A_335 = tpu.memref_slice %arg5[%dma_wait3A_333, %dma_wait3A_334] : memref<10240x128xf32, #tpu.memory_space<vmem_shared>> -> memref<32x128xf32, #tpu.memory_space<vmem_shared>>
    tpu.wait_dma2 semaphore(%arg16 : memref<!tpu.dma_semaphore, #tpu.memory_space<semaphore_mem>>) src(%arg11 : memref<32x128xf32, #tpu.memory_space<vmem>>) dst(%dma_wait3A_335 : memref<32x128xf32, #tpu.memory_space<vmem_shared>>)
    %dma_wait3A_336 = arith.constant 0 : i32
    %dma_wait3A_337 = arith.constant 0 : i32
    %dma_wait3A_338 = tpu.memref_slice %arg5[%dma_wait3A_336, %dma_wait3A_337] : memref<10240x128xf32, #tpu.memory_space<vmem_shared>> -> memref<32x128xf32, #tpu.memory_space<vmem_shared>>
    %dma_wait3A_339 = arith.constant 0 : i32
    %dma_wait3A_340 = arith.constant 0 : i32
    %dma_wait3A_341 = tpu.memref_slice %arg5[%dma_wait3A_339, %dma_wait3A_340] : memref<10240x128xf32, #tpu.memory_space<vmem_shared>> -> memref<32x128xf32, #tpu.memory_space<vmem_shared>>
    tpu.wait_dma2 semaphore(%arg16 : memref<!tpu.dma_semaphore, #tpu.memory_space<semaphore_mem>>) src(%arg11 : memref<32x128xf32, #tpu.memory_space<vmem>>) dst(%dma_wait3A_341 : memref<32x128xf32, #tpu.memory_space<vmem_shared>>)
    %barrier3A = arith.constant 0 : index
    tpu.barrier barrier_id(%barrier3A)
    %scan3A_342 = arith.constant 0 : i32
    %scan3A_343 = arith.constant 0 : i32
    %scan3A_344 = arith.constant 39 : i32
    %scan3A_345 = arith.addi %scan3A_343, %scan3A_344 : i32
    %scan3A_346 = arith.constant 1 : i32
    scf.for %scan3A_377 = %scan3A_343 to %scan3A_345 step %scan3A_346  : i32 {
      %mul3A_378 = arith.constant 2 : i32
      %mul3A_379 = arith.muli %mul3A_378, %scan3A_377 : i32
      %dma_wait3A_380 = arith.constant 0 : i32
      %dma_wait3A_381 = tpu.memref_slice %arg2[%dma_wait3A_380] : memref<320000xi32, #tpu.memory_space<hbm>> -> memref<128xi32, #tpu.memory_space<hbm>>
      %dma_wait3A_382 = arith.constant 0 : i32
      %dma_wait3A_383 = tpu.memref_slice %arg2[%dma_wait3A_382] : memref<320000xi32, #tpu.memory_space<hbm>> -> memref<128xi32, #tpu.memory_space<hbm>>
      tpu.wait_dma2 semaphore(%arg14 : memref<!tpu.dma_semaphore, #tpu.memory_space<semaphore_mem>>) src(%dma_wait3A_383 : memref<128xi32, #tpu.memory_space<hbm>>) dst(%arg7 : memref<128xi32, #tpu.memory_space<vmem>>)
      %dma_wait3A_384 = arith.constant 0 : i32
      %dma_wait3A_385 = arith.constant 0 : i32
      %dma_wait3A_386 = tpu.memref_slice %arg3[%dma_wait3A_384, %dma_wait3A_385] : memref<10000x128xf32, #tpu.memory_space<hbm>> -> memref<128x128xf32, #tpu.memory_space<hbm>>
      %dma_wait3A_387 = arith.constant 0 : i32
      %dma_wait3A_388 = arith.constant 0 : i32
      %dma_wait3A_389 = tpu.memref_slice %arg3[%dma_wait3A_387, %dma_wait3A_388] : memref<10000x128xf32, #tpu.memory_space<hbm>> -> memref<128x128xf32, #tpu.memory_space<hbm>>
      tpu.wait_dma2 semaphore(%arg12 : memref<!tpu.dma_semaphore, #tpu.memory_space<semaphore_mem>>) src(%dma_wait3A_389 : memref<128x128xf32, #tpu.memory_space<hbm>>) dst(%arg9 : memref<128x128xf32, #tpu.memory_space<vmem>>)
      "tpu.region"() ({
        %run_scoped3A = tpu.sem_alloc : memref<!tpu.dma_semaphore, #tpu.memory_space<semaphore_mem>>
        %dma_start3A_412 = arith.constant 0 : i32
        %dma_start3A_413 = arith.constant 0 : i32
        %dma_start3A_414 = tpu.memref_slice %arg5[%dma_start3A_412, %dma_start3A_413] : memref<10240x128xf32, #tpu.memory_space<vmem_shared>> -> memref<10240x128xf32, #tpu.memory_space<vmem_shared>>
        tpu.enqueue_indirect_dma source(%arg9 : memref<128x128xf32, #tpu.memory_space<vmem>>) target(%dma_start3A_414 : memref<10240x128xf32, #tpu.memory_space<vmem_shared>>) offsets(%arg7 : memref<128xi32, #tpu.memory_space<vmem>>) semaphore(%run_scoped3A : memref<!tpu.dma_semaphore, #tpu.memory_space<semaphore_mem>>) {add = true}
        %dma_wait3A_415 = arith.constant 0 : i32
        %dma_wait3A_416 = arith.constant 0 : i32
        %dma_wait3A_417 = tpu.memref_slice %arg5[%dma_wait3A_415, %dma_wait3A_416] : memref<10240x128xf32, #tpu.memory_space<vmem_shared>> -> memref<10240x128xf32, #tpu.memory_space<vmem_shared>>
        tpu.wait_indirect_dma semaphore(%run_scoped3A : memref<!tpu.dma_semaphore, #tpu.memory_space<semaphore_mem>>) src(%arg9 : memref<128x128xf32, #tpu.memory_space<vmem>>) dst(%dma_wait3A_417 : memref<10240x128xf32, #tpu.memory_space<vmem_shared>>)
        tpu.yield
      }) : () -> ()
      %add3A_390 = arith.constant 2 : i32
      %add3A_391 = arith.addi %mul3A_379, %add3A_390 : i32
      %lt3A_392 = arith.cmpi slt, %add3A_391, %add3A_2 : i32
      %convert_element_type3A_393 = arith.extui %lt3A_392 : i1 to i32
      %cond3A_394 = arith.constant 0 : i32
      %cond3A_395 = arith.cmpi ne, %convert_element_type3A_393, %cond3A_394 : i32
      scf.if %cond3A_395 {
        %add3A_412 = arith.constant 2 : i32
        %add3A_413 = arith.addi %mul3A_379, %add3A_412 : i32
        %mul3A_414 = arith.constant 128 : i32
        %mul3A_415 = arith.muli %add3A_413, %mul3A_414 : i32
        %add3A_416 = arith.addi %add3A_21, %mul3A_415 : i32
        %multiple_of3A_417 = tpu.assume_multiple %add3A_416, 8 : i32
        %dma_start3A_418 = tpu.memref_slice %arg2[%multiple_of3A_417] : memref<320000xi32, #tpu.memory_space<hbm>> -> memref<128xi32, #tpu.memory_space<hbm>>
        %dma_start3A_419 = tpu.memref_slice %arg2[%multiple_of3A_417] : memref<320000xi32, #tpu.memory_space<hbm>> -> memref<128xi32, #tpu.memory_space<hbm>>
        tpu.enqueue_dma source(%dma_start3A_419 : memref<128xi32, #tpu.memory_space<hbm>>) target(%arg7 : memref<128xi32, #tpu.memory_space<vmem>>) target_semaphore(%arg14 : memref<!tpu.dma_semaphore, #tpu.memory_space<semaphore_mem>>)
        %mul3A_420 = arith.constant 128 : i32
        %mul3A_421 = arith.muli %add3A_413, %mul3A_420 : i32
        %dma_start3A_422 = tpu.memref_slice %arg6[%mul3A_421] : memref<10112xi32, #tpu.memory_space<vmem>> -> memref<128xi32, #tpu.memory_space<vmem>>
        %dma_start3A_423 = arith.constant 0 : i32
        %dma_start3A_424 = arith.constant 0 : i32
        %dma_start3A_425 = tpu.memref_slice %arg3[%dma_start3A_423, %dma_start3A_424] : memref<10000x128xf32, #tpu.memory_space<hbm>> -> memref<10000x128xf32, #tpu.memory_space<hbm>>
        tpu.enqueue_indirect_dma source(%dma_start3A_425 : memref<10000x128xf32, #tpu.memory_space<hbm>>) target(%arg9 : memref<128x128xf32, #tpu.memory_space<vmem>>) offsets(%dma_start3A_422 : memref<128xi32, #tpu.memory_space<vmem>>) semaphore(%arg12 : memref<!tpu.dma_semaphore, #tpu.memory_space<semaphore_mem>>)
      } else {
      }
      %dma_wait3A_396 = arith.constant 0 : i32
      %dma_wait3A_397 = tpu.memref_slice %arg2[%dma_wait3A_396] : memref<320000xi32, #tpu.memory_space<hbm>> -> memref<128xi32, #tpu.memory_space<hbm>>
      %dma_wait3A_398 = arith.constant 0 : i32
      %dma_wait3A_399 = tpu.memref_slice %arg2[%dma_wait3A_398] : memref<320000xi32, #tpu.memory_space<hbm>> -> memref<128xi32, #tpu.memory_space<hbm>>
      tpu.wait_dma2 semaphore(%arg15 : memref<!tpu.dma_semaphore, #tpu.memory_space<semaphore_mem>>) src(%dma_wait3A_399 : memref<128xi32, #tpu.memory_space<hbm>>) dst(%arg8 : memref<128xi32, #tpu.memory_space<vmem>>)
      %dma_wait3A_400 = arith.constant 0 : i32
      %dma_wait3A_401 = arith.constant 0 : i32
      %dma_wait3A_402 = tpu.memref_slice %arg3[%dma_wait3A_400, %dma_wait3A_401] : memref<10000x128xf32, #tpu.memory_space<hbm>> -> memref<128x128xf32, #tpu.memory_space<hbm>>
      %dma_wait3A_403 = arith.constant 0 : i32
      %dma_wait3A_404 = arith.constant 0 : i32
      %dma_wait3A_405 = tpu.memref_slice %arg3[%dma_wait3A_403, %dma_wait3A_404] : memref<10000x128xf32, #tpu.memory_space<hbm>> -> memref<128x128xf32, #tpu.memory_space<hbm>>
      tpu.wait_dma2 semaphore(%arg13 : memref<!tpu.dma_semaphore, #tpu.memory_space<semaphore_mem>>) src(%dma_wait3A_405 : memref<128x128xf32, #tpu.memory_space<hbm>>) dst(%arg10 : memref<128x128xf32, #tpu.memory_space<vmem>>)
      "tpu.region"() ({
        %run_scoped3A = tpu.sem_alloc : memref<!tpu.dma_semaphore, #tpu.memory_space<semaphore_mem>>
        %dma_start3A_412 = arith.constant 0 : i32
        %dma_start3A_413 = arith.constant 0 : i32
        %dma_start3A_414 = tpu.memref_slice %arg5[%dma_start3A_412, %dma_start3A_413] : memref<10240x128xf32, #tpu.memory_space<vmem_shared>> -> memref<10240x128xf32, #tpu.memory_space<vmem_shared>>
        tpu.enqueue_indirect_dma source(%arg10 : memref<128x128xf32, #tpu.memory_space<vmem>>) target(%dma_start3A_414 : memref<10240x128xf32, #tpu.memory_space<vmem_shared>>) offsets(%arg8 : memref<128xi32, #tpu.memory_space<vmem>>) semaphore(%run_scoped3A : memref<!tpu.dma_semaphore, #tpu.memory_space<semaphore_mem>>) {add = true}
        %dma_wait3A_415 = arith.constant 0 : i32
        %dma_wait3A_416 = arith.constant 0 : i32
        %dma_wait3A_417 = tpu.memref_slice %arg5[%dma_wait3A_415, %dma_wait3A_416] : memref<10240x128xf32, #tpu.memory_space<vmem_shared>> -> memref<10240x128xf32, #tpu.memory_space<vmem_shared>>
        tpu.wait_indirect_dma semaphore(%run_scoped3A : memref<!tpu.dma_semaphore, #tpu.memory_space<semaphore_mem>>) src(%arg10 : memref<128x128xf32, #tpu.memory_space<vmem>>) dst(%dma_wait3A_417 : memref<10240x128xf32, #tpu.memory_space<vmem_shared>>)
        tpu.yield
      }) : () -> ()
      %add3A_406 = arith.constant 3 : i32
      %add3A_407 = arith.addi %mul3A_379, %add3A_406 : i32
      %lt3A_408 = arith.cmpi slt, %add3A_407, %add3A_2 : i32
      %convert_element_type3A_409 = arith.extui %lt3A_408 : i1 to i32
      %cond3A_410 = arith.constant 0 : i32
      %cond3A_411 = arith.cmpi ne, %convert_element_type3A_409, %cond3A_410 : i32
      scf.if %cond3A_411 {
        %add3A_412 = arith.constant 3 : i32
        %add3A_413 = arith.addi %mul3A_379, %add3A_412 : i32
        %mul3A_414 = arith.constant 128 : i32
        %mul3A_415 = arith.muli %add3A_413, %mul3A_414 : i32
        %add3A_416 = arith.addi %add3A_21, %mul3A_415 : i32
        %multiple_of3A_417 = tpu.assume_multiple %add3A_416, 8 : i32
        %dma_start3A_418 = tpu.memref_slice %arg2[%multiple_of3A_417] : memref<320000xi32, #tpu.memory_space<hbm>> -> memref<128xi32, #tpu.memory_space<hbm>>
        %dma_start3A_419 = tpu.memref_slice %arg2[%multiple_of3A_417] : memref<320000xi32, #tpu.memory_space<hbm>> -> memref<128xi32, #tpu.memory_space<hbm>>
        tpu.enqueue_dma source(%dma_start3A_419 : memref<128xi32, #tpu.memory_space<hbm>>) target(%arg8 : memref<128xi32, #tpu.memory_space<vmem>>) target_semaphore(%arg15 : memref<!tpu.dma_semaphore, #tpu.memory_space<semaphore_mem>>)
        %mul3A_420 = arith.constant 128 : i32
        %mul3A_421 = arith.muli %add3A_413, %mul3A_420 : i32
        %dma_start3A_422 = tpu.memref_slice %arg6[%mul3A_421] : memref<10112xi32, #tpu.memory_space<vmem>> -> memref<128xi32, #tpu.memory_space<vmem>>
        %dma_start3A_423 = arith.constant 0 : i32
        %dma_start3A_424 = arith.constant 0 : i32
        %dma_start3A_425 = tpu.memref_slice %arg3[%dma_start3A_423, %dma_start3A_424] : memref<10000x128xf32, #tpu.memory_space<hbm>> -> memref<10000x128xf32, #tpu.memory_space<hbm>>
        tpu.enqueue_indirect_dma source(%dma_start3A_425 : memref<10000x128xf32, #tpu.memory_space<hbm>>) target(%arg10 : memref<128x128xf32, #tpu.memory_space<vmem>>) offsets(%dma_start3A_422 : memref<128xi32, #tpu.memory_space<vmem>>) semaphore(%arg13 : memref<!tpu.dma_semaphore, #tpu.memory_space<semaphore_mem>>)
      } else {
      }
    }
    %scan3A_347 = arith.constant 39 : i32
    %jit3A_348 = arith.constant 2 : i32
    %eq3A = arith.constant 0 : i32
    %eq3A_349 = arith.cmpi eq, %jit3A_348, %eq3A : i32
    %jit3A_350 = arith.constant 1 : i32
    %select_n3A_351 = arith.select %eq3A_349, %jit3A_350, %jit3A_348 : i32
    %rem3A = arith.remsi %add3A_2, %select_n3A_351 : i32
    %ne3A = arith.constant 0 : i32
    %ne3A_352 = arith.cmpi ne, %rem3A, %ne3A : i32
    %lt3A_353 = arith.constant 0 : i32
    %lt3A_354 = arith.cmpi slt, %rem3A, %lt3A_353 : i32
    %lt3A_355 = arith.constant 0 : i32
    %lt3A_356 = arith.cmpi slt, %select_n3A_351, %lt3A_355 : i32
    %ne3A_357 = arith.xori %lt3A_354, %lt3A_356 : i1
    %and3A = arith.andi %ne3A_357, %ne3A_352 : i1
    %add3A_358 = arith.addi %rem3A, %select_n3A_351 : i32
    %select_n3A_359 = arith.select %and3A, %add3A_358, %rem3A : i32
    %eq3A_360 = arith.constant 1 : i32
    %eq3A_361 = arith.cmpi eq, %select_n3A_359, %eq3A_360 : i32
    %convert_element_type3A = arith.extui %eq3A_361 : i1 to i32
    %cond3A = arith.constant 0 : i32
    %cond3A_362 = arith.cmpi ne, %convert_element_type3A, %cond3A : i32
    scf.if %cond3A_362 {
      %dma_wait3A_377 = arith.constant 0 : i32
      %dma_wait3A_378 = tpu.memref_slice %arg2[%dma_wait3A_377] : memref<320000xi32, #tpu.memory_space<hbm>> -> memref<128xi32, #tpu.memory_space<hbm>>
      %dma_wait3A_379 = arith.constant 0 : i32
      %dma_wait3A_380 = tpu.memref_slice %arg2[%dma_wait3A_379] : memref<320000xi32, #tpu.memory_space<hbm>> -> memref<128xi32, #tpu.memory_space<hbm>>
      tpu.wait_dma2 semaphore(%arg14 : memref<!tpu.dma_semaphore, #tpu.memory_space<semaphore_mem>>) src(%dma_wait3A_380 : memref<128xi32, #tpu.memory_space<hbm>>) dst(%arg7 : memref<128xi32, #tpu.memory_space<vmem>>)
      %dma_wait3A_381 = arith.constant 0 : i32
      %dma_wait3A_382 = arith.constant 0 : i32
      %dma_wait3A_383 = tpu.memref_slice %arg3[%dma_wait3A_381, %dma_wait3A_382] : memref<10000x128xf32, #tpu.memory_space<hbm>> -> memref<128x128xf32, #tpu.memory_space<hbm>>
      %dma_wait3A_384 = arith.constant 0 : i32
      %dma_wait3A_385 = arith.constant 0 : i32
      %dma_wait3A_386 = tpu.memref_slice %arg3[%dma_wait3A_384, %dma_wait3A_385] : memref<10000x128xf32, #tpu.memory_space<hbm>> -> memref<128x128xf32, #tpu.memory_space<hbm>>
      tpu.wait_dma2 semaphore(%arg12 : memref<!tpu.dma_semaphore, #tpu.memory_space<semaphore_mem>>) src(%dma_wait3A_386 : memref<128x128xf32, #tpu.memory_space<hbm>>) dst(%arg9 : memref<128x128xf32, #tpu.memory_space<vmem>>)
      "tpu.region"() ({
        %run_scoped3A = tpu.sem_alloc : memref<!tpu.dma_semaphore, #tpu.memory_space<semaphore_mem>>
        %dma_start3A_387 = arith.constant 0 : i32
        %dma_start3A_388 = arith.constant 0 : i32
        %dma_start3A_389 = tpu.memref_slice %arg5[%dma_start3A_387, %dma_start3A_388] : memref<10240x128xf32, #tpu.memory_space<vmem_shared>> -> memref<10240x128xf32, #tpu.memory_space<vmem_shared>>
        tpu.enqueue_indirect_dma source(%arg9 : memref<128x128xf32, #tpu.memory_space<vmem>>) target(%dma_start3A_389 : memref<10240x128xf32, #tpu.memory_space<vmem_shared>>) offsets(%arg7 : memref<128xi32, #tpu.memory_space<vmem>>) semaphore(%run_scoped3A : memref<!tpu.dma_semaphore, #tpu.memory_space<semaphore_mem>>) {add = true}
        %dma_wait3A_390 = arith.constant 0 : i32
        %dma_wait3A_391 = arith.constant 0 : i32
        %dma_wait3A_392 = tpu.memref_slice %arg5[%dma_wait3A_390, %dma_wait3A_391] : memref<10240x128xf32, #tpu.memory_space<vmem_shared>> -> memref<10240x128xf32, #tpu.memory_space<vmem_shared>>
        tpu.wait_indirect_dma semaphore(%run_scoped3A : memref<!tpu.dma_semaphore, #tpu.memory_space<semaphore_mem>>) src(%arg9 : memref<128x128xf32, #tpu.memory_space<vmem>>) dst(%dma_wait3A_392 : memref<10240x128xf32, #tpu.memory_space<vmem_shared>>)
        tpu.yield
      }) : () -> ()
    } else {
    }
    %barrier3A_363 = arith.constant 0 : index
    tpu.barrier barrier_id(%barrier3A_363)
    %mul3A_364 = arith.constant 640 : i32
    %mul3A_365 = arith.muli %arg1, %mul3A_364 : i32
    %multiple_of3A_366 = tpu.assume_multiple %mul3A_365, 8 : i32
    %lt3A_367 = arith.constant 15 : i32
    %lt3A_368 = arith.cmpi slt, %arg1, %lt3A_367 : i32
    %convert_element_type3A_369 = arith.extui %lt3A_368 : i1 to i32
    %cond3A_370 = arith.constant 0 : i32
    %cond3A_371 = arith.cmpi ne, %convert_element_type3A_369, %cond3A_370 : i32
    scf.if %cond3A_371 {
      "tpu.region"() ({
        %run_scoped3A = tpu.sem_alloc : memref<!tpu.dma_semaphore, #tpu.memory_space<semaphore_mem>>
        %dma_start3A_377 = arith.constant 0 : i32
        %dma_start3A_378 = tpu.memref_slice %arg4[%multiple_of3A_366, %dma_start3A_377] : memref<10000x128xf32, #tpu.memory_space<hbm>> -> memref<640x128xf32, #tpu.memory_space<hbm>>
        %dma_start3A_379 = arith.constant 0 : i32
        %dma_start3A_380 = tpu.memref_slice %arg5[%multiple_of3A_366, %dma_start3A_379] : memref<10240x128xf32, #tpu.memory_space<vmem_shared>> -> memref<640x128xf32, #tpu.memory_space<vmem_shared>>
        tpu.enqueue_dma source(%dma_start3A_380 : memref<640x128xf32, #tpu.memory_space<vmem_shared>>) target(%dma_start3A_378 : memref<640x128xf32, #tpu.memory_space<hbm>>) target_semaphore(%run_scoped3A : memref<!tpu.dma_semaphore, #tpu.memory_space<semaphore_mem>>)
        %dma_wait3A_381 = arith.constant 0 : i32
        %dma_wait3A_382 = tpu.memref_slice %arg4[%multiple_of3A_366, %dma_wait3A_381] : memref<10000x128xf32, #tpu.memory_space<hbm>> -> memref<640x128xf32, #tpu.memory_space<hbm>>
        %dma_wait3A_383 = arith.constant 0 : i32
        %dma_wait3A_384 = tpu.memref_slice %arg5[%multiple_of3A_366, %dma_wait3A_383] : memref<10240x128xf32, #tpu.memory_space<vmem_shared>> -> memref<640x128xf32, #tpu.memory_space<vmem_shared>>
        tpu.wait_dma2 semaphore(%run_scoped3A : memref<!tpu.dma_semaphore, #tpu.memory_space<semaphore_mem>>) src(%dma_wait3A_384 : memref<640x128xf32, #tpu.memory_space<vmem_shared>>) dst(%dma_wait3A_382 : memref<640x128xf32, #tpu.memory_space<hbm>>)
        tpu.yield
      }) : () -> ()
    } else {
    }
    %eq3A_372 = arith.constant 15 : i32
    %eq3A_373 = arith.cmpi eq, %arg1, %eq3A_372 : i32
    %convert_element_type3A_374 = arith.extui %eq3A_373 : i1 to i32
    %cond3A_375 = arith.constant 0 : i32
    %cond3A_376 = arith.cmpi ne, %convert_element_type3A_374, %cond3A_375 : i32
    scf.if %cond3A_376 {
      "tpu.region"() ({
        %run_scoped3A = tpu.sem_alloc : memref<!tpu.dma_semaphore, #tpu.memory_space<semaphore_mem>>
        %dma_start3A_377 = arith.constant 0 : i32
        %dma_start3A_378 = tpu.memref_slice %arg4[%multiple_of3A_366, %dma_start3A_377] : memref<10000x128xf32, #tpu.memory_space<hbm>> -> memref<400x128xf32, #tpu.memory_space<hbm>>
        %dma_start3A_379 = arith.constant 0 : i32
        %dma_start3A_380 = tpu.memref_slice %arg5[%multiple_of3A_366, %dma_start3A_379] : memref<10240x128xf32, #tpu.memory_space<vmem_shared>> -> memref<400x128xf32, #tpu.memory_space<vmem_shared>>
        tpu.enqueue_dma source(%dma_start3A_380 : memref<400x128xf32, #tpu.memory_space<vmem_shared>>) target(%dma_start3A_378 : memref<400x128xf32, #tpu.memory_space<hbm>>) target_semaphore(%run_scoped3A : memref<!tpu.dma_semaphore, #tpu.memory_space<semaphore_mem>>)
        %dma_wait3A_381 = arith.constant 0 : i32
        %dma_wait3A_382 = tpu.memref_slice %arg4[%multiple_of3A_366, %dma_wait3A_381] : memref<10000x128xf32, #tpu.memory_space<hbm>> -> memref<400x128xf32, #tpu.memory_space<hbm>>
        %dma_wait3A_383 = arith.constant 0 : i32
        %dma_wait3A_384 = tpu.memref_slice %arg5[%multiple_of3A_366, %dma_wait3A_383] : memref<10240x128xf32, #tpu.memory_space<vmem_shared>> -> memref<400x128xf32, #tpu.memory_space<vmem_shared>>
        tpu.wait_dma2 semaphore(%run_scoped3A : memref<!tpu.dma_semaphore, #tpu.memory_space<semaphore_mem>>) src(%dma_wait3A_384 : memref<400x128xf32, #tpu.memory_space<vmem_shared>>) dst(%dma_wait3A_382 : memref<400x128xf32, #tpu.memory_space<hbm>>)
        tpu.yield
      }) : () -> ()
    } else {
    }
    return
  }
}

#map = affine_map<(d0, d1) -> (0)>
module attributes {stable_mosaic.version = 14 : i64} {
  func.func @body(%arg0: i32, %arg1: i32, %arg2: memref<320000xi32, #tpu.memory_space<hbm>>, %arg3: memref<160000xf32, #tpu.memory_space<hbm>>, %arg4: memref<10000xi32, #tpu.memory_space<vmem>>, %arg5: memref<10000xf32, #tpu.memory_space<vmem>>) attributes {dimension_semantics = [#tpu.dimension_semantics<core_parallel>, #tpu.dimension_semantics<subcore_parallel>], iteration_bounds = array<i64: 1, 16>, scalar_prefetch = 0 : i64, scratch_operands = 2 : i64, tpu.core_type = #tpu.core_type<sc_vector_subcore>, window_params = [{transform_indices = #map}, {transform_indices = #map}]} {
    %mul3A = arith.constant 10000 : i32
    %mul3A_0 = arith.muli %arg1, %mul3A : i32
    %add3A = arith.constant 160000 : i32
    %add3A_1 = arith.addi %add3A, %mul3A_0 : i32
    %multiple_of3A = tpu.assume_multiple %add3A_1, 8 : i32
    "tpu.region"() ({
      %run_scoped3A = tpu.sem_alloc : memref<!tpu.dma_semaphore, #tpu.memory_space<semaphore_mem>>
      %dma_start3A = tpu.memref_slice %arg2[%multiple_of3A] : memref<320000xi32, #tpu.memory_space<hbm>> -> memref<10000xi32, #tpu.memory_space<hbm>>
      %dma_start3A_21 = tpu.memref_slice %arg2[%multiple_of3A] : memref<320000xi32, #tpu.memory_space<hbm>> -> memref<10000xi32, #tpu.memory_space<hbm>>
      tpu.enqueue_dma source(%dma_start3A_21 : memref<10000xi32, #tpu.memory_space<hbm>>) target(%arg4 : memref<10000xi32, #tpu.memory_space<vmem>>) target_semaphore(%run_scoped3A : memref<!tpu.dma_semaphore, #tpu.memory_space<semaphore_mem>>)
      %dma_wait3A = tpu.memref_slice %arg2[%multiple_of3A] : memref<320000xi32, #tpu.memory_space<hbm>> -> memref<10000xi32, #tpu.memory_space<hbm>>
      %dma_wait3A_22 = tpu.memref_slice %arg2[%multiple_of3A] : memref<320000xi32, #tpu.memory_space<hbm>> -> memref<10000xi32, #tpu.memory_space<hbm>>
      tpu.wait_dma2 semaphore(%run_scoped3A : memref<!tpu.dma_semaphore, #tpu.memory_space<semaphore_mem>>) src(%dma_wait3A_22 : memref<10000xi32, #tpu.memory_space<hbm>>) dst(%arg4 : memref<10000xi32, #tpu.memory_space<vmem>>)
      tpu.yield
    }) : () -> ()
    %broadcast_in_dim3A = arith.constant 0.000000e+00 : f32
    %broadcast_in_dim3A_2 = vector.broadcast %broadcast_in_dim3A : f32 to vector<16xf32>
    %scan3A = arith.constant 0 : i32
    %scan3A_3 = arith.constant 0 : i32
    %scan3A_4 = arith.constant 625 : i32
    %scan3A_5 = arith.addi %scan3A_3, %scan3A_4 : i32
    %scan3A_6 = arith.constant 1 : i32
    scf.for %scan3A_21 = %scan3A_3 to %scan3A_5 step %scan3A_6  : i32 {
      %mul3A_22 = arith.constant 16 : i32
      %mul3A_23 = arith.muli %scan3A_21, %mul3A_22 : i32
      %swap3A = arith.index_cast %mul3A_23 : i32 to index
      %swap3A_24 = tpu.vector_load %arg5[%swap3A] {strides = array<i32>} : memref<10000xf32, #tpu.memory_space<vmem>>, vector<16xf32>,
      tpu.vector_store %arg5[%swap3A], %broadcast_in_dim3A_2 {strides = array<i32>} : memref<10000xf32, #tpu.memory_space<vmem>>, vector<16xf32>,
    }
    %scan3A_7 = arith.constant 625 : i32
    %broadcast_in_dim3A_8 = arith.constant 1.000000e+00 : f32
    %broadcast_in_dim3A_9 = vector.broadcast %broadcast_in_dim3A_8 : f32 to vector<16xf32>
    %broadcast_in_dim3A_10 = arith.constant true
    %broadcast_in_dim3A_11 = vector.broadcast %broadcast_in_dim3A_10 : i1 to vector<16xi1>
    %scan3A_12 = arith.constant 0 : i32
    %scan3A_13 = arith.constant 0 : i32
    %scan3A_14 = arith.constant 125 : i32
    %scan3A_15 = arith.addi %scan3A_13, %scan3A_14 : i32
    %scan3A_16 = arith.constant 1 : i32
    scf.for %scan3A_21 = %scan3A_13 to %scan3A_15 step %scan3A_16  : i32 {
      %mul3A_22 = arith.constant 5 : i32
      %mul3A_23 = arith.muli %scan3A_21, %mul3A_22 : i32
      %add3A_24 = arith.constant 0 : i32
      %add3A_25 = arith.addi %mul3A_23, %add3A_24 : i32
      %mul3A_26 = arith.constant 16 : i32
      %mul3A_27 = arith.muli %add3A_25, %mul3A_26 : i32
      %get3A = arith.index_cast %mul3A_27 : i32 to index
      %get3A_28 = tpu.vector_load %arg4[%get3A] {strides = array<i32>} : memref<10000xi32, #tpu.memory_space<vmem>>, vector<16xi32>,
      tpu.vector_store_idx %arg5[%get3A_28], %broadcast_in_dim3A_9 masked %broadcast_in_dim3A_11 {add = true} : memref<10000xf32, #tpu.memory_space<vmem>>[vector<16xi32>], vector<16xf32>, vector<16xi1>
      %mul3A_29 = arith.constant 5 : i32
      %mul3A_30 = arith.muli %scan3A_21, %mul3A_29 : i32
      %add3A_31 = arith.constant 1 : i32
      %add3A_32 = arith.addi %mul3A_30, %add3A_31 : i32
      %mul3A_33 = arith.constant 16 : i32
      %mul3A_34 = arith.muli %add3A_32, %mul3A_33 : i32
      %get3A_35 = arith.index_cast %mul3A_34 : i32 to index
      %get3A_36 = tpu.vector_load %arg4[%get3A_35] {strides = array<i32>} : memref<10000xi32, #tpu.memory_space<vmem>>, vector<16xi32>,
      tpu.vector_store_idx %arg5[%get3A_36], %broadcast_in_dim3A_9 masked %broadcast_in_dim3A_11 {add = true} : memref<10000xf32, #tpu.memory_space<vmem>>[vector<16xi32>], vector<16xf32>, vector<16xi1>
      %mul3A_37 = arith.constant 5 : i32
      %mul3A_38 = arith.muli %scan3A_21, %mul3A_37 : i32
      %add3A_39 = arith.constant 2 : i32
      %add3A_40 = arith.addi %mul3A_38, %add3A_39 : i32
      %mul3A_41 = arith.constant 16 : i32
      %mul3A_42 = arith.muli %add3A_40, %mul3A_41 : i32
      %get3A_43 = arith.index_cast %mul3A_42 : i32 to index
      %get3A_44 = tpu.vector_load %arg4[%get3A_43] {strides = array<i32>} : memref<10000xi32, #tpu.memory_space<vmem>>, vector<16xi32>,
      tpu.vector_store_idx %arg5[%get3A_44], %broadcast_in_dim3A_9 masked %broadcast_in_dim3A_11 {add = true} : memref<10000xf32, #tpu.memory_space<vmem>>[vector<16xi32>], vector<16xf32>, vector<16xi1>
      %mul3A_45 = arith.constant 5 : i32
      %mul3A_46 = arith.muli %scan3A_21, %mul3A_45 : i32
      %add3A_47 = arith.constant 3 : i32
      %add3A_48 = arith.addi %mul3A_46, %add3A_47 : i32
      %mul3A_49 = arith.constant 16 : i32
      %mul3A_50 = arith.muli %add3A_48, %mul3A_49 : i32
      %get3A_51 = arith.index_cast %mul3A_50 : i32 to index
      %get3A_52 = tpu.vector_load %arg4[%get3A_51] {strides = array<i32>} : memref<10000xi32, #tpu.memory_space<vmem>>, vector<16xi32>,
      tpu.vector_store_idx %arg5[%get3A_52], %broadcast_in_dim3A_9 masked %broadcast_in_dim3A_11 {add = true} : memref<10000xf32, #tpu.memory_space<vmem>>[vector<16xi32>], vector<16xf32>, vector<16xi1>
      %mul3A_53 = arith.constant 5 : i32
      %mul3A_54 = arith.muli %scan3A_21, %mul3A_53 : i32
      %add3A_55 = arith.constant 4 : i32
      %add3A_56 = arith.addi %mul3A_54, %add3A_55 : i32
      %mul3A_57 = arith.constant 16 : i32
      %mul3A_58 = arith.muli %add3A_56, %mul3A_57 : i32
      %get3A_59 = arith.index_cast %mul3A_58 : i32 to index
      %get3A_60 = tpu.vector_load %arg4[%get3A_59] {strides = array<i32>} : memref<10000xi32, #tpu.memory_space<vmem>>, vector<16xi32>,
      tpu.vector_store_idx %arg5[%get3A_60], %broadcast_in_dim3A_9 masked %broadcast_in_dim3A_11 {add = true} : memref<10000xf32, #tpu.memory_space<vmem>>[vector<16xi32>], vector<16xf32>, vector<16xi1>
    }
    %scan3A_17 = arith.constant 125 : i32
    %mul3A_18 = arith.constant 10000 : i32
    %mul3A_19 = arith.muli %arg1, %mul3A_18 : i32
    %multiple_of3A_20 = tpu.assume_multiple %mul3A_19, 8 : i32
    "tpu.region"() ({
      %run_scoped3A = tpu.sem_alloc : memref<!tpu.dma_semaphore, #tpu.memory_space<semaphore_mem>>
      %dma_start3A = tpu.memref_slice %arg3[%multiple_of3A_20] : memref<160000xf32, #tpu.memory_space<hbm>> -> memref<10000xf32, #tpu.memory_space<hbm>>
      %dma_start3A_21 = tpu.memref_slice %arg3[%multiple_of3A_20] : memref<160000xf32, #tpu.memory_space<hbm>> -> memref<10000xf32, #tpu.memory_space<hbm>>
      tpu.enqueue_dma source(%arg5 : memref<10000xf32, #tpu.memory_space<vmem>>) target(%dma_start3A_21 : memref<10000xf32, #tpu.memory_space<hbm>>) target_semaphore(%run_scoped3A : memref<!tpu.dma_semaphore, #tpu.memory_space<semaphore_mem>>)
      %dma_wait3A = tpu.memref_slice %arg3[%multiple_of3A_20] : memref<160000xf32, #tpu.memory_space<hbm>> -> memref<10000xf32, #tpu.memory_space<hbm>>
      %dma_wait3A_22 = tpu.memref_slice %arg3[%multiple_of3A_20] : memref<160000xf32, #tpu.memory_space<hbm>> -> memref<10000xf32, #tpu.memory_space<hbm>>
      tpu.wait_dma2 semaphore(%run_scoped3A : memref<!tpu.dma_semaphore, #tpu.memory_space<semaphore_mem>>) src(%arg5 : memref<10000xf32, #tpu.memory_space<vmem>>) dst(%dma_wait3A_22 : memref<10000xf32, #tpu.memory_space<hbm>>)
      tpu.yield
    }) : () -> ()
    return
  }
}

module attributes {stable_mosaic.version = 14 : i64} {
  func.func @_scale_body(%arg0: i32, %arg1: memref<2000x128xf32, #tpu.memory_space<vmem>>, %arg2: memref<2000x16xf32, #tpu.memory_space<vmem>>, %arg3: memref<2000x128xf32, #tpu.memory_space<vmem>>) attributes {dimension_semantics = [#tpu.dimension_semantics<arbitrary>], iteration_bounds = array<i64: 5>, scalar_prefetch = 0 : i64, scratch_operands = 0 : i64, tpu.core_type = #tpu.core_type<tc>, window_params = [{transform_indices = @transform_0, window_bounds = array<i64: 2000, 128>}, {transform_indices = @transform_1, window_bounds = array<i64: 2000, 16>}, {transform_indices = @transform_2, window_bounds = array<i64: 2000, 128>}]} {
    %get3A = arith.constant 0 : index
    %get3A_0 = arith.constant 0 : index
    %get3A_1 = vector.load %arg2[%get3A, %get3A_0] : memref<2000x16xf32, #tpu.memory_space<vmem>>, vector<2000x16xf32>
    %reduce_sum3A = arith.constant dense<0.000000e+00> : vector<2000xf32>
    %reduce_sum3A_2 = vector.multi_reduction <add>, %get3A_1, %reduce_sum3A [1] : vector<2000x16xf32> to vector<2000xf32>
    %jit3A = arith.constant 1.000000e+00 : f32
    %max3A = vector.broadcast %jit3A : f32 to vector<2000xf32>
    %max3A_3 = arith.maximumf %max3A, %reduce_sum3A_2 : vector<2000xf32>
    %rsqrt3A = math.rsqrt %max3A_3 : vector<2000xf32>
    %get3A_4 = arith.constant 0 : index
    %get3A_5 = arith.constant 0 : index
    %get3A_6 = vector.load %arg1[%get3A_4, %get3A_5] : memref<2000x128xf32, #tpu.memory_space<vmem>>, vector<2000x128xf32>
    %broadcast_in_dim3A = vector.shape_cast %rsqrt3A : vector<2000xf32> to vector<2000x1xf32>
    %mul3A = vector.broadcast %broadcast_in_dim3A : vector<2000x1xf32> to vector<2000x128xf32>
    %mul3A_7 = arith.mulf %get3A_6, %mul3A : vector<2000x128xf32>
    %swap3A = arith.constant 0 : index
    %swap3A_8 = arith.constant 0 : index
    %swap3A_9 = vector.load %arg3[%swap3A, %swap3A_8] : memref<2000x128xf32, #tpu.memory_space<vmem>>, vector<2000x128xf32>
    tpu.vector_store %arg3[%swap3A, %swap3A_8], %mul3A_7 {strides = array<i32>} : memref<2000x128xf32, #tpu.memory_space<vmem>>, vector<2000x128xf32>,
    return
  }
  func.func @transform_0(%arg0: i32) -> (i32, i32) {
    %c0_i32 = arith.constant 0 : i32
    %c0_i32_0 = arith.constant 0 : i32
    return %arg0, %c0_i32 : i32, i32
  }
  func.func @transform_1(%arg0: i32) -> (i32, i32) {
    %c0_i32 = arith.constant 0 : i32
    %c0_i32_0 = arith.constant 0 : i32
    return %arg0, %c0_i32 : i32, i32
  }
  func.func @transform_2(%arg0: i32) -> (i32, i32) {
    %c0_i32 = arith.constant 0 : i32
    %c0_i32_0 = arith.constant 0 : i32
    return %arg0, %c0_i32 : i32, i32
  }
}

module attributes {stable_mosaic.version = 14 : i64} {
  func.func @_matmul_body(%arg0: i32, %arg1: memref<2000x128xf32, #tpu.memory_space<vmem>>, %arg2: memref<2000x128xf32, #tpu.memory_space<vmem>>, %arg3: memref<256x256xf32, #tpu.memory_space<vmem>>, %arg4: memref<1x256xf32, #tpu.memory_space<vmem>>, %arg5: memref<2000x16xf32, #tpu.memory_space<vmem>>, %arg6: memref<2000x256xf32, #tpu.memory_space<vmem>>) attributes {dimension_semantics = [#tpu.dimension_semantics<arbitrary>], iteration_bounds = array<i64: 5>, scalar_prefetch = 0 : i64, scratch_operands = 0 : i64, tpu.core_type = #tpu.core_type<tc>, window_params = [{transform_indices = @transform_0, window_bounds = array<i64: 2000, 128>}, {transform_indices = @transform_1, window_bounds = array<i64: 2000, 128>}, {pipeline_mode = #tpu.pipeline_mode<synchronous>, transform_indices = @transform_2, window_bounds = array<i64: 256, 256>}, {pipeline_mode = #tpu.pipeline_mode<synchronous>, transform_indices = @transform_3, window_bounds = array<i64: 1, 256>}, {transform_indices = @transform_4, window_bounds = array<i64: 2000, 16>}, {transform_indices = @transform_5, window_bounds = array<i64: 2000, 256>}]} {
    %get3A = arith.constant 0 : index
    %get3A_0 = arith.constant 0 : index
    %get3A_1 = vector.load %arg1[%get3A, %get3A_0] : memref<2000x128xf32, #tpu.memory_space<vmem>>, vector<2000x128xf32>
    %get3A_2 = arith.constant 0 : index
    %get3A_3 = arith.constant 0 : index
    %get3A_4 = vector.load %arg3[%get3A_2, %get3A_3] : memref<256x256xf32, #tpu.memory_space<vmem>>, vector<128x256xf32>
    %dot_general3A = arith.constant dense<0.000000e+00> : vector<2000x256xf32>
    %dot_general3A_5 = tpu.matmul %get3A_1, %get3A_4, %dot_general3A {dimension_numbers = #tpu.dot_dimension_numbers<[1], [0], [0], [1], [0, 0, 1, 1], [], []>, transpose_lhs_hint = false} : vector<2000x128xf32>, vector<128x256xf32>, vector<2000x256xf32> -> vector<2000x256xf32>
    %get3A_6 = arith.constant 0 : index
    %get3A_7 = arith.constant 0 : index
    %get3A_8 = vector.load %arg2[%get3A_6, %get3A_7] : memref<2000x128xf32, #tpu.memory_space<vmem>>, vector<2000x128xf32>
    %get3A_9 = arith.constant 128 : index
    %get3A_10 = arith.constant 0 : index
    %get3A_11 = vector.load %arg3[%get3A_9, %get3A_10] : memref<256x256xf32, #tpu.memory_space<vmem>>, vector<128x256xf32>
    %dot_general3A_12 = arith.constant dense<0.000000e+00> : vector<2000x256xf32>
    %dot_general3A_13 = tpu.matmul %get3A_8, %get3A_11, %dot_general3A_12 {dimension_numbers = #tpu.dot_dimension_numbers<[1], [0], [0], [1], [0, 0, 1, 1], [], []>, transpose_lhs_hint = false} : vector<2000x128xf32>, vector<128x256xf32>, vector<2000x256xf32> -> vector<2000x256xf32>
    %add3A = arith.addf %dot_general3A_5, %dot_general3A_13 : vector<2000x256xf32>
    %get3A_14 = arith.constant 0 : index
    %get3A_15 = arith.constant 0 : index
    %get3A_16 = vector.load %arg5[%get3A_14, %get3A_15] : memref<2000x16xf32, #tpu.memory_space<vmem>>, vector<2000x16xf32>
    %reduce_sum3A = arith.constant dense<0.000000e+00> : vector<2000xf32>
    %reduce_sum3A_17 = vector.multi_reduction <add>, %get3A_16, %reduce_sum3A [1] : vector<2000x16xf32> to vector<2000xf32>
    %jit3A = arith.constant 1.000000e+00 : f32
    %max3A = vector.broadcast %jit3A : f32 to vector<2000xf32>
    %max3A_18 = arith.maximumf %max3A, %reduce_sum3A_17 : vector<2000xf32>
    %rsqrt3A = math.rsqrt %max3A_18 : vector<2000xf32>
    %broadcast_in_dim3A = vector.shape_cast %rsqrt3A : vector<2000xf32> to vector<2000x1xf32>
    %mul3A = vector.broadcast %broadcast_in_dim3A : vector<2000x1xf32> to vector<2000x256xf32>
    %mul3A_19 = arith.mulf %add3A, %mul3A : vector<2000x256xf32>
    %get3A_20 = arith.constant 0 : index
    %get3A_21 = arith.constant 0 : index
    %get3A_22 = vector.load %arg4[%get3A_20, %get3A_21] : memref<1x256xf32, #tpu.memory_space<vmem>>, vector<1x256xf32>
    %add3A_23 = vector.broadcast %get3A_22 : vector<1x256xf32> to vector<2000x256xf32>
    %add3A_24 = arith.addf %mul3A_19, %add3A_23 : vector<2000x256xf32>
    %swap3A = arith.constant 0 : index
    %swap3A_25 = arith.constant 0 : index
    %swap3A_26 = vector.load %arg6[%swap3A, %swap3A_25] : memref<2000x256xf32, #tpu.memory_space<vmem>>, vector<2000x256xf32>
    tpu.vector_store %arg6[%swap3A, %swap3A_25], %add3A_24 {strides = array<i32>} : memref<2000x256xf32, #tpu.memory_space<vmem>>, vector<2000x256xf32>,
    return
  }
  func.func @transform_0(%arg0: i32) -> (i32, i32) {
    %c0_i32 = arith.constant 0 : i32
    %c0_i32_0 = arith.constant 0 : i32
    return %arg0, %c0_i32 : i32, i32
  }
  func.func @transform_1(%arg0: i32) -> (i32, i32) {
    %c0_i32 = arith.constant 0 : i32
    %c0_i32_0 = arith.constant 0 : i32
    return %arg0, %c0_i32 : i32, i32
  }
  func.func @transform_2(%arg0: i32) -> (i32, i32) {
    %c0_i32 = arith.constant 0 : i32
    %c0_i32_0 = arith.constant 0 : i32
    %c0_i32_1 = arith.constant 0 : i32
    return %c0_i32, %c0_i32_0 : i32, i32
  }
  func.func @transform_3(%arg0: i32) -> (i32, i32) {
    %c0_i32 = arith.constant 0 : i32
    %c0_i32_0 = arith.constant 0 : i32
    %c0_i32_1 = arith.constant 0 : i32
    return %c0_i32, %c0_i32_0 : i32, i32
  }
  func.func @transform_4(%arg0: i32) -> (i32, i32) {
    %c0_i32 = arith.constant 0 : i32
    %c0_i32_0 = arith.constant 0 : i32
    return %arg0, %c0_i32 : i32, i32
  }
  func.func @transform_5(%arg0: i32) -> (i32, i32) {
    %c0_i32 = arith.constant 0 : i32
    %c0_i32_0 = arith.constant 0 : i32
    return %arg0, %c0_i32 : i32, i32
  }
}

</mosaic_0001>

<sc_bundles>
// kernel: kernel.12.cloned.1.call-start
scs
__scs_entry_jumppad:
0x0: {  	(pc) =	sbr.rel $0x88, $3  }
0x1: {  	(tag) =	ssettag $0x0;
	lr =	simm.s32 $0x1  }
0x2: {  	[smem:$0x3F9C] =	sst lr;
	_ =	strace $0xD0000000  }
0x3: {  	_ = 	snop  }
0x4: {  	_ = 	snop  }
0x5: {  	_ = 	snop  }
0x6: {  	_ = 	snop  }
0x7: {  	_ = 	snop  }
__scs_overlays_trampoline_lowered:
0x8: {  	[smem:$0x3FAB] =	sst s0  }
0x9: {  	[smem:$0x3FAC] =	sst s1  }
0xa: {  	[smem:$0x3FAD] =	sst s2  }
0xb: {  	[smem:$0x3FAE] =	sst s3  }
0xc: {  	[smem:$0x3FAF] =	sst s4  }
0xd: {  	[smem:$0x3FB0] =	sst s5  }
0xe: {  	[smem:$0x3FB1] =	sst s6  }
0xf: {  	[smem:$0x3FB2] =	sst s7  }
0x10: {  	[smem:$0x3FB3] =	sst s8  }
0x11: {  	[smem:$0x3FB4] =	sst s9;
	s0 =	simm.s32 @!p0 $0x0  }
0x12: {  	s1 =	sld [smem:$0x3F9A];
	s0 =	simm.s32 @p0 $0x1  }
0x13: {  	[smem:$0x3FB5] =	sst s0;
	s0 =	simm.s32 @!p1 $0x0  }
0x14: {  	s2 =	sld [smem:$0x3F99];
	s0 =	simm.s32 @p1 $0x1  }
0x15: {  	[smem:$0x3FB6] =	sst s0;
	s0 =	simm.s32 @!p2 $0x0  }
0x16: {  	s3 =	sld [smem:$0x3FDB];
	s0 =	simm.s32 @p2 $0x1  }
0x17: {  	s4 =	simm.s32 $0x1BF5;
	[smem:$0x3FB8] =	sst s0  }
0x18: {  	s0 =	sld [smem:$0x3F9B];
	_ =	swait.ge [sflag:s4], $0x0  }
0x19: {  	s7 =	sld [smem:$0x3F9C]  }
0x1a: {  	s8 =	sadd.s32 $0xFFFFE003, lr  }
0x1b: {  	s9 =	sadd.s32 $0xFFFFFEF7, lr;
	s5 =	simm.s32 $0xFFFFFFFF;
	p2 =	slt.u32 s8, $0xFFFFF086  }
0x1c: {  	p1 =	slt.u32 s9, $0xF7A;
	s5 =	simm.s32 @!p2 $0x0  }
0x1d: {  	s5 =	simm.s32 @p1 $0x1;
	p0 =	seq.s32 s7, s2  }
0x1e: {  	s7 =	smul.u32 @!p0 $0xF7A, s2;
	p2 =	seq.s32 @!p0 s5, $0x0  }
0x1f: {  	s9 =	smul.u32 $0xF7A, s1;
	s8 =	simm.s32 @!p0 $0x1BF5;
	p2 =	por !p2, p0  }
0x20: {  	[sflag:s8] =	ssyncset.s32 @!p0 $0xFFFFF086;
	s6 =	sadd.s32 @!p0 s3, s7;
	s7 =	simm.s32 @!p0 $0x108  }
0x21: {  	s3 =	sadd.s32 s3, s9;
	s6 =	sadd.s32 @!p0 $0x88, s6;
	s7 =	simm.s32 @p2 $0x1082  }
0x22: {  	[simem:s7], [sflag:s8] =	dma.local @!p0 [hbm:s6], $0xF7A  }
0x23: {  	s9 =	sor.u32 $0xD0000000, s2;
	s6 =	simm.s32 $0x108;
	_ =	swait.ge @!p0 [sflag:s8], $0x0  }
0x24: {  	s3 =	sadd.s32 $0x88, s3;
	s6 =	simm.s32 @!p1 $0x1082;
	[sflag:s4] =	ssyncset.s32 $0xFFFFF086  }
0x25: {  	[simem:s6], [sflag:s4] =	dma.local [hbm:s3], $0xF7A  }
0x26: {  	[smem:$0x3F9C] =	sst s1;
	(tag) =	ssettag s2;
	_ =	strace s9  }
0x27: {  	s1 =	sld [smem:$0x3FAC]  }
0x28: {  	s2 =	sld [smem:$0x3FAD]  }
0x29: {  	s4 =	sld [smem:$0x3FAF]  }
0x2a: {  	p0 =	seq.s32 s5, $0x0;
	s5 =	sld [smem:$0x3FB0]  }
0x2b: {  	s6 =	sld [smem:$0x3FB1]  }
0x2c: {  	s7 =	sld [smem:$0x3FB2]  }
0x2d: {  	s3 =	simm.s32 $0x108;
	s8 =	sld [smem:$0x3FB3]  }
0x2e: {  	s3 =	simm.s32 @!p0 $0x1082;
	s9 =	sld [smem:$0x3FB4]  }
0x2f: {  	lr =	sadd.s32 s0, s3;
	s0 =	sld [smem:$0x3FAB]  }
0x30: {  	s3 =	sld [smem:$0x3FAE]  }
0x31: {  	[smem:$0x3FB7] =	sst s10  }
0x32: {  	s10 =	sld [smem:$0x3FB5];
	_ =	sdelay $0x3  }
0x33: {  	p0 =	seq.s32 s10, $0x1;
	s10 =	sld [smem:$0x3FB7];
	_ =	sdelay $0x3  }
0x34: {  	[smem:$0x3FB7] =	sst s10  }
0x35: {  	s10 =	sld [smem:$0x3FB6];
	_ =	sdelay $0x3  }
0x36: {  	p1 =	seq.s32 s10, $0x1;
	s10 =	sld [smem:$0x3FB7];
	_ =	sdelay $0x3  }
0x37: {  	[smem:$0x3FB7] =	sst s10  }
0x38: {  	s10 =	sld [smem:$0x3FB8]  }
0x39: {  	_ = 	snop;
	(pc) =	sbr.ind lr, $3  }
0x3a: {  	_ = 	snop  }
0x3b: {  	_ = 	snop  }
0x3c: {  	p2 =	seq.s32 s10, $0x1;
	s10 =	sld [smem:$0x3FB7]  }
0x3d: {  	_ =	shalt  }
0x3e: {  	_ =	shalt  }
0x3f: {  	_ =	shalt  }
0x40: {  	_ =	shalt  }
0x41: {  	_ =	shalt  }
0x42: {  	_ =	shalt  }
0x43: {  	_ =	shalt  }
0x44: {  	_ =	shalt  }
0x45: {  	_ =	shalt  }
0x46: {  	_ =	shalt  }
0x47: {  	_ =	shalt  }
0x48: {  	_ =	shalt  }
0x49: {  	_ =	shalt  }
0x4a: {  	_ =	shalt  }
0x4b: {  	_ =	shalt  }
0x4c: {  	_ =	shalt  }
0x4d: {  	_ =	shalt  }
0x4e: {  	_ =	shalt  }
0x4f: {  	_ =	shalt  }
0x50: {  	_ =	shalt  }
0x51: {  	_ =	shalt  }
0x52: {  	_ =	shalt  }
0x53: {  	_ =	shalt  }
0x54: {  	_ =	shalt  }
0x55: {  	_ =	shalt  }
0x56: {  	_ =	shalt  }
0x57: {  	_ =	shalt  }
0x58: {  	_ =	shalt  }
0x59: {  	_ =	shalt  }
0x5a: {  	_ =	shalt  }
0x5b: {  	_ =	shalt  }
0x5c: {  	_ =	shalt  }
0x5d: {  	_ =	shalt  }
0x5e: {  	_ =	shalt  }
0x5f: {  	_ =	shalt  }
0x60: {  	_ =	shalt  }
0x61: {  	_ =	shalt  }
0x62: {  	_ =	shalt  }
0x63: {  	_ =	shalt  }
0x64: {  	_ =	shalt  }
0x65: {  	_ =	shalt  }
0x66: {  	_ =	shalt  }
0x67: {  	_ =	shalt  }
0x68: {  	_ =	shalt  }
0x69: {  	_ =	shalt  }
0x6a: {  	_ =	shalt  }
0x6b: {  	_ =	shalt  }
0x6c: {  	_ =	shalt  }
0x6d: {  	_ =	shalt  }
0x6e: {  	_ =	shalt  }
0x6f: {  	_ =	shalt  }
0x70: {  	_ =	shalt  }
0x71: {  	_ =	shalt  }
0x72: {  	_ =	shalt  }
0x73: {  	_ =	shalt  }
0x74: {  	_ =	shalt  }
0x75: {  	_ =	shalt  }
0x76: {  	_ =	shalt  }
0x77: {  	_ =	shalt  }
0x78: {  	_ =	shalt  }
0x79: {  	_ =	shalt  }
0x7a: {  	_ =	shalt  }
0x7b: {  	_ =	shalt  }
0x7c: {  	_ =	shalt  }
0x7d: {  	_ =	shalt  }
0x7e: {  	_ =	shalt  }
0x7f: {  	_ =	shalt  }
0x80: {  	_ =	shalt  }
0x81: {  	_ =	shalt  }
0x82: {  	_ =	shalt  }
0x83: {  	_ =	shalt  }
0x84: {  	_ =	shalt  }
0x85: {  	_ =	shalt  }
0x86: {  	_ =	shalt  }
0x87: {  	_ =	shalt  }
.Lfunc_end0:
.L_simem_size_0:
called_computation.1_lowered:
.L_overlay_start_0:
0x88: {  	s0 =	sld [smem:$0x3FD9]  }
0x89: {  	s1 =	sld [smem:$0x3FFE];
	_ =	sdelay $0x3  }
0x8a: {  	s0 =	sadd.s32 s1, s0  }
0x8b: {  	[smem:$0x3FC3] =	sst s0  }
0x8c: {  	_ = 	snop  }
0x8d: {  	(tm) =	ssettm $0x1  }
0x8e: {  	s15 =	sld [smem:$0x3FFB];
	_ =	sdelay $0x3  }
0x8f: {  	_ =	strace s15  }
0x90: {  	s0 =	sld [smem:$0x3FFC];
	_ =	sdelay $0x3  }
0x91: {  	_ =	strace s0  }
0x92: {  	s0 =	sld [smem:$0x3FFD];
	_ =	sdelay $0x3  }
0x93: {  	_ =	strace s0  }
0x94: {  	_ =	strace $0x8FFFFFFF  }
0x95: {  	s16 =	sld [smem:$0x3FDB];
	_ =	sdelay $0x1  }
0x96: {  	s17 =	simm.s32 $_scs_section_size  }
0x97: {  	s2 =	simm.s32 $_size__tile_overlayer_lowered;
	s3 =	simm.s32 $_tile_overlayer_lowered  }
0x98: {  	s20 =	simm.s32 $0x1BFF;
	s19 =	sshll.u32 s3, $0x1;
	s0 =	sadd.s32 s17, s16  }
0x99: {  	s4 =	simm.s32 $0x0;
	s18 =	sshll.u32 s2, $0x1;
	s2 =	sadd.s32 s19, s0  }
0x9a: {  	[timem:s4], [sflag:s20] =	dma.local [hbm:s2], s18  }
0x9b: {  	_ =	swait.ge [sflag:s20], s18  }
0x9c: {  	s1 =	ssub.s32 $0x0, s18;
	[sflag:s20] =	ssyncset.done $0x0  }
0x9d: {  	[sflag:s20] =	ssyncadd.s32 s1;
	_ =	sdelay $0x1  }
0x9e: {  	s21 =	simm.s32 $0x1B8B  }
0x9f: {  	_ =	swait.ge [sflag:s21], $0x1  }
0xa0: {  	[sflag:s21] =	ssyncset.done $0x0  }
0xa1: {  	s23 =	simm.s32 $0x1B8E;
	s22 =	sld [smem:$0x3FFE];
	[sflag:s21] =	ssyncadd.s32 $0xFFFFFFFF  }
0xa2: {  	s24 =	simm.s32 $execute0_lowered;
	[smem:$0x3FD2] =	sst s23  }
0xa3: {  	s2 =	sshll.u32 s24, $0x1;
	_ =	strace $0x80000049;
	[dreg:$0x1] =	wrdreg $0xFFFFFFFF  }
0xa4: {  	s25 =	simm.s32 $_size_execute0_lowered;
	s0 =	sadd.s32 s0, s2;
	[dreg:$0x0] =	wrdreg $0x0  }
0xa5: {  	s2 =	sshll.u32 s25, $0x1;
	[dreg:$0x2] =	wrdreg s0  }
0xa6: {  	[dreg:$0x3] =	wrdreg s2  }
0xa7: {  	[dreg:$0x4] =	wrdreg $0xC0  }
0xa8: {  	_ =	task [dreg:s4], $0x5FFFF  }
0xa9: {  	[dreg:$0x1] =	wrdreg $0xFFFFFFFF  }
0xaa: {  	[dreg:$0x0] =	wrdreg $0x60  }
0xab: {  	[dreg:$0x2] =	wrdreg s22  }
0xac: {  	[dreg:$0x3] =	wrdreg $0x9  }
0xad: {  	_ =	task.clear_ibuf [dreg:s4], $0x4FFFF;
	_ =	strace $0x90000049  }
0xae: {  	s26 =	simm.s32 $0x9;
	_ =	strace $0x8000004B  }
0xaf: {  	_ =	swait.ge [sflag:s26], $0x1  }
0xb0: {  	[sflag:s26] =	ssyncadd.s32 $0xFFFFFFFF  }
0xb1: {  	_ =	strace $0x9000004B  }
0xb2: {  	_ =	sfence  }
0xb3: {  	s28 =	sld [smem:$0x0];
	_ =	sdelay $0x1  }
0xb4: {  	s29 =	srdreg.scid  }
0xb5: {  	s30 =	sshll.u32 s29, $0xD;
	s31 =	sshrl.u32 s29, $0x2  }
0xb6: {  	s1 =	sand.u32 $0x1, s29;
	s2 =	sand.u32 $0x4000, s30;
	s0 =	sadd.s32 s31, s28  }
0xb7: {  	s1 =	sor.u32 s2, s1;
	s0 =	sshll.u32 s0, $0x11  }
0xb8: {  	s0 =	sor.u32 s0, s1  }
0xb9: {  	s0 =	sadd.s32 $0x8F2B, s0  }
0xba: {  	[sflag:s0] =	ssyncadd.remote.s32 $0x1  }
0xbb: {  	_ =	sfence.sel $0xFFFF  }
0xbc: {  	[dreg:$0x0] =	wrdreg $0xFFFFFFFF;
	(pc) =	sbr.abs _section_cstart, $3  }
0xbd: {  	[dreg:$0x1] =	wrdreg $0xFFFFFFFF  }
0xbe: {  	_ =	task.clear_ibuf [dreg:s4], $0x2FFFF;
	_ =	strace $0x9FFFFFFF  }
0xbf: {  	(tm) =	ssettm $0x7FFFFFFF  }
tec
execute0_lowered:
.L_overlay_start_1:
0x0: {  	(tag) =	ssettag $0x1  }
0x1: {  	s0 =	stileid.u32  }
0x2: {  	s2 =	smul.u32 $0x2710, s0  }
0x3: {  	s3 =	rddreg [dreg:$0x0]  }
0x4: {  	s1 =	rddreg [dreg:$0x1];
	s4 =	simm.s32 $0x0;
	s2 =	sshrl.u32 s2, $0x3  }
0x5: {  	[smem:$0x7FF] =	sst s4;
	s5 =	sadd.s32 s3, s2  }
0x6: {  	s31 =	simm.s32 $0x1;
	_ =	strace $0x8000004A;
	s5 =	sadd.s32 $0x7A20, s5  }
0x7: {  	[tilespmem:s4], [sflag:$0x1] =	stream.linear.gather [hbm4b:s5+s4], $0x2710, $0x38;
	[tilespmem:$0x4F00] =	vst v63  }
0x8: {  	_ =	swait.ge [sflag:s31], $0x2710  }
0x9: {  	s3 =	sadd.s32 $0xCA00, s3;
	[sflag:s31] =	ssyncset.done $0x0  }
0xa: {  	v0 =	vimm.f32 $0.0e+00;
	s4 =	simm.s32 $0x40;
	s5 =	simm.s32 $0x0;
	[sflag:s31] =	ssyncadd.s32 $0xFFFFD8F0  }
.LBB2_1:
0xb: {  	p0 =	sne.s32 s4, $0x9C00;
	[tilespmem:s5+$0x2780] =	vst v0;
	s5 =	smov.u32 s4;
	s4 =	sadd.s32 $0x40, s4  }
.Ltmp0:
0xc: {  	(pc) =	sbr.rel @p0 .LBB2_1-.Ltmp0, $2  }
0xd: {  	_ =	sdelay $0x2  }
0xe: {  	s5 =	sshra.s32 s5, $0x2  }
0xf: {  	[tilespmem:s5+$0x2780] =	vst v0;
	s4 =	simm.s32 $0x0;
	v0 =	vimm.f32 $1.000000000e+00;
	s5 =	simm.s32 $0x2780  }
.LBB2_3:
0x10: {  	s6 =	sshra.s32 s4, $0x2  }
0x11: {  	v1 =	vld [tilespmem:s6+$0x0];
	_ =	sdelay $0x7  }
0x12: {  	[tilespmem:v1+s5+$0x0] =	vst.idx.add.f32.msk $0xffff, v0  }
0x13: {  	v1 =	vld [tilespmem:s6+$0x10];
	_ =	sdelay $0x7  }
0x14: {  	[tilespmem:v1+s5+$0x0] =	vst.idx.add.f32.msk $0xffff, v0  }
0x15: {  	v1 =	vld [tilespmem:s6+$0x20];
	_ =	sdelay $0x7  }
0x16: {  	[tilespmem:v1+s5+$0x0] =	vst.idx.add.f32.msk $0xffff, v0  }
0x17: {  	v1 =	vld [tilespmem:s6+$0x30];
	_ =	sdelay $0x7  }
0x18: {  	[tilespmem:v1+s5+$0x0] =	vst.idx.add.f32.msk $0xffff, v0  }
0x19: {  	v1 =	vld [tilespmem:s6+$0x40];
	_ =	sdelay $0x2  }
0x1a: {  	p0 =	sne.s32 s4, $0x9B00  }
.Ltmp1:
0x1b: {  	_ = 	snop;
	(pc) =	sbr.rel @p0 .LBB2_3-.Ltmp1, $2  }
0x1c: {  	_ =	sdelay $0x2  }
0x1d: {  	s4 =	sadd.s32 $0x140, s4;
	[tilespmem:v1+s5+$0x0] =	vst.idx.add.f32.msk $0xffff, v0  }
0x1e: {  	s2 =	sadd.s32 s3, s2  }
0x1f: {  	s30 =	simm.s32 $0x0;
	s4 =	simm.s32 $0x2780;
	s31 =	simm.s32 $0x1  }
0x20: {  	[hbm4b:s2+s30] =	stream.linear.scatter [tilespmem:s4], [sflag:$0x1], $0x2710, $0x38;
	[tilespmem:$0x4F00] =	vst v63  }
0x21: {  	_ =	swait.ge [sflag:s31], $0x2710  }
0x22: {  	[sflag:s31] =	ssyncset.done $0x0  }
0x23: {  	[sflag:s31] =	ssyncadd.s32 $0xFFFFD8F0  }
0x24: {  	_ =	sfence.sel $0x180000  }
0x25: {  	[bflag:$0x0] =	sbarrier.arrive $0xFFFF  }
0x26: {  	p0 =	sne.s32 s0, $0x0;
	_ =	strace $0x9000004A  }
0x27: {  	s0 =	sadd.s32 @!p0 $0x100000, s1;
	[bflag:$0x2] =	sbarrier.arrive $0xFFFF  }
0x28: {  	[sflag:s0] =	ssyncadd.tile.s32 @!p0 $0x1;
	_ =	shalt  }
.Lfunc_end2:
_tile_overlayer_lowered:
.L_overlay_start_2:
0x29: {  	(tag) =	ssettag $0x2  }
0x2a: {  	s0 =	rddreg [dreg:$0x0];
	s2 =	stileid.u32  }
0x2b: {  	s1 =	rddreg [dreg:$0x1];
	p0 =	sne.s32 s2, $0x0  }
0x2c: {  	s3 =	rddreg [dreg:$0x2];
	[bflag:$0x3] =	sbarrier.arrive $0xFFFF;
	s2 =	simm.s32 @!p0 $0x1C01  }
0x2d: {  	[timem:s3], [sflag:s2] =	dma.local @!p0 [hbm:s0], s1  }
0x2e: {  	s0 =	simm.s32 @!p0 $0x1  }
0x2f: {  	_ =	swait.ge @!p0 [sflag:s0], s1  }
0x30: {  	s1 =	ssub.s32 @!p0 $0x0, s1;
	[sflag:s0] =	ssyncset.done @!p0 $0x0  }
0x31: {  	[sflag:s0] =	ssyncadd.s32 @!p0 s1  }
0x32: {  	[bflag:$0x3] =	sbarrier.arrive $0xFFFF  }
0x33: {  	_ =	shalt  }

// kernel: kernel.15.cloned.1.call-start
scs
__scs_entry_jumppad:
0x0: {  	(pc) =	sbr.rel $0x88, $3  }
0x1: {  	(tag) =	ssettag $0x0;
	lr =	simm.s32 $0x1  }
0x2: {  	[smem:$0x3F9C] =	sst lr;
	_ =	strace $0xD0000000  }
0x3: {  	_ = 	snop  }
0x4: {  	_ = 	snop  }
0x5: {  	_ = 	snop  }
0x6: {  	_ = 	snop  }
0x7: {  	_ = 	snop  }
__scs_overlays_trampoline_lowered:
0x8: {  	[smem:$0x3FAB] =	sst s0  }
0x9: {  	[smem:$0x3FAC] =	sst s1  }
0xa: {  	[smem:$0x3FAD] =	sst s2  }
0xb: {  	[smem:$0x3FAE] =	sst s3  }
0xc: {  	[smem:$0x3FAF] =	sst s4  }
0xd: {  	[smem:$0x3FB0] =	sst s5  }
0xe: {  	[smem:$0x3FB1] =	sst s6  }
0xf: {  	[smem:$0x3FB2] =	sst s7  }
0x10: {  	[smem:$0x3FB3] =	sst s8  }
0x11: {  	[smem:$0x3FB4] =	sst s9;
	s0 =	simm.s32 @!p0 $0x0  }
0x12: {  	s1 =	sld [smem:$0x3F9A];
	s0 =	simm.s32 @p0 $0x1  }
0x13: {  	[smem:$0x3FB5] =	sst s0;
	s0 =	simm.s32 @!p1 $0x0  }
0x14: {  	s2 =	sld [smem:$0x3F99];
	s0 =	simm.s32 @p1 $0x1  }
0x15: {  	[smem:$0x3FB6] =	sst s0;
	s0 =	simm.s32 @!p2 $0x0  }
0x16: {  	s3 =	sld [smem:$0x3FDB];
	s0 =	simm.s32 @p2 $0x1  }
0x17: {  	s4 =	simm.s32 $0x1BF5;
	[smem:$0x3FB8] =	sst s0  }
0x18: {  	s0 =	sld [smem:$0x3F9B];
	_ =	swait.ge [sflag:s4], $0x0  }
0x19: {  	s7 =	sld [smem:$0x3F9C]  }
0x1a: {  	s8 =	sadd.s32 $0xFFFFE003, lr  }
0x1b: {  	s9 =	sadd.s32 $0xFFFFFEF7, lr;
	s5 =	simm.s32 $0xFFFFFFFF;
	p2 =	slt.u32 s8, $0xFFFFF086  }
0x1c: {  	p1 =	slt.u32 s9, $0xF7A;
	s5 =	simm.s32 @!p2 $0x0  }
0x1d: {  	s5 =	simm.s32 @p1 $0x1;
	p0 =	seq.s32 s7, s2  }
0x1e: {  	s7 =	smul.u32 @!p0 $0xF7A, s2;
	p2 =	seq.s32 @!p0 s5, $0x0  }
0x1f: {  	s9 =	smul.u32 $0xF7A, s1;
	s8 =	simm.s32 @!p0 $0x1BF5;
	p2 =	por !p2, p0  }
0x20: {  	[sflag:s8] =	ssyncset.s32 @!p0 $0xFFFFF086;
	s6 =	sadd.s32 @!p0 s3, s7;
	s7 =	simm.s32 @!p0 $0x108  }
0x21: {  	s3 =	sadd.s32 s3, s9;
	s6 =	sadd.s32 @!p0 $0x88, s6;
	s7 =	simm.s32 @p2 $0x1082  }
0x22: {  	[simem:s7], [sflag:s8] =	dma.local @!p0 [hbm:s6], $0xF7A  }
0x23: {  	s9 =	sor.u32 $0xD0000000, s2;
	s6 =	simm.s32 $0x108;
	_ =	swait.ge @!p0 [sflag:s8], $0x0  }
0x24: {  	s3 =	sadd.s32 $0x88, s3;
	s6 =	simm.s32 @!p1 $0x1082;
	[sflag:s4] =	ssyncset.s32 $0xFFFFF086  }
0x25: {  	[simem:s6], [sflag:s4] =	dma.local [hbm:s3], $0xF7A  }
0x26: {  	[smem:$0x3F9C] =	sst s1;
	(tag) =	ssettag s2;
	_ =	strace s9  }
0x27: {  	s1 =	sld [smem:$0x3FAC]  }
0x28: {  	s2 =	sld [smem:$0x3FAD]  }
0x29: {  	s4 =	sld [smem:$0x3FAF]  }
0x2a: {  	p0 =	seq.s32 s5, $0x0;
	s5 =	sld [smem:$0x3FB0]  }
0x2b: {  	s6 =	sld [smem:$0x3FB1]  }
0x2c: {  	s7 =	sld [smem:$0x3FB2]  }
0x2d: {  	s3 =	simm.s32 $0x108;
	s8 =	sld [smem:$0x3FB3]  }
0x2e: {  	s3 =	simm.s32 @!p0 $0x1082;
	s9 =	sld [smem:$0x3FB4]  }
0x2f: {  	lr =	sadd.s32 s0, s3;
	s0 =	sld [smem:$0x3FAB]  }
0x30: {  	s3 =	sld [smem:$0x3FAE]  }
0x31: {  	[smem:$0x3FB7] =	sst s10  }
0x32: {  	s10 =	sld [smem:$0x3FB5];
	_ =	sdelay $0x3  }
0x33: {  	p0 =	seq.s32 s10, $0x1;
	s10 =	sld [smem:$0x3FB7];
	_ =	sdelay $0x3  }
0x34: {  	[smem:$0x3FB7] =	sst s10  }
0x35: {  	s10 =	sld [smem:$0x3FB6];
	_ =	sdelay $0x3  }
0x36: {  	p1 =	seq.s32 s10, $0x1;
	s10 =	sld [smem:$0x3FB7];
	_ =	sdelay $0x3  }
0x37: {  	[smem:$0x3FB7] =	sst s10  }
0x38: {  	s10 =	sld [smem:$0x3FB8]  }
0x39: {  	_ = 	snop;
	(pc) =	sbr.ind lr, $3  }
0x3a: {  	_ = 	snop  }
0x3b: {  	_ = 	snop  }
0x3c: {  	p2 =	seq.s32 s10, $0x1;
	s10 =	sld [smem:$0x3FB7]  }
0x3d: {  	_ =	shalt  }
0x3e: {  	_ =	shalt  }
0x3f: {  	_ =	shalt  }
0x40: {  	_ =	shalt  }
0x41: {  	_ =	shalt  }
0x42: {  	_ =	shalt  }
0x43: {  	_ =	shalt  }
0x44: {  	_ =	shalt  }
0x45: {  	_ =	shalt  }
0x46: {  	_ =	shalt  }
0x47: {  	_ =	shalt  }
0x48: {  	_ =	shalt  }
0x49: {  	_ =	shalt  }
0x4a: {  	_ =	shalt  }
0x4b: {  	_ =	shalt  }
0x4c: {  	_ =	shalt  }
0x4d: {  	_ =	shalt  }
0x4e: {  	_ =	shalt  }
0x4f: {  	_ =	shalt  }
0x50: {  	_ =	shalt  }
0x51: {  	_ =	shalt  }
0x52: {  	_ =	shalt  }
0x53: {  	_ =	shalt  }
0x54: {  	_ =	shalt  }
0x55: {  	_ =	shalt  }
0x56: {  	_ =	shalt  }
0x57: {  	_ =	shalt  }
0x58: {  	_ =	shalt  }
0x59: {  	_ =	shalt  }
0x5a: {  	_ =	shalt  }
0x5b: {  	_ =	shalt  }
0x5c: {  	_ =	shalt  }
0x5d: {  	_ =	shalt  }
0x5e: {  	_ =	shalt  }
0x5f: {  	_ =	shalt  }
0x60: {  	_ =	shalt  }
0x61: {  	_ =	shalt  }
0x62: {  	_ =	shalt  }
0x63: {  	_ =	shalt  }
0x64: {  	_ =	shalt  }
0x65: {  	_ =	shalt  }
0x66: {  	_ =	shalt  }
0x67: {  	_ =	shalt  }
0x68: {  	_ =	shalt  }
0x69: {  	_ =	shalt  }
0x6a: {  	_ =	shalt  }
0x6b: {  	_ =	shalt  }
0x6c: {  	_ =	shalt  }
0x6d: {  	_ =	shalt  }
0x6e: {  	_ =	shalt  }
0x6f: {  	_ =	shalt  }
0x70: {  	_ =	shalt  }
0x71: {  	_ =	shalt  }
0x72: {  	_ =	shalt  }
0x73: {  	_ =	shalt  }
0x74: {  	_ =	shalt  }
0x75: {  	_ =	shalt  }
0x76: {  	_ =	shalt  }
0x77: {  	_ =	shalt  }
0x78: {  	_ =	shalt  }
0x79: {  	_ =	shalt  }
0x7a: {  	_ =	shalt  }
0x7b: {  	_ =	shalt  }
0x7c: {  	_ =	shalt  }
0x7d: {  	_ =	shalt  }
0x7e: {  	_ =	shalt  }
0x7f: {  	_ =	shalt  }
0x80: {  	_ =	shalt  }
0x81: {  	_ =	shalt  }
0x82: {  	_ =	shalt  }
0x83: {  	_ =	shalt  }
0x84: {  	_ =	shalt  }
0x85: {  	_ =	shalt  }
0x86: {  	_ =	shalt  }
0x87: {  	_ =	shalt  }
.Lfunc_end0:
.L_simem_size_0:
called_computation.2_lowered:
.L_overlay_start_0:
0x88: {  	s0 =	sld [smem:$0x3FD9]  }
0x89: {  	s1 =	sld [smem:$0x3FFE];
	_ =	sdelay $0x3  }
0x8a: {  	s0 =	sadd.s32 s1, s0  }
0x8b: {  	[smem:$0x3FC3] =	sst s0  }
0x8c: {  	_ = 	snop  }
0x8d: {  	s0 =	sld [smem:$0x3FD0];
	(tm) =	ssettm $0x1  }
0x8e: {  	s16 =	sld [smem:$0x3FFB];
	_ =	sdelay $0x3  }
0x8f: {  	_ =	strace s16  }
0x90: {  	s1 =	sld [smem:$0x3FFC];
	_ =	sdelay $0x3  }
0x91: {  	_ =	strace s1  }
0x92: {  	s1 =	sld [smem:$0x3FFD];
	_ =	sdelay $0x3  }
0x93: {  	_ =	strace s1  }
0x94: {  	_ =	strace $0x8FFFFFFF  }
0x95: {  	s17 =	sld [smem:$0x3FDB];
	_ =	sdelay $0x1  }
0x96: {  	s2 =	simm.s32 $_scs_section_size  }
0x97: {  	s3 =	simm.s32 $_size__tile_overlayer_lowered;
	s4 =	simm.s32 $_tile_overlayer_lowered  }
0x98: {  	s20 =	simm.s32 $0x1BFF;
	s19 =	sshll.u32 s4, $0x1;
	s1 =	sadd.s32 s2, s17  }
0x99: {  	s5 =	simm.s32 $0x0;
	s18 =	sshll.u32 s3, $0x1;
	s3 =	sadd.s32 s19, s1  }
0x9a: {  	[timem:s5], [sflag:s20] =	dma.local [hbm:s3], s18  }
0x9b: {  	_ =	swait.ge [sflag:s20], s18  }
0x9c: {  	s2 =	ssub.s32 $0x0, s18;
	[sflag:s20] =	ssyncset.done $0x0  }
0x9d: {  	[sflag:s20] =	ssyncadd.s32 s2;
	_ =	sdelay $0x1  }
0x9e: {  	s21 =	simm.s32 $0x1B8B  }
0x9f: {  	_ =	swait.ge [sflag:s21], $0x1  }
0xa0: {  	[sflag:s21] =	ssyncset.done $0x0  }
0xa1: {  	s23 =	simm.s32 $0x1B8E;
	s22 =	sld [smem:$0x3FFE];
	[sflag:s21] =	ssyncadd.s32 $0xFFFFFFFF  }
0xa2: {  	s24 =	simm.s32 $execute0_lowered;
	[smem:$0x3FD2] =	sst s23  }
0xa3: {  	s3 =	sshll.u32 s24, $0x1;
	_ =	strace $0x8000004C;
	[dreg:$0x1] =	wrdreg $0xFFFFFFFF  }
0xa4: {  	s25 =	simm.s32 $_size_execute0_lowered;
	s1 =	sadd.s32 s1, s3;
	[dreg:$0x0] =	wrdreg $0x0  }
0xa5: {  	s3 =	sshll.u32 s25, $0x1;
	[dreg:$0x2] =	wrdreg s1  }
0xa6: {  	[dreg:$0x3] =	wrdreg s3  }
0xa7: {  	[dreg:$0x4] =	wrdreg $0xC0  }
0xa8: {  	_ =	task [dreg:s5], $0x5FFFF  }
0xa9: {  	[dreg:$0x1] =	wrdreg $0xFFFFFFFF  }
0xaa: {  	[dreg:$0x0] =	wrdreg $0x60  }
0xab: {  	[dreg:$0x2] =	wrdreg s22  }
0xac: {  	[dreg:$0x3] =	wrdreg s0  }
0xad: {  	[dreg:$0x4] =	wrdreg $0x0  }
0xae: {  	[dreg:$0x5] =	wrdreg $0xA  }
0xaf: {  	_ =	task.clear_ibuf [dreg:s5], $0x6FFFF;
	_ =	strace $0x9000004C  }
0xb0: {  	s26 =	simm.s32 $0xA;
	_ =	strace $0x8000004E  }
0xb1: {  	_ =	swait.ge [sflag:s26], $0x1  }
0xb2: {  	[sflag:s26] =	ssyncadd.s32 $0xFFFFFFFF  }
0xb3: {  	_ =	strace $0x9000004E  }
0xb4: {  	_ =	sfence  }
0xb5: {  	s28 =	sld [smem:$0x0];
	_ =	sdelay $0x1  }
0xb6: {  	s29 =	srdreg.scid  }
0xb7: {  	s30 =	sshll.u32 s29, $0xD;
	s31 =	sshrl.u32 s29, $0x2  }
0xb8: {  	s2 =	sand.u32 $0x4000, s30;
	s1 =	sand.u32 $0x1, s29;
	s0 =	sadd.s32 s31, s28  }
0xb9: {  	s1 =	sor.u32 s2, s1;
	s0 =	sshll.u32 s0, $0x11  }
0xba: {  	s0 =	sor.u32 s0, s1  }
0xbb: {  	s0 =	sadd.s32 $0x8F2B, s0  }
0xbc: {  	[sflag:s0] =	ssyncadd.remote.s32 $0x1  }
0xbd: {  	_ =	sfence.sel $0xFFFF  }
0xbe: {  	[dreg:$0x0] =	wrdreg $0xFFFFFFFF;
	(pc) =	sbr.abs _section_cstart, $3  }
0xbf: {  	[dreg:$0x1] =	wrdreg $0xFFFFFFFF  }
0xc0: {  	_ =	task.clear_ibuf [dreg:s5], $0x2FFFF;
	_ =	strace $0x9FFFFFFF  }
0xc1: {  	(tm) =	ssettm $0x7FFFFFFF  }
tec
execute0_lowered:
.L_overlay_start_1:
0x0: {  	(tag) =	ssettag $0x1  }
0x1: {  	s2 =	rddreg [dreg:$0x0]  }
0x2: {  	s4 =	rddreg [dreg:$0x1]  }
0x3: {  	s0 =	stileid.u32;
	s3 =	rddreg [dreg:$0x2]  }
0x4: {  	s1 =	rddreg [dreg:$0x3];
	s5 =	smul.u32 $0x4E, s0  }
0x5: {  	s7 =	simm.s32 $0x0;
	s9 =	simm.s32 $0x14000;
	s15 =	smin.u32 s0, $0x2  }
0x6: {  	[smem:$0x7FF] =	sst s7;
	s30 =	sand.u32 $0x3E00, s7;
	s6 =	sadd.s32 s15, s5  }
0x7: {  	s31 =	sand.u32 $0x70, s7;
	s5 =	sadd.s32 $0x2C00, s2;
	s8 =	sshll.u32 s6, $0x4  }
0x8: {  	_ =	strace $0x8000004D;
	s10 =	sshrl.u32 s30, $0x2;
	s8 =	sadd.s32 s5, s8  }
0x9: {  	[tilespmem:s9], [sflag:$0x1] =	stream.linear.gather [hbm4b:s8+s7], $0x2780, $0x38;
	[tilespmem:$0x1F880] =	vst v63  }
0xa: {  	v0 =	vimm.f32 $0.0e+00;
	s2 =	sadd.s32 $0x11A00, s2;
	s8 =	simm.s32 $0x40;
	s9 =	sor.u32 s31, s10  }
.LBB2_1:
0xb: {  	p0 =	sne.s32 s8, $0x3FC0  }
0xc: {  	[tilespmem:s9+$0x1E880] =	vst v0;
	s7 =	sadd.s32 $0x10, s7;
	s9 =	smov.u32 s8;
	s8 =	sadd.s32 $0x40, s8  }
.Ltmp0:
0xd: {  	(pc) =	sbr.rel @p0 .LBB2_1-.Ltmp0, $4  }
0xe: {  	_ = 	snop  }
0xf: {  	s9 =	sand.u32 $0x3E00, s9  }
0x10: {  	s10 =	sand.u32 $0x70, s7;
	s9 =	sshrl.u32 s9, $0x2  }
0x11: {  	s9 =	sor.u32 s10, s9  }
0x12: {  	s7 =	sshll.u32 s6, $0x7;
	[tilespmem:s9+$0x1E880] =	vst v0;
	s8 =	simm.s32 $0x1  }
0x13: {  	s6 =	sshrl.u32 s7, $0x3;
	_ =	swait.ge [sflag:s8], $0x2780  }
0x14: {  	s9 =	simm.s32 $0x0;
	s6 =	sadd.s32 s5, s6;
	[sflag:s8] =	ssyncset.done $0x0  }
0x15: {  	s10 =	simm.s32 $0x16780;
	s11 =	sadd.s32 $0x4E20, s6;
	[sflag:s8] =	ssyncadd.s32 $0xFFFFD880  }
0x16: {  	[tilespmem:s10], [sflag:$0x3] =	stream.linear.gather [hbm4b:s11+s9], $0x80, $0x38;
	[tilespmem:$0x1F880] =	vst v63  }
0x17: {  	s13 =	simm.s32 $0x14000;
	s12 =	simm.s32 $0x16880;
	s11 =	simm.s32 $0x80  }
0x18: {  	[tilespmem:s12], [sflag:$0x1] =	stream.indirect.gather [hbm4b:s4+s11], $0x80, s13, s11, $0xb8;
	[tilespmem:$0x1F880] =	vst v63  }
0x19: {  	s14 =	smul.u32 $0x50000, s0;
	s6 =	sadd.s32 $0x4E30, s6;
	s13 =	simm.s32 $0x16800  }
0x1a: {  	[tilespmem:s13], [sflag:$0x4] =	stream.linear.gather [hbm4b:s6+s9], $0x80, $0x38;
	[tilespmem:$0x1F880] =	vst v63  }
0x1b: {  	s16 =	simm.s32 $0x14080;
	s23 =	sshrl.u32 s14, $0x2;
	s14 =	simm.s32 $0x1A880  }
0x1c: {  	[tilespmem:s14], [sflag:$0x2] =	stream.indirect.gather [hbm4b:s4+s11], $0x80, s16, s11, $0xb8;
	[tilespmem:$0x1F880] =	vst v63  }
0x1d: {  	s6 =	sadd.s32 s23, s3;
	s16 =	simm.s32 $0x1E880  }
0x1e: {  	[spmem:s6] =	stream.linear.scatter [tilespmem:s16], [sflag:$0x5], $0x1000, $0x38;
	[tilespmem:$0x1F880] =	vst v63  }
0x1f: {  	s17 =	sadd.s32 $0x1000, s6  }
0x20: {  	[spmem:s17] =	stream.linear.scatter [tilespmem:s16], [sflag:$0x5], $0x1000, $0x38;
	[tilespmem:$0x1F880] =	vst v63  }
0x21: {  	s24 =	sadd.s32 $0x2000, s6  }
0x22: {  	[spmem:s24] =	stream.linear.scatter [tilespmem:s16], [sflag:$0x5], $0x1000, $0x38;
	[tilespmem:$0x1F880] =	vst v63  }
0x23: {  	s25 =	sadd.s32 $0x3000, s6  }
0x24: {  	[spmem:s25] =	stream.linear.scatter [tilespmem:s16], [sflag:$0x5], $0x1000, $0x38;
	[tilespmem:$0x1F880] =	vst v63  }
0x25: {  	s26 =	sadd.s32 $0x4000, s6  }
0x26: {  	[spmem:s26] =	stream.linear.scatter [tilespmem:s16], [sflag:$0x5], $0x1000, $0x38;
	[tilespmem:$0x1F880] =	vst v63  }
0x27: {  	s28 =	sadd.s32 $0x5000, s6  }
0x28: {  	[spmem:s28] =	stream.linear.scatter [tilespmem:s16], [sflag:$0x5], $0x1000, $0x38;
	[tilespmem:$0x1F880] =	vst v63  }
0x29: {  	s29 =	sadd.s32 $0x6000, s6  }
0x2a: {  	[spmem:s29] =	stream.linear.scatter [tilespmem:s16], [sflag:$0x5], $0x1000, $0x38;
	[tilespmem:$0x1F880] =	vst v63  }
0x2b: {  	s30 =	sadd.s32 $0x7000, s6  }
0x2c: {  	[spmem:s30] =	stream.linear.scatter [tilespmem:s16], [sflag:$0x5], $0x1000, $0x38;
	[tilespmem:$0x1F880] =	vst v63  }
0x2d: {  	s31 =	sadd.s32 $0x8000, s6  }
0x2e: {  	[spmem:s31] =	stream.linear.scatter [tilespmem:s16], [sflag:$0x5], $0x1000, $0x38;
	[tilespmem:$0x1F880] =	vst v63  }
0x2f: {  	s18 =	sadd.s32 $0x9000, s6  }
0x30: {  	[spmem:s18] =	stream.linear.scatter [tilespmem:s16], [sflag:$0x5], $0x1000, $0x38;
	[tilespmem:$0x1F880] =	vst v63  }
0x31: {  	s19 =	sadd.s32 $0xA000, s6  }
0x32: {  	[spmem:s19] =	stream.linear.scatter [tilespmem:s16], [sflag:$0x5], $0x1000, $0x38;
	[tilespmem:$0x1F880] =	vst v63  }
0x33: {  	s20 =	sadd.s32 $0xB000, s6  }
0x34: {  	[spmem:s20] =	stream.linear.scatter [tilespmem:s16], [sflag:$0x5], $0x1000, $0x38;
	[tilespmem:$0x1F880] =	vst v63  }
0x35: {  	s21 =	sadd.s32 $0xC000, s6  }
0x36: {  	[spmem:s21] =	stream.linear.scatter [tilespmem:s16], [sflag:$0x5], $0x1000, $0x38;
	[tilespmem:$0x1F880] =	vst v63  }
0x37: {  	s22 =	sadd.s32 $0xD000, s6  }
0x38: {  	[spmem:s22] =	stream.linear.scatter [tilespmem:s16], [sflag:$0x5], $0x1000, $0x38;
	[tilespmem:$0x1F880] =	vst v63  }
0x39: {  	s23 =	sadd.s32 $0xE000, s6  }
0x3a: {  	[spmem:s23] =	stream.linear.scatter [tilespmem:s16], [sflag:$0x5], $0x1000, $0x38;
	[tilespmem:$0x1F880] =	vst v63  }
0x3b: {  	s24 =	sadd.s32 $0xF000, s6  }
0x3c: {  	[spmem:s24] =	stream.linear.scatter [tilespmem:s16], [sflag:$0x5], $0x1000, $0x38;
	[tilespmem:$0x1F880] =	vst v63  }
0x3d: {  	s25 =	sadd.s32 $0x10000, s6  }
0x3e: {  	[spmem:s25] =	stream.linear.scatter [tilespmem:s16], [sflag:$0x5], $0x1000, $0x38;
	[tilespmem:$0x1F880] =	vst v63  }
0x3f: {  	s26 =	sadd.s32 $0x11000, s6  }
0x40: {  	[spmem:s26] =	stream.linear.scatter [tilespmem:s16], [sflag:$0x5], $0x1000, $0x38;
	[tilespmem:$0x1F880] =	vst v63  }
0x41: {  	s28 =	sadd.s32 $0x12000, s6  }
0x42: {  	[spmem:s28] =	stream.linear.scatter [tilespmem:s16], [sflag:$0x5], $0x1000, $0x38;
	[tilespmem:$0x1F880] =	vst v63  }
0x43: {  	s29 =	sadd.s32 $0x13000, s6;
	s30 =	simm.s32 $0x5  }
0x44: {  	[spmem:s29] =	stream.linear.scatter [tilespmem:s16], [sflag:$0x5], $0x1000, $0x38;
	[tilespmem:$0x1F880] =	vst v63  }
0x45: {  	_ =	swait.ge [sflag:s30], $0x1000  }
0x46: {  	[sflag:s30] =	ssyncset.done $0x0  }
0x47: {  	[sflag:s30] =	ssyncadd.s32 $0xFFFFF000  }
0x48: {  	_ =	swait.ge [sflag:s30], $0x1000  }
0x49: {  	[sflag:s30] =	ssyncset.done $0x0  }
0x4a: {  	[sflag:s30] =	ssyncadd.s32 $0xFFFFF000  }
0x4b: {  	_ =	swait.ge [sflag:s30], $0x1000  }
0x4c: {  	[sflag:s30] =	ssyncset.done $0x0  }
0x4d: {  	[sflag:s30] =	ssyncadd.s32 $0xFFFFF000  }
0x4e: {  	_ =	swait.ge [sflag:s30], $0x1000  }
0x4f: {  	[sflag:s30] =	ssyncset.done $0x0  }
0x50: {  	[sflag:s30] =	ssyncadd.s32 $0xFFFFF000  }
0x51: {  	_ =	swait.ge [sflag:s30], $0x1000  }
0x52: {  	[sflag:s30] =	ssyncset.done $0x0  }
0x53: {  	[sflag:s30] =	ssyncadd.s32 $0xFFFFF000  }
0x54: {  	_ =	swait.ge [sflag:s30], $0x1000  }
0x55: {  	[sflag:s30] =	ssyncset.done $0x0  }
0x56: {  	[sflag:s30] =	ssyncadd.s32 $0xFFFFF000  }
0x57: {  	_ =	swait.ge [sflag:s30], $0x1000  }
0x58: {  	[sflag:s30] =	ssyncset.done $0x0  }
0x59: {  	[sflag:s30] =	ssyncadd.s32 $0xFFFFF000  }
0x5a: {  	_ =	swait.ge [sflag:s30], $0x1000  }
0x5b: {  	[sflag:s30] =	ssyncset.done $0x0  }
0x5c: {  	[sflag:s30] =	ssyncadd.s32 $0xFFFFF000  }
0x5d: {  	_ =	swait.ge [sflag:s30], $0x1000  }
0x5e: {  	[sflag:s30] =	ssyncset.done $0x0  }
0x5f: {  	[sflag:s30] =	ssyncadd.s32 $0xFFFFF000  }
0x60: {  	_ =	swait.ge [sflag:s30], $0x1000  }
0x61: {  	[sflag:s30] =	ssyncset.done $0x0  }
0x62: {  	[sflag:s30] =	ssyncadd.s32 $0xFFFFF000  }
0x63: {  	_ =	swait.ge [sflag:s30], $0x1000  }
0x64: {  	[sflag:s30] =	ssyncset.done $0x0  }
0x65: {  	[sflag:s30] =	ssyncadd.s32 $0xFFFFF000  }
0x66: {  	_ =	swait.ge [sflag:s30], $0x1000  }
0x67: {  	[sflag:s30] =	ssyncset.done $0x0  }
0x68: {  	[sflag:s30] =	ssyncadd.s32 $0xFFFFF000  }
0x69: {  	_ =	swait.ge [sflag:s30], $0x1000  }
0x6a: {  	[sflag:s30] =	ssyncset.done $0x0  }
0x6b: {  	[sflag:s30] =	ssyncadd.s32 $0xFFFFF000  }
0x6c: {  	_ =	swait.ge [sflag:s30], $0x1000  }
0x6d: {  	[sflag:s30] =	ssyncset.done $0x0  }
0x6e: {  	[sflag:s30] =	ssyncadd.s32 $0xFFFFF000  }
0x6f: {  	_ =	swait.ge [sflag:s30], $0x1000  }
0x70: {  	[sflag:s30] =	ssyncset.done $0x0  }
0x71: {  	[sflag:s30] =	ssyncadd.s32 $0xFFFFF000  }
0x72: {  	_ =	swait.ge [sflag:s30], $0x1000  }
0x73: {  	[sflag:s30] =	ssyncset.done $0x0  }
0x74: {  	[sflag:s30] =	ssyncadd.s32 $0xFFFFF000  }
0x75: {  	_ =	swait.ge [sflag:s30], $0x1000  }
0x76: {  	[sflag:s30] =	ssyncset.done $0x0  }
0x77: {  	[sflag:s30] =	ssyncadd.s32 $0xFFFFF000  }
0x78: {  	_ =	swait.ge [sflag:s30], $0x1000  }
0x79: {  	[sflag:s30] =	ssyncset.done $0x0  }
0x7a: {  	[sflag:s30] =	ssyncadd.s32 $0xFFFFF000  }
0x7b: {  	_ =	swait.ge [sflag:s30], $0x1000  }
0x7c: {  	[sflag:s30] =	ssyncset.done $0x0  }
0x7d: {  	[sflag:s30] =	ssyncadd.s32 $0xFFFFF000  }
0x7e: {  	_ =	swait.ge [sflag:s30], $0x1000  }
0x7f: {  	[sflag:s30] =	ssyncset.done $0x0  }
0x80: {  	[sflag:s30] =	ssyncadd.s32 $0xFFFFF000  }
0x81: {  	s16 =	simm.s32 $0x3;
	[bflag:$0x0] =	sbarrier.arrive $0xFFFF  }
0x82: {  	_ =	swait.ge [sflag:s16], $0x80  }
0x83: {  	[sflag:s16] =	ssyncset.done $0x0  }
0x84: {  	s31 =	smul.u32 $0x2700, s0;
	[sflag:s16] =	ssyncadd.s32 $0xFFFFFF80  }
0x85: {  	s15 =	sshll.u32 s15, $0x7;
	_ =	swait.ge [sflag:s8], $0x4000  }
0x86: {  	s20 =	sadd.s32 s15, s31;
	[sflag:s8] =	ssyncset.done $0x0  }
0x87: {  	s15 =	simm.s32 $0x6;
	s17 =	sadd.s32 $0x27200, s20;
	[sflag:s8] =	ssyncadd.s32 $0xFFFFC000  }
0x88: {  	[spmem:s3] =	stream.indirect.scatter.add.f32 [tilespmem:s12], [sflag:$0x6], $0x80, s10, s11, $0xb8;
	[tilespmem:$0x1F880] =	vst v63  }
0x89: {  	s17 =	sshrl.u32 s17, $0x3;
	_ =	swait.ge [sflag:s15], $0x4000  }
0x8a: {  	s17 =	sadd.s32 s17, s5;
	[sflag:s15] =	ssyncset.done $0x0  }
0x8b: {  	s18 =	sadd.s32 $0x0, s17;
	[sflag:s15] =	ssyncadd.s32 $0xFFFFC000  }
0x8c: {  	[tilespmem:s10], [sflag:$0x3] =	stream.linear.gather [hbm4b:s18+s9], $0x80, $0x38;
	[tilespmem:$0x1F880] =	vst v63  }
0x8d: {  	s19 =	simm.s32 $0x14100;
	s18 =	simm.s32 $0x4  }
0x8e: {  	[tilespmem:s12], [sflag:$0x1] =	stream.indirect.gather [hbm4b:s4+s11], $0x80, s19, s11, $0xb8;
	[tilespmem:$0x1F880] =	vst v63  }
0x8f: {  	_ =	swait.ge [sflag:s18], $0x80  }
0x90: {  	[sflag:s18] =	ssyncset.done $0x0  }
0x91: {  	s19 =	simm.s32 $0x2;
	[sflag:s18] =	ssyncadd.s32 $0xFFFFFF80  }
0x92: {  	_ =	swait.ge [sflag:s19], $0x4000  }
0x93: {  	[sflag:s19] =	ssyncset.done $0x0  }
0x94: {  	s20 =	sadd.s32 $0x27280, s20;
	[sflag:s19] =	ssyncadd.s32 $0xFFFFC000  }
0x95: {  	[spmem:s3] =	stream.indirect.scatter.add.f32 [tilespmem:s14], [sflag:$0x6], $0x80, s13, s11, $0xb8;
	[tilespmem:$0x1F880] =	vst v63  }
0x96: {  	s20 =	sshrl.u32 s20, $0x3;
	_ =	swait.ge [sflag:s15], $0x4000  }
0x97: {  	s20 =	sadd.s32 s20, s5;
	[sflag:s15] =	ssyncset.done $0x0  }
0x98: {  	s21 =	sadd.s32 $0x0, s20;
	[sflag:s15] =	ssyncadd.s32 $0xFFFFC000  }
0x99: {  	[tilespmem:s13], [sflag:$0x4] =	stream.linear.gather [hbm4b:s21+s9], $0x80, $0x38;
	[tilespmem:$0x1F880] =	vst v63  }
0x9a: {  	s22 =	simm.s32 $0x14200;
	s23 =	simm.s32 $0x14180;
	s21 =	simm.s32 $0x20  }
.LBB2_3:
0x9b: {  	[tilespmem:s14], [sflag:$0x2] =	stream.indirect.gather [hbm4b:s4+s11], $0x80, s23, s11, $0xb8;
	[tilespmem:$0x1F880] =	vst v63  }
0x9c: {  	s23 =	smov.u32 s21  }
0x9d: {  	p0 =	sne.s32 s21, $0x4A0;
	s21 =	sadd.s32 $0x20, s21;
	_ =	swait.ge [sflag:s16], $0x80  }
0x9e: {  	[sflag:s16] =	ssyncset.done $0x0  }
0x9f: {  	[sflag:s16] =	ssyncadd.s32 $0xFFFFFF80  }
0xa0: {  	_ =	swait.ge [sflag:s8], $0x4000  }
0xa1: {  	[sflag:s8] =	ssyncset.done $0x0  }
0xa2: {  	[sflag:s8] =	ssyncadd.s32 $0xFFFFC000  }
0xa3: {  	[spmem:s3] =	stream.indirect.scatter.add.f32 [tilespmem:s12], [sflag:$0x6], $0x80, s10, s11, $0xb8;
	[tilespmem:$0x1F880] =	vst v63  }
0xa4: {  	_ =	swait.ge [sflag:s15], $0x4000  }
0xa5: {  	[sflag:s15] =	ssyncset.done $0x0  }
0xa6: {  	s24 =	sadd.s32 s23, s17;
	[sflag:s15] =	ssyncadd.s32 $0xFFFFC000  }
0xa7: {  	[tilespmem:s10], [sflag:$0x3] =	stream.linear.gather [hbm4b:s24+s9], $0x80, $0x38;
	[tilespmem:$0x1F880] =	vst v63  }
0xa8: {  	_ = 	snop  }
0xa9: {  	[tilespmem:s12], [sflag:$0x1] =	stream.indirect.gather [hbm4b:s4+s11], $0x80, s22, s11, $0xb8;
	[tilespmem:$0x1F880] =	vst v63  }
0xaa: {  	_ =	swait.ge [sflag:s18], $0x80  }
0xab: {  	[sflag:s18] =	ssyncset.done $0x0  }
0xac: {  	[sflag:s18] =	ssyncadd.s32 $0xFFFFFF80  }
0xad: {  	_ =	swait.ge [sflag:s19], $0x4000  }
0xae: {  	[sflag:s19] =	ssyncset.done $0x0  }
0xaf: {  	[sflag:s19] =	ssyncadd.s32 $0xFFFFC000  }
0xb0: {  	[spmem:s3] =	stream.indirect.scatter.add.f32 [tilespmem:s14], [sflag:$0x6], $0x80, s13, s11, $0xb8;
	[tilespmem:$0x1F880] =	vst v63  }
.Ltmp1:
0xb1: {  	_ =	swait.ge [sflag:s15], $0x4000;
	(pc) =	sbr.rel @p0 .LBB2_3-.Ltmp1, $4  }
0xb2: {  	[sflag:s15] =	ssyncset.done $0x0  }
0xb3: {  	s23 =	sadd.s32 s23, s20;
	[sflag:s15] =	ssyncadd.s32 $0xFFFFC000  }
0xb4: {  	[tilespmem:s13], [sflag:$0x4] =	stream.linear.gather [hbm4b:s23+s9], $0x80, $0x38;
	[tilespmem:$0x1F880] =	vst v63  }
0xb5: {  	s23 =	sadd.s32 $0x80, s22;
	s22 =	sadd.s32 $0x100, s22  }
0xb6: {  	[tilespmem:s14], [sflag:$0x2] =	stream.indirect.gather [hbm4b:s4+s11], $0x80, s23, s11, $0xb8;
	[tilespmem:$0x1F880] =	vst v63  }
0xb7: {  	s8 =	simm.s32 $0x3  }
0xb8: {  	_ =	swait.ge [sflag:s8], $0x80  }
0xb9: {  	[sflag:s8] =	ssyncset.done $0x0  }
0xba: {  	s9 =	simm.s32 $0x1;
	[sflag:s8] =	ssyncadd.s32 $0xFFFFFF80  }
0xbb: {  	s10 =	simm.s32 $0x80;
	_ =	swait.ge [sflag:s9], $0x4000  }
0xbc: {  	s11 =	simm.s32 $0x16780;
	s13 =	simm.s32 $0x16880;
	[sflag:s9] =	ssyncset.done $0x0  }
0xbd: {  	s12 =	simm.s32 $0x6;
	p0 =	sgt.u32 s0, $0x1;
	[sflag:s9] =	ssyncadd.s32 $0xFFFFC000  }
0xbe: {  	[spmem:s3] =	stream.indirect.scatter.add.f32 [tilespmem:s13], [sflag:$0x6], $0x80, s11, s10, $0xb8;
	[tilespmem:$0x1F880] =	vst v63  }
0xbf: {  	s28 =	simm.s32 $0x4;
	s7 =	sshrl.u32 @!p0 s7, $0x3;
	_ =	swait.ge [sflag:s12], $0x4000  }
0xc0: {  	s14 =	simm.s32 @!p0 $0x16780;
	s5 =	sadd.s32 @!p0 s5, s7;
	[sflag:s12] =	ssyncset.done $0x0  }
0xc1: {  	s7 =	simm.s32 @!p0 $0x0;
	s5 =	sadd.s32 @!p0 $0x5300, s5;
	[sflag:s12] =	ssyncadd.s32 $0xFFFFC000  }
0xc2: {  	[tilespmem:s14], [sflag:$0x3] =	stream.linear.gather @!p0 [hbm4b:s5+s7], $0x80, $0x38;
	[tilespmem:$0x1F880] =	vst v63  }
0xc3: {  	s5 =	simm.s32 @!p0 $0x80;
	s7 =	simm.s32 @!p0 $0x16700;
	s14 =	simm.s32 @!p0 $0x16880  }
0xc4: {  	[tilespmem:s14], [sflag:$0x1] =	stream.indirect.gather @!p0 [hbm4b:s4+s5], $0x80, s7, s5, $0xb8;
	[tilespmem:$0x1F880] =	vst v63  }
0xc5: {  	_ =	swait.ge [sflag:s28], $0x80  }
0xc6: {  	[sflag:s28] =	ssyncset.done $0x0  }
0xc7: {  	s29 =	simm.s32 $0x2;
	[sflag:s28] =	ssyncadd.s32 $0xFFFFFF80  }
0xc8: {  	_ =	swait.ge [sflag:s29], $0x4000  }
0xc9: {  	s30 =	simm.s32 $0x16800;
	[sflag:s29] =	ssyncset.done $0x0  }
.Ltmp2:
0xca: {  	s31 =	simm.s32 $0x1A880;
	[sflag:s29] =	ssyncadd.s32 $0xFFFFC000;
	(pc) =	sbr.rel @!p0 .LBB2_5-.Ltmp2, $4  }
0xcb: {  	[spmem:s3] =	stream.indirect.scatter.add.f32 [tilespmem:s31], [sflag:$0x6], $0x80, s30, s10, $0xb8;
	[tilespmem:$0x1F880] =	vst v63  }
0xcc: {  	_ =	swait.ge [sflag:s12], $0x4000  }
0xcd: {  	[sflag:s12] =	ssyncset.done $0x0  }
0xce: {  	[sflag:s12] =	ssyncadd.s32 $0xFFFFC000  }
0xcf: {  	p0 =	seq.s32 s0, $0xF  }
.Ltmp3:
0xd0: {  	_ = 	snop;
	(pc) =	sbr.rel @!p0 .LBB2_7-.Ltmp3, $2  }
0xd1: {  	_ =	sdelay $0x1  }
0xd2: {  	[bflag:$0x0] =	sbarrier.arrive $0xFFFF;
	_ =	sdelay $0x1  }
0xd3: {  	s2 =	sadd.s32 $0x25800, s2;
	s3 =	sshrl.u32 s6, $0x3  }
.Ltmp4:
0xd4: {  	s4 =	simm.s32 $0x1FC6;
	s31 =	simm.s32 $0x6;
	(pc) =	sbr.rel .LBB2_9-.Ltmp4, $4  }
0xd5: {  	[hbm:s2], [sflag:s4] =	dma.local [spmem:s3], $0x1900  }
0xd6: {  	_ =	swait.ge [sflag:s31], $0x1900  }
0xd7: {  	[sflag:s31] =	ssyncset.done $0x0  }
0xd8: {  	[sflag:s31] =	ssyncadd.s32 $0xFFFFE700  }
.LBB2_5:
0xd9: {  	_ =	swait.ge [sflag:s8], $0x80  }
0xda: {  	[sflag:s8] =	ssyncset.done $0x0  }
0xdb: {  	[sflag:s8] =	ssyncadd.s32 $0xFFFFFF80  }
0xdc: {  	_ =	swait.ge [sflag:s9], $0x4000  }
0xdd: {  	[sflag:s9] =	ssyncset.done $0x0  }
0xde: {  	[sflag:s9] =	ssyncadd.s32 $0xFFFFC000  }
0xdf: {  	[spmem:s3] =	stream.indirect.scatter.add.f32 [tilespmem:s13], [sflag:$0x6], $0x80, s11, s10, $0xb8;
	[tilespmem:$0x1F880] =	vst v63  }
0xe0: {  	_ =	swait.ge [sflag:s12], $0x4000  }
0xe1: {  	[sflag:s12] =	ssyncset.done $0x0  }
0xe2: {  	[sflag:s12] =	ssyncadd.s32 $0xFFFFC000  }
0xe3: {  	[bflag:$0x0] =	sbarrier.arrive $0xFFFF  }
.LBB2_7:
0xe4: {  	s3 =	smul.u32 $0x2800, s0  }
0xe5: {  	s4 =	sshll.u32 s0, $0x6;
	s30 =	sshrl.u32 s6, $0x3  }
0xe6: {  	s31 =	simm.s32 $0x6;
	s29 =	sor.u32 $0x1C06, s4;
	s2 =	sadd.s32 s2, s3  }
0xe7: {  	[hbm:s2], [sflag:s29] =	dma.local [spmem:s30], $0x2800  }
0xe8: {  	_ =	swait.ge [sflag:s31], $0x2800  }
0xe9: {  	[sflag:s31] =	ssyncset.done $0x0  }
0xea: {  	[sflag:s31] =	ssyncadd.s32 $0xFFFFD800  }
.LBB2_9:
0xeb: {  	_ =	sfence.sel $0x180000  }
0xec: {  	[bflag:$0x0] =	sbarrier.arrive $0xFFFF  }
0xed: {  	p0 =	sne.s32 s0, $0x0;
	_ =	strace $0x9000004D  }
0xee: {  	s0 =	sadd.s32 @!p0 $0x100000, s1;
	[bflag:$0x2] =	sbarrier.arrive $0xFFFF  }
0xef: {  	[sflag:s0] =	ssyncadd.tile.s32 @!p0 $0x1;
	_ =	shalt  }
.Lfunc_end2:
_tile_overlayer_lowered:
.L_overlay_start_2:
0xf0: {  	(tag) =	ssettag $0x2  }
0xf1: {  	s0 =	rddreg [dreg:$0x0];
	s2 =	stileid.u32  }
0xf2: {  	s1 =	rddreg [dreg:$0x1];
	p0 =	sne.s32 s2, $0x0  }
0xf3: {  	s3 =	rddreg [dreg:$0x2];
	[bflag:$0x3] =	sbarrier.arrive $0xFFFF;
	s2 =	simm.s32 @!p0 $0x1C06  }
0xf4: {  	[timem:s3], [sflag:s2] =	dma.local @!p0 [hbm:s0], s1  }
0xf5: {  	s0 =	simm.s32 @!p0 $0x6  }
0xf6: {  	_ =	swait.ge @!p0 [sflag:s0], s1  }
0xf7: {  	s1 =	ssub.s32 @!p0 $0x0, s1;
	[sflag:s0] =	ssyncset.done @!p0 $0x0  }
0xf8: {  	[sflag:s0] =	ssyncadd.s32 @!p0 s1  }
0xf9: {  	[bflag:$0x3] =	sbarrier.arrive $0xFFFF  }
0xfa: {  	_ =	shalt  }

// kernel: kernel.18.cloned.1.call-start
scs
__scs_entry_jumppad:
0x0: {  	(pc) =	sbr.rel $0x88, $3  }
0x1: {  	(tag) =	ssettag $0x0;
	lr =	simm.s32 $0x1  }
0x2: {  	[smem:$0x3F9C] =	sst lr;
	_ =	strace $0xD0000000  }
0x3: {  	_ = 	snop  }
0x4: {  	_ = 	snop  }
0x5: {  	_ = 	snop  }
0x6: {  	_ = 	snop  }
0x7: {  	_ = 	snop  }
__scs_overlays_trampoline_lowered:
0x8: {  	[smem:$0x3FAB] =	sst s0  }
0x9: {  	[smem:$0x3FAC] =	sst s1  }
0xa: {  	[smem:$0x3FAD] =	sst s2  }
0xb: {  	[smem:$0x3FAE] =	sst s3  }
0xc: {  	[smem:$0x3FAF] =	sst s4  }
0xd: {  	[smem:$0x3FB0] =	sst s5  }
0xe: {  	[smem:$0x3FB1] =	sst s6  }
0xf: {  	[smem:$0x3FB2] =	sst s7  }
0x10: {  	[smem:$0x3FB3] =	sst s8  }
0x11: {  	[smem:$0x3FB4] =	sst s9;
	s0 =	simm.s32 @!p0 $0x0  }
0x12: {  	s1 =	sld [smem:$0x3F9A];
	s0 =	simm.s32 @p0 $0x1  }
0x13: {  	[smem:$0x3FB5] =	sst s0;
	s0 =	simm.s32 @!p1 $0x0  }
0x14: {  	s2 =	sld [smem:$0x3F99];
	s0 =	simm.s32 @p1 $0x1  }
0x15: {  	[smem:$0x3FB6] =	sst s0;
	s0 =	simm.s32 @!p2 $0x0  }
0x16: {  	s3 =	sld [smem:$0x3FDB];
	s0 =	simm.s32 @p2 $0x1  }
0x17: {  	s4 =	simm.s32 $0x1BF5;
	[smem:$0x3FB8] =	sst s0  }
0x18: {  	s0 =	sld [smem:$0x3F9B];
	_ =	swait.ge [sflag:s4], $0x0  }
0x19: {  	s7 =	sld [smem:$0x3F9C]  }
0x1a: {  	s8 =	sadd.s32 $0xFFFFE003, lr  }
0x1b: {  	s9 =	sadd.s32 $0xFFFFFEF7, lr;
	s5 =	simm.s32 $0xFFFFFFFF;
	p2 =	slt.u32 s8, $0xFFFFF086  }
0x1c: {  	p1 =	slt.u32 s9, $0xF7A;
	s5 =	simm.s32 @!p2 $0x0  }
0x1d: {  	s5 =	simm.s32 @p1 $0x1;
	p0 =	seq.s32 s7, s2  }
0x1e: {  	s7 =	smul.u32 @!p0 $0xF7A, s2;
	p2 =	seq.s32 @!p0 s5, $0x0  }
0x1f: {  	s9 =	smul.u32 $0xF7A, s1;
	s8 =	simm.s32 @!p0 $0x1BF5;
	p2 =	por !p2, p0  }
0x20: {  	[sflag:s8] =	ssyncset.s32 @!p0 $0xFFFFF086;
	s6 =	sadd.s32 @!p0 s3, s7;
	s7 =	simm.s32 @!p0 $0x108  }
0x21: {  	s3 =	sadd.s32 s3, s9;
	s6 =	sadd.s32 @!p0 $0x88, s6;
	s7 =	simm.s32 @p2 $0x1082  }
0x22: {  	[simem:s7], [sflag:s8] =	dma.local @!p0 [hbm:s6], $0xF7A  }
0x23: {  	s9 =	sor.u32 $0xD0000000, s2;
	s6 =	simm.s32 $0x108;
	_ =	swait.ge @!p0 [sflag:s8], $0x0  }
0x24: {  	s3 =	sadd.s32 $0x88, s3;
	s6 =	simm.s32 @!p1 $0x1082;
	[sflag:s4] =	ssyncset.s32 $0xFFFFF086  }
0x25: {  	[simem:s6], [sflag:s4] =	dma.local [hbm:s3], $0xF7A  }
0x26: {  	[smem:$0x3F9C] =	sst s1;
	(tag) =	ssettag s2;
	_ =	strace s9  }
0x27: {  	s1 =	sld [smem:$0x3FAC]  }
0x28: {  	s2 =	sld [smem:$0x3FAD]  }
0x29: {  	s4 =	sld [smem:$0x3FAF]  }
0x2a: {  	p0 =	seq.s32 s5, $0x0;
	s5 =	sld [smem:$0x3FB0]  }
0x2b: {  	s6 =	sld [smem:$0x3FB1]  }
0x2c: {  	s7 =	sld [smem:$0x3FB2]  }
0x2d: {  	s3 =	simm.s32 $0x108;
	s8 =	sld [smem:$0x3FB3]  }
0x2e: {  	s3 =	simm.s32 @!p0 $0x1082;
	s9 =	sld [smem:$0x3FB4]  }
0x2f: {  	lr =	sadd.s32 s0, s3;
	s0 =	sld [smem:$0x3FAB]  }
0x30: {  	s3 =	sld [smem:$0x3FAE]  }
0x31: {  	[smem:$0x3FB7] =	sst s10  }
0x32: {  	s10 =	sld [smem:$0x3FB5];
	_ =	sdelay $0x3  }
0x33: {  	p0 =	seq.s32 s10, $0x1;
	s10 =	sld [smem:$0x3FB7];
	_ =	sdelay $0x3  }
0x34: {  	[smem:$0x3FB7] =	sst s10  }
0x35: {  	s10 =	sld [smem:$0x3FB6];
	_ =	sdelay $0x3  }
0x36: {  	p1 =	seq.s32 s10, $0x1;
	s10 =	sld [smem:$0x3FB7];
	_ =	sdelay $0x3  }
0x37: {  	[smem:$0x3FB7] =	sst s10  }
0x38: {  	s10 =	sld [smem:$0x3FB8]  }
0x39: {  	_ = 	snop;
	(pc) =	sbr.ind lr, $3  }
0x3a: {  	_ = 	snop  }
0x3b: {  	_ = 	snop  }
0x3c: {  	p2 =	seq.s32 s10, $0x1;
	s10 =	sld [smem:$0x3FB7]  }
0x3d: {  	_ =	shalt  }
0x3e: {  	_ =	shalt  }
0x3f: {  	_ =	shalt  }
0x40: {  	_ =	shalt  }
0x41: {  	_ =	shalt  }
0x42: {  	_ =	shalt  }
0x43: {  	_ =	shalt  }
0x44: {  	_ =	shalt  }
0x45: {  	_ =	shalt  }
0x46: {  	_ =	shalt  }
0x47: {  	_ =	shalt  }
0x48: {  	_ =	shalt  }
0x49: {  	_ =	shalt  }
0x4a: {  	_ =	shalt  }
0x4b: {  	_ =	shalt  }
0x4c: {  	_ =	shalt  }
0x4d: {  	_ =	shalt  }
0x4e: {  	_ =	shalt  }
0x4f: {  	_ =	shalt  }
0x50: {  	_ =	shalt  }
0x51: {  	_ =	shalt  }
0x52: {  	_ =	shalt  }
0x53: {  	_ =	shalt  }
0x54: {  	_ =	shalt  }
0x55: {  	_ =	shalt  }
0x56: {  	_ =	shalt  }
0x57: {  	_ =	shalt  }
0x58: {  	_ =	shalt  }
0x59: {  	_ =	shalt  }
0x5a: {  	_ =	shalt  }
0x5b: {  	_ =	shalt  }
0x5c: {  	_ =	shalt  }
0x5d: {  	_ =	shalt  }
0x5e: {  	_ =	shalt  }
0x5f: {  	_ =	shalt  }
0x60: {  	_ =	shalt  }
0x61: {  	_ =	shalt  }
0x62: {  	_ =	shalt  }
0x63: {  	_ =	shalt  }
0x64: {  	_ =	shalt  }
0x65: {  	_ =	shalt  }
0x66: {  	_ =	shalt  }
0x67: {  	_ =	shalt  }
0x68: {  	_ =	shalt  }
0x69: {  	_ =	shalt  }
0x6a: {  	_ =	shalt  }
0x6b: {  	_ =	shalt  }
0x6c: {  	_ =	shalt  }
0x6d: {  	_ =	shalt  }
0x6e: {  	_ =	shalt  }
0x6f: {  	_ =	shalt  }
0x70: {  	_ =	shalt  }
0x71: {  	_ =	shalt  }
0x72: {  	_ =	shalt  }
0x73: {  	_ =	shalt  }
0x74: {  	_ =	shalt  }
0x75: {  	_ =	shalt  }
0x76: {  	_ =	shalt  }
0x77: {  	_ =	shalt  }
0x78: {  	_ =	shalt  }
0x79: {  	_ =	shalt  }
0x7a: {  	_ =	shalt  }
0x7b: {  	_ =	shalt  }
0x7c: {  	_ =	shalt  }
0x7d: {  	_ =	shalt  }
0x7e: {  	_ =	shalt  }
0x7f: {  	_ =	shalt  }
0x80: {  	_ =	shalt  }
0x81: {  	_ =	shalt  }
0x82: {  	_ =	shalt  }
0x83: {  	_ =	shalt  }
0x84: {  	_ =	shalt  }
0x85: {  	_ =	shalt  }
0x86: {  	_ =	shalt  }
0x87: {  	_ =	shalt  }
.Lfunc_end0:
.L_simem_size_0:
called_computation.3_lowered:
.L_overlay_start_0:
0x88: {  	s0 =	sld [smem:$0x3FD9]  }
0x89: {  	s1 =	sld [smem:$0x3FFE];
	_ =	sdelay $0x3  }
0x8a: {  	s0 =	sadd.s32 s1, s0  }
0x8b: {  	[smem:$0x3FC3] =	sst s0  }
0x8c: {  	_ = 	snop  }
0x8d: {  	(tm) =	ssettm $0x1  }
0x8e: {  	s15 =	sld [smem:$0x3FFB];
	_ =	sdelay $0x3  }
0x8f: {  	_ =	strace s15  }
0x90: {  	s0 =	sld [smem:$0x3FFC];
	_ =	sdelay $0x3  }
0x91: {  	_ =	strace s0  }
0x92: {  	s0 =	sld [smem:$0x3FFD];
	_ =	sdelay $0x3  }
0x93: {  	_ =	strace s0  }
0x94: {  	_ =	strace $0x8FFFFFFF  }
0x95: {  	s16 =	sld [smem:$0x3FDB];
	_ =	sdelay $0x1  }
0x96: {  	s17 =	simm.s32 $_scs_section_size  }
0x97: {  	s2 =	simm.s32 $_size__tile_overlayer_lowered;
	s3 =	simm.s32 $_tile_overlayer_lowered  }
0x98: {  	s20 =	simm.s32 $0x1BFF;
	s19 =	sshll.u32 s3, $0x1;
	s0 =	sadd.s32 s17, s16  }
0x99: {  	s4 =	simm.s32 $0x0;
	s18 =	sshll.u32 s2, $0x1;
	s2 =	sadd.s32 s19, s0  }
0x9a: {  	[timem:s4], [sflag:s20] =	dma.local [hbm:s2], s18  }
0x9b: {  	_ =	swait.ge [sflag:s20], s18  }
0x9c: {  	s1 =	ssub.s32 $0x0, s18;
	[sflag:s20] =	ssyncset.done $0x0  }
0x9d: {  	[sflag:s20] =	ssyncadd.s32 s1;
	_ =	sdelay $0x1  }
0x9e: {  	s21 =	simm.s32 $0x1B8B  }
0x9f: {  	_ =	swait.ge [sflag:s21], $0x1  }
0xa0: {  	[sflag:s21] =	ssyncset.done $0x0  }
0xa1: {  	s23 =	simm.s32 $0x1B8E;
	s22 =	sld [smem:$0x3FFE];
	[sflag:s21] =	ssyncadd.s32 $0xFFFFFFFF  }
0xa2: {  	s24 =	simm.s32 $execute0_lowered;
	[smem:$0x3FD2] =	sst s23  }
0xa3: {  	s2 =	sshll.u32 s24, $0x1;
	_ =	strace $0x8000004F;
	[dreg:$0x1] =	wrdreg $0xFFFFFFFF  }
0xa4: {  	s25 =	simm.s32 $_size_execute0_lowered;
	s0 =	sadd.s32 s0, s2;
	[dreg:$0x0] =	wrdreg $0x0  }
0xa5: {  	s2 =	sshll.u32 s25, $0x1;
	[dreg:$0x2] =	wrdreg s0  }
0xa6: {  	[dreg:$0x3] =	wrdreg s2  }
0xa7: {  	[dreg:$0x4] =	wrdreg $0xC0  }
0xa8: {  	_ =	task [dreg:s4], $0x5FFFF  }
0xa9: {  	[dreg:$0x1] =	wrdreg $0xFFFFFFFF  }
0xaa: {  	[dreg:$0x0] =	wrdreg $0x60  }
0xab: {  	[dreg:$0x2] =	wrdreg s22  }
0xac: {  	[dreg:$0x3] =	wrdreg $0x0  }
0xad: {  	[dreg:$0x4] =	wrdreg $0xB  }
0xae: {  	_ =	task.clear_ibuf [dreg:s4], $0x5FFFF;
	_ =	strace $0x9000004F  }
0xaf: {  	s26 =	simm.s32 $0xB;
	_ =	strace $0x80000051  }
0xb0: {  	_ =	swait.ge [sflag:s26], $0x1  }
0xb1: {  	[sflag:s26] =	ssyncadd.s32 $0xFFFFFFFF  }
0xb2: {  	_ =	strace $0x90000051  }
0xb3: {  	_ =	sfence  }
0xb4: {  	s28 =	sld [smem:$0x0];
	_ =	sdelay $0x1  }
0xb5: {  	s29 =	srdreg.scid  }
0xb6: {  	s30 =	sshll.u32 s29, $0xD;
	s31 =	sshrl.u32 s29, $0x2  }
0xb7: {  	s1 =	sand.u32 $0x1, s29;
	s2 =	sand.u32 $0x4000, s30;
	s0 =	sadd.s32 s31, s28  }
0xb8: {  	s1 =	sor.u32 s2, s1;
	s0 =	sshll.u32 s0, $0x11  }
0xb9: {  	s0 =	sor.u32 s0, s1  }
0xba: {  	s0 =	sadd.s32 $0x8F2B, s0  }
0xbb: {  	[sflag:s0] =	ssyncadd.remote.s32 $0x1  }
0xbc: {  	_ =	sfence.sel $0xFFFF  }
0xbd: {  	[dreg:$0x0] =	wrdreg $0xFFFFFFFF;
	(pc) =	sbr.abs _section_cstart, $3  }
0xbe: {  	[dreg:$0x1] =	wrdreg $0xFFFFFFFF  }
0xbf: {  	_ =	task.clear_ibuf [dreg:s4], $0x2FFFF;
	_ =	strace $0x9FFFFFFF  }
0xc0: {  	(tm) =	ssettm $0x7FFFFFFF  }
0xc1: {  	_ =	shalt  }
tec
execute0_lowered:
.L_overlay_start_1:
0x0: {  	(tag) =	ssettag $0x1  }
0x1: {  	s3 =	rddreg [dreg:$0x0]  }
0x2: {  	s0 =	stileid.u32;
	s2 =	rddreg [dreg:$0x1]  }
0x3: {  	s1 =	rddreg [dreg:$0x2];
	s7 =	simm.s32 $0x0;
	s4 =	smul.u32 $0x4E, s0  }
0x4: {  	s8 =	simm.s32 $0x14000;
	s15 =	smin.u32 s0, $0x2;
	[smem:$0x7FF] =	sst s7  }
0x5: {  	s5 =	sadd.s32 $0x2C00, s3;
	s31 =	sand.u32 $0x3E00, s7;
	s6 =	sadd.s32 s15, s4  }
0x6: {  	s9 =	sand.u32 $0x70, s7;
	s10 =	sshrl.u32 s31, $0x2;
	s4 =	sshll.u32 s6, $0x4  }
0x7: {  	_ =	strace $0x80000050;
	s9 =	sor.u32 s9, s10;
	s4 =	sadd.s32 s5, s4  }
0x8: {  	[tilespmem:s8], [sflag:$0x1] =	stream.linear.gather [hbm4b:s4+s7], $0x2780, $0x38;
	[tilespmem:$0x1F880] =	vst v63  }
0x9: {  	v0 =	vimm.f32 $0.0e+00;
	s4 =	sadd.s32 $0x38C00, s3;
	s3 =	sadd.s32 $0x5FE00, s3;
	s8 =	simm.s32 $0x40  }
.LBB2_1:
0xa: {  	p0 =	sne.s32 s8, $0x3FC0  }
0xb: {  	[tilespmem:s9+$0x1E880] =	vst v0;
	s7 =	sadd.s32 $0x10, s7;
	s9 =	smov.u32 s8;
	s8 =	sadd.s32 $0x40, s8  }
.Ltmp0:
0xc: {  	(pc) =	sbr.rel @p0 .LBB2_1-.Ltmp0, $4  }
0xd: {  	_ = 	snop  }
0xe: {  	s9 =	sand.u32 $0x3E00, s9  }
0xf: {  	s10 =	sand.u32 $0x70, s7;
	s9 =	sshrl.u32 s9, $0x2  }
0x10: {  	s9 =	sor.u32 s10, s9  }
0x11: {  	s7 =	sshll.u32 s6, $0x7;
	[tilespmem:s9+$0x1E880] =	vst v0;
	s8 =	simm.s32 $0x1  }
0x12: {  	s6 =	sshrl.u32 s7, $0x3;
	_ =	swait.ge [sflag:s8], $0x2780  }
0x13: {  	s9 =	simm.s32 $0x0;
	s6 =	sadd.s32 s5, s6;
	[sflag:s8] =	ssyncset.done $0x0  }
0x14: {  	s10 =	simm.s32 $0x16780;
	s11 =	sadd.s32 $0x4E20, s6;
	[sflag:s8] =	ssyncadd.s32 $0xFFFFD880  }
0x15: {  	[tilespmem:s10], [sflag:$0x3] =	stream.linear.gather [hbm4b:s11+s9], $0x80, $0x38;
	[tilespmem:$0x1F880] =	vst v63  }
0x16: {  	s13 =	simm.s32 $0x14000;
	s12 =	simm.s32 $0x16880;
	s11 =	simm.s32 $0x80  }
0x17: {  	[tilespmem:s12], [sflag:$0x1] =	stream.indirect.gather [hbm4b:s4+s11], $0x80, s13, s11, $0xb8;
	[tilespmem:$0x1F880] =	vst v63  }
0x18: {  	s14 =	smul.u32 $0x50000, s0;
	s6 =	sadd.s32 $0x4E30, s6;
	s13 =	simm.s32 $0x16800  }
0x19: {  	[tilespmem:s13], [sflag:$0x4] =	stream.linear.gather [hbm4b:s6+s9], $0x80, $0x38;
	[tilespmem:$0x1F880] =	vst v63  }
0x1a: {  	s16 =	simm.s32 $0x14080;
	s23 =	sshrl.u32 s14, $0x2;
	s14 =	simm.s32 $0x1A880  }
0x1b: {  	[tilespmem:s14], [sflag:$0x2] =	stream.indirect.gather [hbm4b:s4+s11], $0x80, s16, s11, $0xb8;
	[tilespmem:$0x1F880] =	vst v63  }
0x1c: {  	s6 =	sadd.s32 s23, s2;
	s16 =	simm.s32 $0x1E880  }
0x1d: {  	[spmem:s6] =	stream.linear.scatter [tilespmem:s16], [sflag:$0x5], $0x1000, $0x38;
	[tilespmem:$0x1F880] =	vst v63  }
0x1e: {  	s17 =	sadd.s32 $0x1000, s6  }
0x1f: {  	[spmem:s17] =	stream.linear.scatter [tilespmem:s16], [sflag:$0x5], $0x1000, $0x38;
	[tilespmem:$0x1F880] =	vst v63  }
0x20: {  	s24 =	sadd.s32 $0x2000, s6  }
0x21: {  	[spmem:s24] =	stream.linear.scatter [tilespmem:s16], [sflag:$0x5], $0x1000, $0x38;
	[tilespmem:$0x1F880] =	vst v63  }
0x22: {  	s25 =	sadd.s32 $0x3000, s6  }
0x23: {  	[spmem:s25] =	stream.linear.scatter [tilespmem:s16], [sflag:$0x5], $0x1000, $0x38;
	[tilespmem:$0x1F880] =	vst v63  }
0x24: {  	s26 =	sadd.s32 $0x4000, s6  }
0x25: {  	[spmem:s26] =	stream.linear.scatter [tilespmem:s16], [sflag:$0x5], $0x1000, $0x38;
	[tilespmem:$0x1F880] =	vst v63  }
0x26: {  	s28 =	sadd.s32 $0x5000, s6  }
0x27: {  	[spmem:s28] =	stream.linear.scatter [tilespmem:s16], [sflag:$0x5], $0x1000, $0x38;
	[tilespmem:$0x1F880] =	vst v63  }
0x28: {  	s29 =	sadd.s32 $0x6000, s6  }
0x29: {  	[spmem:s29] =	stream.linear.scatter [tilespmem:s16], [sflag:$0x5], $0x1000, $0x38;
	[tilespmem:$0x1F880] =	vst v63  }
0x2a: {  	s30 =	sadd.s32 $0x7000, s6  }
0x2b: {  	[spmem:s30] =	stream.linear.scatter [tilespmem:s16], [sflag:$0x5], $0x1000, $0x38;
	[tilespmem:$0x1F880] =	vst v63  }
0x2c: {  	s31 =	sadd.s32 $0x8000, s6  }
0x2d: {  	[spmem:s31] =	stream.linear.scatter [tilespmem:s16], [sflag:$0x5], $0x1000, $0x38;
	[tilespmem:$0x1F880] =	vst v63  }
0x2e: {  	s18 =	sadd.s32 $0x9000, s6  }
0x2f: {  	[spmem:s18] =	stream.linear.scatter [tilespmem:s16], [sflag:$0x5], $0x1000, $0x38;
	[tilespmem:$0x1F880] =	vst v63  }
0x30: {  	s19 =	sadd.s32 $0xA000, s6  }
0x31: {  	[spmem:s19] =	stream.linear.scatter [tilespmem:s16], [sflag:$0x5], $0x1000, $0x38;
	[tilespmem:$0x1F880] =	vst v63  }
0x32: {  	s20 =	sadd.s32 $0xB000, s6  }
0x33: {  	[spmem:s20] =	stream.linear.scatter [tilespmem:s16], [sflag:$0x5], $0x1000, $0x38;
	[tilespmem:$0x1F880] =	vst v63  }
0x34: {  	s21 =	sadd.s32 $0xC000, s6  }
0x35: {  	[spmem:s21] =	stream.linear.scatter [tilespmem:s16], [sflag:$0x5], $0x1000, $0x38;
	[tilespmem:$0x1F880] =	vst v63  }
0x36: {  	s22 =	sadd.s32 $0xD000, s6  }
0x37: {  	[spmem:s22] =	stream.linear.scatter [tilespmem:s16], [sflag:$0x5], $0x1000, $0x38;
	[tilespmem:$0x1F880] =	vst v63  }
0x38: {  	s23 =	sadd.s32 $0xE000, s6  }
0x39: {  	[spmem:s23] =	stream.linear.scatter [tilespmem:s16], [sflag:$0x5], $0x1000, $0x38;
	[tilespmem:$0x1F880] =	vst v63  }
0x3a: {  	s24 =	sadd.s32 $0xF000, s6  }
0x3b: {  	[spmem:s24] =	stream.linear.scatter [tilespmem:s16], [sflag:$0x5], $0x1000, $0x38;
	[tilespmem:$0x1F880] =	vst v63  }
0x3c: {  	s25 =	sadd.s32 $0x10000, s6  }
0x3d: {  	[spmem:s25] =	stream.linear.scatter [tilespmem:s16], [sflag:$0x5], $0x1000, $0x38;
	[tilespmem:$0x1F880] =	vst v63  }
0x3e: {  	s26 =	sadd.s32 $0x11000, s6  }
0x3f: {  	[spmem:s26] =	stream.linear.scatter [tilespmem:s16], [sflag:$0x5], $0x1000, $0x38;
	[tilespmem:$0x1F880] =	vst v63  }
0x40: {  	s28 =	sadd.s32 $0x12000, s6  }
0x41: {  	[spmem:s28] =	stream.linear.scatter [tilespmem:s16], [sflag:$0x5], $0x1000, $0x38;
	[tilespmem:$0x1F880] =	vst v63  }
0x42: {  	s29 =	sadd.s32 $0x13000, s6;
	s30 =	simm.s32 $0x5  }
0x43: {  	[spmem:s29] =	stream.linear.scatter [tilespmem:s16], [sflag:$0x5], $0x1000, $0x38;
	[tilespmem:$0x1F880] =	vst v63  }
0x44: {  	_ =	swait.ge [sflag:s30], $0x1000  }
0x45: {  	[sflag:s30] =	ssyncset.done $0x0  }
0x46: {  	[sflag:s30] =	ssyncadd.s32 $0xFFFFF000  }
0x47: {  	_ =	swait.ge [sflag:s30], $0x1000  }
0x48: {  	[sflag:s30] =	ssyncset.done $0x0  }
0x49: {  	[sflag:s30] =	ssyncadd.s32 $0xFFFFF000  }
0x4a: {  	_ =	swait.ge [sflag:s30], $0x1000  }
0x4b: {  	[sflag:s30] =	ssyncset.done $0x0  }
0x4c: {  	[sflag:s30] =	ssyncadd.s32 $0xFFFFF000  }
0x4d: {  	_ =	swait.ge [sflag:s30], $0x1000  }
0x4e: {  	[sflag:s30] =	ssyncset.done $0x0  }
0x4f: {  	[sflag:s30] =	ssyncadd.s32 $0xFFFFF000  }
0x50: {  	_ =	swait.ge [sflag:s30], $0x1000  }
0x51: {  	[sflag:s30] =	ssyncset.done $0x0  }
0x52: {  	[sflag:s30] =	ssyncadd.s32 $0xFFFFF000  }
0x53: {  	_ =	swait.ge [sflag:s30], $0x1000  }
0x54: {  	[sflag:s30] =	ssyncset.done $0x0  }
0x55: {  	[sflag:s30] =	ssyncadd.s32 $0xFFFFF000  }
0x56: {  	_ =	swait.ge [sflag:s30], $0x1000  }
0x57: {  	[sflag:s30] =	ssyncset.done $0x0  }
0x58: {  	[sflag:s30] =	ssyncadd.s32 $0xFFFFF000  }
0x59: {  	_ =	swait.ge [sflag:s30], $0x1000  }
0x5a: {  	[sflag:s30] =	ssyncset.done $0x0  }
0x5b: {  	[sflag:s30] =	ssyncadd.s32 $0xFFFFF000  }
0x5c: {  	_ =	swait.ge [sflag:s30], $0x1000  }
0x5d: {  	[sflag:s30] =	ssyncset.done $0x0  }
0x5e: {  	[sflag:s30] =	ssyncadd.s32 $0xFFFFF000  }
0x5f: {  	_ =	swait.ge [sflag:s30], $0x1000  }
0x60: {  	[sflag:s30] =	ssyncset.done $0x0  }
0x61: {  	[sflag:s30] =	ssyncadd.s32 $0xFFFFF000  }
0x62: {  	_ =	swait.ge [sflag:s30], $0x1000  }
0x63: {  	[sflag:s30] =	ssyncset.done $0x0  }
0x64: {  	[sflag:s30] =	ssyncadd.s32 $0xFFFFF000  }
0x65: {  	_ =	swait.ge [sflag:s30], $0x1000  }
0x66: {  	[sflag:s30] =	ssyncset.done $0x0  }
0x67: {  	[sflag:s30] =	ssyncadd.s32 $0xFFFFF000  }
0x68: {  	_ =	swait.ge [sflag:s30], $0x1000  }
0x69: {  	[sflag:s30] =	ssyncset.done $0x0  }
0x6a: {  	[sflag:s30] =	ssyncadd.s32 $0xFFFFF000  }
0x6b: {  	_ =	swait.ge [sflag:s30], $0x1000  }
0x6c: {  	[sflag:s30] =	ssyncset.done $0x0  }
0x6d: {  	[sflag:s30] =	ssyncadd.s32 $0xFFFFF000  }
0x6e: {  	_ =	swait.ge [sflag:s30], $0x1000  }
0x6f: {  	[sflag:s30] =	ssyncset.done $0x0  }
0x70: {  	[sflag:s30] =	ssyncadd.s32 $0xFFFFF000  }
0x71: {  	_ =	swait.ge [sflag:s30], $0x1000  }
0x72: {  	[sflag:s30] =	ssyncset.done $0x0  }
0x73: {  	[sflag:s30] =	ssyncadd.s32 $0xFFFFF000  }
0x74: {  	_ =	swait.ge [sflag:s30], $0x1000  }
0x75: {  	[sflag:s30] =	ssyncset.done $0x0  }
0x76: {  	[sflag:s30] =	ssyncadd.s32 $0xFFFFF000  }
0x77: {  	_ =	swait.ge [sflag:s30], $0x1000  }
0x78: {  	[sflag:s30] =	ssyncset.done $0x0  }
0x79: {  	[sflag:s30] =	ssyncadd.s32 $0xFFFFF000  }
0x7a: {  	_ =	swait.ge [sflag:s30], $0x1000  }
0x7b: {  	[sflag:s30] =	ssyncset.done $0x0  }
0x7c: {  	[sflag:s30] =	ssyncadd.s32 $0xFFFFF000  }
0x7d: {  	_ =	swait.ge [sflag:s30], $0x1000  }
0x7e: {  	[sflag:s30] =	ssyncset.done $0x0  }
0x7f: {  	[sflag:s30] =	ssyncadd.s32 $0xFFFFF000  }
0x80: {  	s16 =	simm.s32 $0x3;
	[bflag:$0x0] =	sbarrier.arrive $0xFFFF  }
0x81: {  	_ =	swait.ge [sflag:s16], $0x80  }
0x82: {  	[sflag:s16] =	ssyncset.done $0x0  }
0x83: {  	s31 =	smul.u32 $0x2700, s0;
	[sflag:s16] =	ssyncadd.s32 $0xFFFFFF80  }
0x84: {  	s15 =	sshll.u32 s15, $0x7;
	_ =	swait.ge [sflag:s8], $0x4000  }
0x85: {  	s20 =	sadd.s32 s15, s31;
	[sflag:s8] =	ssyncset.done $0x0  }
0x86: {  	s15 =	simm.s32 $0x6;
	s17 =	sadd.s32 $0x27200, s20;
	[sflag:s8] =	ssyncadd.s32 $0xFFFFC000  }
0x87: {  	[spmem:s2] =	stream.indirect.scatter.add.f32 [tilespmem:s12], [sflag:$0x6], $0x80, s10, s11, $0xb8;
	[tilespmem:$0x1F880] =	vst v63  }
0x88: {  	s17 =	sshrl.u32 s17, $0x3;
	_ =	swait.ge [sflag:s15], $0x4000  }
0x89: {  	s17 =	sadd.s32 s17, s5;
	[sflag:s15] =	ssyncset.done $0x0  }
0x8a: {  	s18 =	sadd.s32 $0x0, s17;
	[sflag:s15] =	ssyncadd.s32 $0xFFFFC000  }
0x8b: {  	[tilespmem:s10], [sflag:$0x3] =	stream.linear.gather [hbm4b:s18+s9], $0x80, $0x38;
	[tilespmem:$0x1F880] =	vst v63  }
0x8c: {  	s19 =	simm.s32 $0x14100;
	s18 =	simm.s32 $0x4  }
0x8d: {  	[tilespmem:s12], [sflag:$0x1] =	stream.indirect.gather [hbm4b:s4+s11], $0x80, s19, s11, $0xb8;
	[tilespmem:$0x1F880] =	vst v63  }
0x8e: {  	_ =	swait.ge [sflag:s18], $0x80  }
0x8f: {  	[sflag:s18] =	ssyncset.done $0x0  }
0x90: {  	s19 =	simm.s32 $0x2;
	[sflag:s18] =	ssyncadd.s32 $0xFFFFFF80  }
0x91: {  	_ =	swait.ge [sflag:s19], $0x4000  }
0x92: {  	[sflag:s19] =	ssyncset.done $0x0  }
0x93: {  	s20 =	sadd.s32 $0x27280, s20;
	[sflag:s19] =	ssyncadd.s32 $0xFFFFC000  }
0x94: {  	[spmem:s2] =	stream.indirect.scatter.add.f32 [tilespmem:s14], [sflag:$0x6], $0x80, s13, s11, $0xb8;
	[tilespmem:$0x1F880] =	vst v63  }
0x95: {  	s20 =	sshrl.u32 s20, $0x3;
	_ =	swait.ge [sflag:s15], $0x4000  }
0x96: {  	s20 =	sadd.s32 s20, s5;
	[sflag:s15] =	ssyncset.done $0x0  }
0x97: {  	s21 =	sadd.s32 $0x0, s20;
	[sflag:s15] =	ssyncadd.s32 $0xFFFFC000  }
0x98: {  	[tilespmem:s13], [sflag:$0x4] =	stream.linear.gather [hbm4b:s21+s9], $0x80, $0x38;
	[tilespmem:$0x1F880] =	vst v63  }
0x99: {  	s22 =	simm.s32 $0x14200;
	s23 =	simm.s32 $0x14180;
	s21 =	simm.s32 $0x20  }
.LBB2_3:
0x9a: {  	[tilespmem:s14], [sflag:$0x2] =	stream.indirect.gather [hbm4b:s4+s11], $0x80, s23, s11, $0xb8;
	[tilespmem:$0x1F880] =	vst v63  }
0x9b: {  	s23 =	smov.u32 s21  }
0x9c: {  	p0 =	sne.s32 s21, $0x4A0;
	s21 =	sadd.s32 $0x20, s21;
	_ =	swait.ge [sflag:s16], $0x80  }
0x9d: {  	[sflag:s16] =	ssyncset.done $0x0  }
0x9e: {  	[sflag:s16] =	ssyncadd.s32 $0xFFFFFF80  }
0x9f: {  	_ =	swait.ge [sflag:s8], $0x4000  }
0xa0: {  	[sflag:s8] =	ssyncset.done $0x0  }
0xa1: {  	[sflag:s8] =	ssyncadd.s32 $0xFFFFC000  }
0xa2: {  	[spmem:s2] =	stream.indirect.scatter.add.f32 [tilespmem:s12], [sflag:$0x6], $0x80, s10, s11, $0xb8;
	[tilespmem:$0x1F880] =	vst v63  }
0xa3: {  	_ =	swait.ge [sflag:s15], $0x4000  }
0xa4: {  	[sflag:s15] =	ssyncset.done $0x0  }
0xa5: {  	s24 =	sadd.s32 s23, s17;
	[sflag:s15] =	ssyncadd.s32 $0xFFFFC000  }
0xa6: {  	[tilespmem:s10], [sflag:$0x3] =	stream.linear.gather [hbm4b:s24+s9], $0x80, $0x38;
	[tilespmem:$0x1F880] =	vst v63  }
0xa7: {  	_ = 	snop  }
0xa8: {  	[tilespmem:s12], [sflag:$0x1] =	stream.indirect.gather [hbm4b:s4+s11], $0x80, s22, s11, $0xb8;
	[tilespmem:$0x1F880] =	vst v63  }
0xa9: {  	_ =	swait.ge [sflag:s18], $0x80  }
0xaa: {  	[sflag:s18] =	ssyncset.done $0x0  }
0xab: {  	[sflag:s18] =	ssyncadd.s32 $0xFFFFFF80  }
0xac: {  	_ =	swait.ge [sflag:s19], $0x4000  }
0xad: {  	[sflag:s19] =	ssyncset.done $0x0  }
0xae: {  	[sflag:s19] =	ssyncadd.s32 $0xFFFFC000  }
0xaf: {  	[spmem:s2] =	stream.indirect.scatter.add.f32 [tilespmem:s14], [sflag:$0x6], $0x80, s13, s11, $0xb8;
	[tilespmem:$0x1F880] =	vst v63  }
.Ltmp1:
0xb0: {  	_ =	swait.ge [sflag:s15], $0x4000;
	(pc) =	sbr.rel @p0 .LBB2_3-.Ltmp1, $4  }
0xb1: {  	[sflag:s15] =	ssyncset.done $0x0  }
0xb2: {  	s23 =	sadd.s32 s23, s20;
	[sflag:s15] =	ssyncadd.s32 $0xFFFFC000  }
0xb3: {  	[tilespmem:s13], [sflag:$0x4] =	stream.linear.gather [hbm4b:s23+s9], $0x80, $0x38;
	[tilespmem:$0x1F880] =	vst v63  }
0xb4: {  	s23 =	sadd.s32 $0x80, s22;
	s22 =	sadd.s32 $0x100, s22  }
0xb5: {  	[tilespmem:s14], [sflag:$0x2] =	stream.indirect.gather [hbm4b:s4+s11], $0x80, s23, s11, $0xb8;
	[tilespmem:$0x1F880] =	vst v63  }
0xb6: {  	s8 =	simm.s32 $0x3  }
0xb7: {  	_ =	swait.ge [sflag:s8], $0x80  }
0xb8: {  	[sflag:s8] =	ssyncset.done $0x0  }
0xb9: {  	s9 =	simm.s32 $0x1;
	[sflag:s8] =	ssyncadd.s32 $0xFFFFFF80  }
0xba: {  	s10 =	simm.s32 $0x80;
	_ =	swait.ge [sflag:s9], $0x4000  }
0xbb: {  	s11 =	simm.s32 $0x16780;
	s13 =	simm.s32 $0x16880;
	[sflag:s9] =	ssyncset.done $0x0  }
0xbc: {  	s12 =	simm.s32 $0x6;
	p0 =	sgt.u32 s0, $0x1;
	[sflag:s9] =	ssyncadd.s32 $0xFFFFC000  }
0xbd: {  	[spmem:s2] =	stream.indirect.scatter.add.f32 [tilespmem:s13], [sflag:$0x6], $0x80, s11, s10, $0xb8;
	[tilespmem:$0x1F880] =	vst v63  }
0xbe: {  	s28 =	simm.s32 $0x4;
	s7 =	sshrl.u32 @!p0 s7, $0x3;
	_ =	swait.ge [sflag:s12], $0x4000  }
0xbf: {  	s14 =	simm.s32 @!p0 $0x16780;
	s5 =	sadd.s32 @!p0 s5, s7;
	[sflag:s12] =	ssyncset.done $0x0  }
0xc0: {  	s7 =	simm.s32 @!p0 $0x0;
	s5 =	sadd.s32 @!p0 $0x5300, s5;
	[sflag:s12] =	ssyncadd.s32 $0xFFFFC000  }
0xc1: {  	[tilespmem:s14], [sflag:$0x3] =	stream.linear.gather @!p0 [hbm4b:s5+s7], $0x80, $0x38;
	[tilespmem:$0x1F880] =	vst v63  }
0xc2: {  	s5 =	simm.s32 @!p0 $0x80;
	s7 =	simm.s32 @!p0 $0x16700;
	s14 =	simm.s32 @!p0 $0x16880  }
0xc3: {  	[tilespmem:s14], [sflag:$0x1] =	stream.indirect.gather @!p0 [hbm4b:s4+s5], $0x80, s7, s5, $0xb8;
	[tilespmem:$0x1F880] =	vst v63  }
0xc4: {  	_ =	swait.ge [sflag:s28], $0x80  }
0xc5: {  	[sflag:s28] =	ssyncset.done $0x0  }
0xc6: {  	s29 =	simm.s32 $0x2;
	[sflag:s28] =	ssyncadd.s32 $0xFFFFFF80  }
0xc7: {  	_ =	swait.ge [sflag:s29], $0x4000  }
0xc8: {  	s30 =	simm.s32 $0x16800;
	[sflag:s29] =	ssyncset.done $0x0  }
.Ltmp2:
0xc9: {  	s31 =	simm.s32 $0x1A880;
	[sflag:s29] =	ssyncadd.s32 $0xFFFFC000;
	(pc) =	sbr.rel @!p0 .LBB2_5-.Ltmp2, $4  }
0xca: {  	[spmem:s2] =	stream.indirect.scatter.add.f32 [tilespmem:s31], [sflag:$0x6], $0x80, s30, s10, $0xb8;
	[tilespmem:$0x1F880] =	vst v63  }
0xcb: {  	_ =	swait.ge [sflag:s12], $0x4000  }
0xcc: {  	[sflag:s12] =	ssyncset.done $0x0  }
0xcd: {  	[sflag:s12] =	ssyncadd.s32 $0xFFFFC000  }
0xce: {  	p0 =	seq.s32 s0, $0xF  }
.Ltmp3:
0xcf: {  	_ = 	snop;
	(pc) =	sbr.rel @!p0 .LBB2_7-.Ltmp3, $2  }
0xd0: {  	_ =	sdelay $0x1  }
0xd1: {  	[bflag:$0x0] =	sbarrier.arrive $0xFFFF;
	_ =	sdelay $0x1  }
0xd2: {  	s2 =	sadd.s32 $0x25800, s3;
	s30 =	sshrl.u32 s6, $0x3  }
.Ltmp4:
0xd3: {  	s4 =	simm.s32 $0x1FC6;
	s31 =	simm.s32 $0x6;
	(pc) =	sbr.rel .LBB2_9-.Ltmp4, $4  }
0xd4: {  	[hbm:s2], [sflag:s4] =	dma.local [spmem:s30], $0x1900  }
0xd5: {  	_ =	swait.ge [sflag:s31], $0x1900  }
0xd6: {  	[sflag:s31] =	ssyncset.done $0x0  }
0xd7: {  	[sflag:s31] =	ssyncadd.s32 $0xFFFFE700  }
.LBB2_5:
0xd8: {  	_ =	swait.ge [sflag:s8], $0x80  }
0xd9: {  	[sflag:s8] =	ssyncset.done $0x0  }
0xda: {  	[sflag:s8] =	ssyncadd.s32 $0xFFFFFF80  }
0xdb: {  	_ =	swait.ge [sflag:s9], $0x4000  }
0xdc: {  	[sflag:s9] =	ssyncset.done $0x0  }
0xdd: {  	[sflag:s9] =	ssyncadd.s32 $0xFFFFC000  }
0xde: {  	[spmem:s2] =	stream.indirect.scatter.add.f32 [tilespmem:s13], [sflag:$0x6], $0x80, s11, s10, $0xb8;
	[tilespmem:$0x1F880] =	vst v63  }
0xdf: {  	_ =	swait.ge [sflag:s12], $0x4000  }
0xe0: {  	[sflag:s12] =	ssyncset.done $0x0  }
0xe1: {  	[sflag:s12] =	ssyncadd.s32 $0xFFFFC000  }
0xe2: {  	[bflag:$0x0] =	sbarrier.arrive $0xFFFF  }
.LBB2_7:
0xe3: {  	s2 =	smul.u32 $0x2800, s0  }
0xe4: {  	s4 =	sshll.u32 s0, $0x6;
	s30 =	sshrl.u32 s6, $0x3  }
0xe5: {  	s31 =	simm.s32 $0x6;
	s29 =	sor.u32 $0x1C06, s4;
	s2 =	sadd.s32 s3, s2  }
0xe6: {  	[hbm:s2], [sflag:s29] =	dma.local [spmem:s30], $0x2800  }
0xe7: {  	_ =	swait.ge [sflag:s31], $0x2800  }
0xe8: {  	[sflag:s31] =	ssyncset.done $0x0  }
0xe9: {  	[sflag:s31] =	ssyncadd.s32 $0xFFFFD800  }
.LBB2_9:
0xea: {  	_ =	sfence.sel $0x180000  }
0xeb: {  	[bflag:$0x0] =	sbarrier.arrive $0xFFFF  }
0xec: {  	p0 =	sne.s32 s0, $0x0;
	_ =	strace $0x90000050  }
0xed: {  	s0 =	sadd.s32 @!p0 $0x100000, s1;
	[bflag:$0x2] =	sbarrier.arrive $0xFFFF  }
0xee: {  	[sflag:s0] =	ssyncadd.tile.s32 @!p0 $0x1;
	_ =	shalt  }
.Lfunc_end2:
_tile_overlayer_lowered:
.L_overlay_start_2:
0xef: {  	(tag) =	ssettag $0x2  }
0xf0: {  	s0 =	rddreg [dreg:$0x0];
	s2 =	stileid.u32  }
0xf1: {  	s1 =	rddreg [dreg:$0x1];
	p0 =	sne.s32 s2, $0x0  }
0xf2: {  	s3 =	rddreg [dreg:$0x2];
	[bflag:$0x3] =	sbarrier.arrive $0xFFFF;
	s2 =	simm.s32 @!p0 $0x1C06  }
0xf3: {  	[timem:s3], [sflag:s2] =	dma.local @!p0 [hbm:s0], s1  }
0xf4: {  	s0 =	simm.s32 @!p0 $0x6  }
0xf5: {  	_ =	swait.ge @!p0 [sflag:s0], s1  }
0xf6: {  	s1 =	ssub.s32 @!p0 $0x0, s1;
	[sflag:s0] =	ssyncset.done @!p0 $0x0  }
0xf7: {  	[sflag:s0] =	ssyncadd.s32 @!p0 s1  }
0xf8: {  	[bflag:$0x3] =	sbarrier.arrive $0xFFFF  }
0xf9: {  	_ =	shalt  }

// kernel: kernel.9.cloned.1.call-start
scs
__scs_entry_jumppad:
0x0: {  	(pc) =	sbr.rel $0x88, $3  }
0x1: {  	(tag) =	ssettag $0x0;
	lr =	simm.s32 $0x1  }
0x2: {  	[smem:$0x3F9C] =	sst lr;
	_ =	strace $0xD0000000  }
0x3: {  	_ = 	snop  }
0x4: {  	_ = 	snop  }
0x5: {  	_ = 	snop  }
0x6: {  	_ = 	snop  }
0x7: {  	_ = 	snop  }
__scs_overlays_trampoline_lowered:
0x8: {  	[smem:$0x3FAB] =	sst s0  }
0x9: {  	[smem:$0x3FAC] =	sst s1  }
0xa: {  	[smem:$0x3FAD] =	sst s2  }
0xb: {  	[smem:$0x3FAE] =	sst s3  }
0xc: {  	[smem:$0x3FAF] =	sst s4  }
0xd: {  	[smem:$0x3FB0] =	sst s5  }
0xe: {  	[smem:$0x3FB1] =	sst s6  }
0xf: {  	[smem:$0x3FB2] =	sst s7  }
0x10: {  	[smem:$0x3FB3] =	sst s8  }
0x11: {  	[smem:$0x3FB4] =	sst s9;
	s0 =	simm.s32 @!p0 $0x0  }
0x12: {  	s1 =	sld [smem:$0x3F9A];
	s0 =	simm.s32 @p0 $0x1  }
0x13: {  	[smem:$0x3FB5] =	sst s0;
	s0 =	simm.s32 @!p1 $0x0  }
0x14: {  	s2 =	sld [smem:$0x3F99];
	s0 =	simm.s32 @p1 $0x1  }
0x15: {  	[smem:$0x3FB6] =	sst s0;
	s0 =	simm.s32 @!p2 $0x0  }
0x16: {  	s3 =	sld [smem:$0x3FDB];
	s0 =	simm.s32 @p2 $0x1  }
0x17: {  	s4 =	simm.s32 $0x1BF5;
	[smem:$0x3FB8] =	sst s0  }
0x18: {  	s0 =	sld [smem:$0x3F9B];
	_ =	swait.ge [sflag:s4], $0x0  }
0x19: {  	s7 =	sld [smem:$0x3F9C]  }
0x1a: {  	s8 =	sadd.s32 $0xFFFFE003, lr  }
0x1b: {  	s9 =	sadd.s32 $0xFFFFFEF7, lr;
	s5 =	simm.s32 $0xFFFFFFFF;
	p2 =	slt.u32 s8, $0xFFFFF086  }
0x1c: {  	p1 =	slt.u32 s9, $0xF7A;
	s5 =	simm.s32 @!p2 $0x0  }
0x1d: {  	s5 =	simm.s32 @p1 $0x1;
	p0 =	seq.s32 s7, s2  }
0x1e: {  	s7 =	smul.u32 @!p0 $0xF7A, s2;
	p2 =	seq.s32 @!p0 s5, $0x0  }
0x1f: {  	s9 =	smul.u32 $0xF7A, s1;
	s8 =	simm.s32 @!p0 $0x1BF5;
	p2 =	por !p2, p0  }
0x20: {  	[sflag:s8] =	ssyncset.s32 @!p0 $0xFFFFF086;
	s6 =	sadd.s32 @!p0 s3, s7;
	s7 =	simm.s32 @!p0 $0x108  }
0x21: {  	s3 =	sadd.s32 s3, s9;
	s6 =	sadd.s32 @!p0 $0x88, s6;
	s7 =	simm.s32 @p2 $0x1082  }
0x22: {  	[simem:s7], [sflag:s8] =	dma.local @!p0 [hbm:s6], $0xF7A  }
0x23: {  	s9 =	sor.u32 $0xD0000000, s2;
	s6 =	simm.s32 $0x108;
	_ =	swait.ge @!p0 [sflag:s8], $0x0  }
0x24: {  	s3 =	sadd.s32 $0x88, s3;
	s6 =	simm.s32 @!p1 $0x1082;
	[sflag:s4] =	ssyncset.s32 $0xFFFFF086  }
0x25: {  	[simem:s6], [sflag:s4] =	dma.local [hbm:s3], $0xF7A  }
0x26: {  	[smem:$0x3F9C] =	sst s1;
	(tag) =	ssettag s2;
	_ =	strace s9  }
0x27: {  	s1 =	sld [smem:$0x3FAC]  }
0x28: {  	s2 =	sld [smem:$0x3FAD]  }
0x29: {  	s4 =	sld [smem:$0x3FAF]  }
0x2a: {  	p0 =	seq.s32 s5, $0x0;
	s5 =	sld [smem:$0x3FB0]  }
0x2b: {  	s6 =	sld [smem:$0x3FB1]  }
0x2c: {  	s7 =	sld [smem:$0x3FB2]  }
0x2d: {  	s3 =	simm.s32 $0x108;
	s8 =	sld [smem:$0x3FB3]  }
0x2e: {  	s3 =	simm.s32 @!p0 $0x1082;
	s9 =	sld [smem:$0x3FB4]  }
0x2f: {  	lr =	sadd.s32 s0, s3;
	s0 =	sld [smem:$0x3FAB]  }
0x30: {  	s3 =	sld [smem:$0x3FAE]  }
0x31: {  	[smem:$0x3FB7] =	sst s10  }
0x32: {  	s10 =	sld [smem:$0x3FB5];
	_ =	sdelay $0x3  }
0x33: {  	p0 =	seq.s32 s10, $0x1;
	s10 =	sld [smem:$0x3FB7];
	_ =	sdelay $0x3  }
0x34: {  	[smem:$0x3FB7] =	sst s10  }
0x35: {  	s10 =	sld [smem:$0x3FB6];
	_ =	sdelay $0x3  }
0x36: {  	p1 =	seq.s32 s10, $0x1;
	s10 =	sld [smem:$0x3FB7];
	_ =	sdelay $0x3  }
0x37: {  	[smem:$0x3FB7] =	sst s10  }
0x38: {  	s10 =	sld [smem:$0x3FB8]  }
0x39: {  	_ = 	snop;
	(pc) =	sbr.ind lr, $3  }
0x3a: {  	_ = 	snop  }
0x3b: {  	_ = 	snop  }
0x3c: {  	p2 =	seq.s32 s10, $0x1;
	s10 =	sld [smem:$0x3FB7]  }
0x3d: {  	_ =	shalt  }
0x3e: {  	_ =	shalt  }
0x3f: {  	_ =	shalt  }
0x40: {  	_ =	shalt  }
0x41: {  	_ =	shalt  }
0x42: {  	_ =	shalt  }
0x43: {  	_ =	shalt  }
0x44: {  	_ =	shalt  }
0x45: {  	_ =	shalt  }
0x46: {  	_ =	shalt  }
0x47: {  	_ =	shalt  }
0x48: {  	_ =	shalt  }
0x49: {  	_ =	shalt  }
0x4a: {  	_ =	shalt  }
0x4b: {  	_ =	shalt  }
0x4c: {  	_ =	shalt  }
0x4d: {  	_ =	shalt  }
0x4e: {  	_ =	shalt  }
0x4f: {  	_ =	shalt  }
0x50: {  	_ =	shalt  }
0x51: {  	_ =	shalt  }
0x52: {  	_ =	shalt  }
0x53: {  	_ =	shalt  }
0x54: {  	_ =	shalt  }
0x55: {  	_ =	shalt  }
0x56: {  	_ =	shalt  }
0x57: {  	_ =	shalt  }
0x58: {  	_ =	shalt  }
0x59: {  	_ =	shalt  }
0x5a: {  	_ =	shalt  }
0x5b: {  	_ =	shalt  }
0x5c: {  	_ =	shalt  }
0x5d: {  	_ =	shalt  }
0x5e: {  	_ =	shalt  }
0x5f: {  	_ =	shalt  }
0x60: {  	_ =	shalt  }
0x61: {  	_ =	shalt  }
0x62: {  	_ =	shalt  }
0x63: {  	_ =	shalt  }
0x64: {  	_ =	shalt  }
0x65: {  	_ =	shalt  }
0x66: {  	_ =	shalt  }
0x67: {  	_ =	shalt  }
0x68: {  	_ =	shalt  }
0x69: {  	_ =	shalt  }
0x6a: {  	_ =	shalt  }
0x6b: {  	_ =	shalt  }
0x6c: {  	_ =	shalt  }
0x6d: {  	_ =	shalt  }
0x6e: {  	_ =	shalt  }
0x6f: {  	_ =	shalt  }
0x70: {  	_ =	shalt  }
0x71: {  	_ =	shalt  }
0x72: {  	_ =	shalt  }
0x73: {  	_ =	shalt  }
0x74: {  	_ =	shalt  }
0x75: {  	_ =	shalt  }
0x76: {  	_ =	shalt  }
0x77: {  	_ =	shalt  }
0x78: {  	_ =	shalt  }
0x79: {  	_ =	shalt  }
0x7a: {  	_ =	shalt  }
0x7b: {  	_ =	shalt  }
0x7c: {  	_ =	shalt  }
0x7d: {  	_ =	shalt  }
0x7e: {  	_ =	shalt  }
0x7f: {  	_ =	shalt  }
0x80: {  	_ =	shalt  }
0x81: {  	_ =	shalt  }
0x82: {  	_ =	shalt  }
0x83: {  	_ =	shalt  }
0x84: {  	_ =	shalt  }
0x85: {  	_ =	shalt  }
0x86: {  	_ =	shalt  }
0x87: {  	_ =	shalt  }
.Lfunc_end0:
.L_simem_size_0:
called_computation_lowered:
.L_overlay_start_0:
0x88: {  	s0 =	sld [smem:$0x3FD9]  }
0x89: {  	s1 =	sld [smem:$0x3FFE];
	_ =	sdelay $0x3  }
0x8a: {  	s0 =	sadd.s32 s1, s0  }
0x8b: {  	[smem:$0x3FC3] =	sst s0  }
0x8c: {  	_ = 	snop  }
0x8d: {  	s0 =	sld [smem:$0x3FD0];
	(tm) =	ssettm $0x1  }
0x8e: {  	s16 =	sld [smem:$0x3FFB];
	_ =	sdelay $0x3  }
0x8f: {  	_ =	strace s16  }
0x90: {  	s1 =	sld [smem:$0x3FFC];
	_ =	sdelay $0x3  }
0x91: {  	_ =	strace s1  }
0x92: {  	s1 =	sld [smem:$0x3FFD];
	_ =	sdelay $0x3  }
0x93: {  	_ =	strace s1  }
0x94: {  	_ =	strace $0x8FFFFFFF  }
0x95: {  	s17 =	sld [smem:$0x3FDB];
	_ =	sdelay $0x1  }
0x96: {  	s2 =	simm.s32 $_scs_section_size  }
0x97: {  	s3 =	simm.s32 $_size__tile_overlayer_lowered;
	s4 =	simm.s32 $_tile_overlayer_lowered  }
0x98: {  	s20 =	simm.s32 $0x1BFF;
	s19 =	sshll.u32 s4, $0x1;
	s1 =	sadd.s32 s2, s17  }
0x99: {  	s5 =	simm.s32 $0x0;
	s18 =	sshll.u32 s3, $0x1;
	s3 =	sadd.s32 s19, s1  }
0x9a: {  	[timem:s5], [sflag:s20] =	dma.local [hbm:s3], s18  }
0x9b: {  	_ =	swait.ge [sflag:s20], s18  }
0x9c: {  	s2 =	ssub.s32 $0x0, s18;
	[sflag:s20] =	ssyncset.done $0x0  }
0x9d: {  	[sflag:s20] =	ssyncadd.s32 s2;
	_ =	sdelay $0x1  }
0x9e: {  	s21 =	simm.s32 $0x1B8B  }
0x9f: {  	_ =	swait.ge [sflag:s21], $0x1  }
0xa0: {  	[sflag:s21] =	ssyncset.done $0x0  }
0xa1: {  	s23 =	simm.s32 $0x1B8E;
	s22 =	sld [smem:$0x3FFE];
	[sflag:s21] =	ssyncadd.s32 $0xFFFFFFFF  }
0xa2: {  	s24 =	simm.s32 $execute0_lowered;
	[smem:$0x3FD2] =	sst s23  }
0xa3: {  	s3 =	sshll.u32 s24, $0x1;
	_ =	strace $0x80000046;
	[dreg:$0x1] =	wrdreg $0xFFFFFFFF  }
0xa4: {  	s25 =	simm.s32 $_size_execute0_lowered;
	s1 =	sadd.s32 s1, s3;
	[dreg:$0x0] =	wrdreg $0x0  }
0xa5: {  	s3 =	sshll.u32 s25, $0x1;
	[dreg:$0x2] =	wrdreg s1  }
0xa6: {  	[dreg:$0x3] =	wrdreg s3  }
0xa7: {  	[dreg:$0x4] =	wrdreg $0xC0  }
0xa8: {  	_ =	task [dreg:s5], $0x5FFFF  }
0xa9: {  	[dreg:$0x1] =	wrdreg $0xFFFFFFFF  }
0xaa: {  	[dreg:$0x0] =	wrdreg $0x60  }
0xab: {  	[dreg:$0x2] =	wrdreg s22  }
0xac: {  	[dreg:$0x3] =	wrdreg s0  }
0xad: {  	[dreg:$0x4] =	wrdreg $0xA  }
0xae: {  	_ =	task.clear_ibuf [dreg:s5], $0x5FFFF;
	_ =	strace $0x90000046  }
0xaf: {  	s26 =	simm.s32 $0xA;
	_ =	strace $0x80000048  }
0xb0: {  	_ =	swait.ge [sflag:s26], $0x1  }
0xb1: {  	[sflag:s26] =	ssyncadd.s32 $0xFFFFFFFF  }
0xb2: {  	_ =	strace $0x90000048  }
0xb3: {  	_ =	sfence  }
0xb4: {  	s28 =	sld [smem:$0x0];
	_ =	sdelay $0x1  }
0xb5: {  	s29 =	srdreg.scid  }
0xb6: {  	s30 =	sshll.u32 s29, $0xD;
	s31 =	sshrl.u32 s29, $0x2  }
0xb7: {  	s2 =	sand.u32 $0x4000, s30;
	s1 =	sand.u32 $0x1, s29;
	s0 =	sadd.s32 s31, s28  }
0xb8: {  	s1 =	sor.u32 s2, s1;
	s0 =	sshll.u32 s0, $0x11  }
0xb9: {  	s0 =	sor.u32 s0, s1  }
0xba: {  	s0 =	sadd.s32 $0x8F2B, s0  }
0xbb: {  	[sflag:s0] =	ssyncadd.remote.s32 $0x1  }
0xbc: {  	_ =	sfence.sel $0xFFFF  }
0xbd: {  	[dreg:$0x0] =	wrdreg $0xFFFFFFFF;
	(pc) =	sbr.abs _section_cstart, $3  }
0xbe: {  	[dreg:$0x1] =	wrdreg $0xFFFFFFFF  }
0xbf: {  	_ =	task.clear_ibuf [dreg:s5], $0x2FFFF;
	_ =	strace $0x9FFFFFFF  }
0xc0: {  	(tm) =	ssettm $0x7FFFFFFF  }
0xc1: {  	_ =	shalt  }
tec
execute0_lowered:
.L_overlay_start_1:
0x0: {  	(tag) =	ssettag $0x1  }
0x1: {  	s4 =	rddreg [dreg:$0x0];
	s0 =	stileid.u32  }
0x2: {  	s2 =	rddreg [dreg:$0x1];
	s3 =	smul.u32 $0x4E2, s0  }
0x3: {  	s1 =	rddreg [dreg:$0x2];
	s5 =	simm.s32 $0x0  }
0x4: {  	[smem:$0x7FF] =	sst s5;
	s4 =	sadd.s32 s3, s4  }
0x5: {  	s31 =	simm.s32 $0x1;
	_ =	strace $0x80000047;
	s4 =	sadd.s32 $0x2C00, s4  }
0x6: {  	[tilespmem:s5], [sflag:$0x1] =	stream.linear.gather [hbm4b:s4+s5], $0x2710, $0x38;
	[tilespmem:$0x4F00] =	vst v63  }
0x7: {  	_ =	swait.ge [sflag:s31], $0x2710  }
0x8: {  	[sflag:s31] =	ssyncset.done $0x0  }
0x9: {  	v0 =	vimm.f32 $0.0e+00;
	s4 =	simm.s32 $0x40;
	s5 =	simm.s32 $0x0;
	[sflag:s31] =	ssyncadd.s32 $0xFFFFD8F0  }
.LBB2_1:
0xa: {  	p0 =	sne.s32 s4, $0x9C00;
	[tilespmem:s5+$0x2780] =	vst v0;
	s5 =	smov.u32 s4;
	s4 =	sadd.s32 $0x40, s4  }
.Ltmp0:
0xb: {  	(pc) =	sbr.rel @p0 .LBB2_1-.Ltmp0, $2  }
0xc: {  	_ =	sdelay $0x2  }
0xd: {  	s5 =	sshra.s32 s5, $0x2  }
0xe: {  	[tilespmem:s5+$0x2780] =	vst v0;
	s4 =	simm.s32 $0x0;
	v0 =	vimm.f32 $1.000000000e+00;
	s5 =	simm.s32 $0x2780  }
.LBB2_3:
0xf: {  	s6 =	sshra.s32 s4, $0x2  }
0x10: {  	v1 =	vld [tilespmem:s6+$0x0];
	_ =	sdelay $0x7  }
0x11: {  	[tilespmem:v1+s5+$0x0] =	vst.idx.add.f32.msk $0xffff, v0  }
0x12: {  	v1 =	vld [tilespmem:s6+$0x10];
	_ =	sdelay $0x7  }
0x13: {  	[tilespmem:v1+s5+$0x0] =	vst.idx.add.f32.msk $0xffff, v0  }
0x14: {  	v1 =	vld [tilespmem:s6+$0x20];
	_ =	sdelay $0x7  }
0x15: {  	[tilespmem:v1+s5+$0x0] =	vst.idx.add.f32.msk $0xffff, v0  }
0x16: {  	v1 =	vld [tilespmem:s6+$0x30];
	_ =	sdelay $0x7  }
0x17: {  	[tilespmem:v1+s5+$0x0] =	vst.idx.add.f32.msk $0xffff, v0  }
0x18: {  	v1 =	vld [tilespmem:s6+$0x40];
	_ =	sdelay $0x2  }
0x19: {  	p0 =	sne.s32 s4, $0x9B00  }
.Ltmp1:
0x1a: {  	_ = 	snop;
	(pc) =	sbr.rel @p0 .LBB2_3-.Ltmp1, $2  }
0x1b: {  	_ =	sdelay $0x2  }
0x1c: {  	s4 =	sadd.s32 $0x140, s4;
	[tilespmem:v1+s5+$0x0] =	vst.idx.add.f32.msk $0xffff, v0  }
0x1d: {  	s2 =	sadd.s32 s2, s3  }
0x1e: {  	s30 =	simm.s32 $0x0;
	s4 =	simm.s32 $0x2780;
	s31 =	simm.s32 $0x1  }
0x1f: {  	[hbm4b:s2+s30] =	stream.linear.scatter [tilespmem:s4], [sflag:$0x1], $0x2710, $0x38;
	[tilespmem:$0x4F00] =	vst v63  }
0x20: {  	_ =	swait.ge [sflag:s31], $0x2710  }
0x21: {  	[sflag:s31] =	ssyncset.done $0x0  }
0x22: {  	[sflag:s31] =	ssyncadd.s32 $0xFFFFD8F0  }
0x23: {  	_ =	sfence.sel $0x180000  }
0x24: {  	[bflag:$0x0] =	sbarrier.arrive $0xFFFF  }
0x25: {  	p0 =	sne.s32 s0, $0x0;
	_ =	strace $0x90000047  }
0x26: {  	s0 =	sadd.s32 @!p0 $0x100000, s1;
	[bflag:$0x2] =	sbarrier.arrive $0xFFFF  }
0x27: {  	[sflag:s0] =	ssyncadd.tile.s32 @!p0 $0x1;
	_ =	shalt  }
.Lfunc_end2:
_tile_overlayer_lowered:
.L_overlay_start_2:
0x28: {  	(tag) =	ssettag $0x2  }
0x29: {  	s0 =	rddreg [dreg:$0x0];
	s2 =	stileid.u32  }
0x2a: {  	s1 =	rddreg [dreg:$0x1];
	p0 =	sne.s32 s2, $0x0  }
0x2b: {  	s3 =	rddreg [dreg:$0x2];
	[bflag:$0x3] =	sbarrier.arrive $0xFFFF;
	s2 =	simm.s32 @!p0 $0x1C01  }
0x2c: {  	[timem:s3], [sflag:s2] =	dma.local @!p0 [hbm:s0], s1  }
0x2d: {  	s0 =	simm.s32 @!p0 $0x1  }
0x2e: {  	_ =	swait.ge @!p0 [sflag:s0], s1  }
0x2f: {  	s1 =	ssub.s32 @!p0 $0x0, s1;
	[sflag:s0] =	ssyncset.done @!p0 $0x0  }
0x30: {  	[sflag:s0] =	ssyncadd.s32 @!p0 s1  }
0x31: {  	[bflag:$0x3] =	sbarrier.arrive $0xFFFF  }
0x32: {  	_ =	shalt  }

</sc_bundles>
